<compile_context>
chip_gen: v7x
topology: tpu7x:2x2x1
jax: 0.10.2.dev20260603
libtpu: 0.0.44.dev20260713+nightly
codegen_flags: <defaults>
</compile_context>

<pallas_src>
import functools

import jax
import jax.numpy as jnp
from jax import lax
from jax.experimental import pallas as pl
from jax.experimental.pallas import tpu as pltpu
from jax.experimental.pallas import tpu_sc as plsc

N = 10000
E = 320000
G = 64
NC, NS = 2, 16
NW = NC * NS
EPT = 10240
E_PAD = EPT * NW
R_TILE = 640
N_ROWS = NS * R_TILE
TRASH = N_ROWS - 8
ZROWS = 64
F32 = jnp.float32


def _sc_agg(D, gather, K, NBUF, dtype=F32):
  CPT = EPT // K
  lanes = 32 if dtype == jnp.bfloat16 else 16
  mesh = plsc.VectorSubcoreMesh(core_axis_name="c", subcore_axis_name="s")
  scratch = [
      pltpu.VMEM((CPT, K), jnp.int32),
      pltpu.VMEM((K, D), dtype),
      pltpu.VMEM((ZROWS, D), dtype),
      pltpu.VMEM_SHARED((N_ROWS, D), dtype),
      pltpu.SemaphoreType.DMA,
  ]
  if gather:
    scratch = ([pltpu.VMEM((CPT, K), jnp.int32)] + scratch
               + [pltpu.VMEM((K, D), dtype)] * (NBUF - 1)
               + [pltpu.SemaphoreType.DMA] * (2 * NBUF - 1))

  @functools.partial(
      pl.kernel,
      out_type=jax.ShapeDtypeStruct((NC, N_ROWS, D), dtype),
      mesh=mesh,
      scratch_types=scratch,
      compiler_params=pltpu.CompilerParams(use_tc_tiling_on_sc=False),
  )
  def body(*refs):
    if gather:
      (u_hbm, src_hbm, dst_hbm, out_hbm,
       idx_s, idx_d, buf, zbuf, acc, sem) = refs[:10]
      bufs = (buf,) + refs[10:10 + NBUF - 1]
      gsems = (sem,) + refs[10 + NBUF - 1:10 + 2 * (NBUF - 1)]
      ssems = refs[10 + 2 * (NBUF - 1):]
    else:
      dst_hbm, out_hbm, idx_d, buf, zbuf, acc, sem = refs
    c = lax.axis_index("c")
    s = lax.axis_index("s")
    wid = c * NS + s

    nvec = D // lanes

    def fill(ref, rows, val):
      def w(i, _):
        r = i // nvec
        col = (i % nvec) * lanes
        ref[r, pl.ds(col, lanes)] = jnp.full((lanes,), val, dtype)
        return 0
      lax.fori_loop(0, rows * nvec, w, 0)

    fill(zbuf, ZROWS, 0.0)
    def zcopy(k, _):
      pltpu.sync_copy(zbuf, acc.at[pl.ds(s * R_TILE + k * ZROWS, ZROWS)])
      return 0
    lax.fori_loop(0, R_TILE // ZROWS, zcopy, 0)
    if not gather:
      fill(buf, K, 1.0)
    pltpu.sync_copy(dst_hbm.at[pl.ds(wid * CPT, CPT)], idx_d)
    if gather:
      pltpu.sync_copy(src_hbm.at[pl.ds(wid * CPT, CPT)], idx_s)
    plsc.subcore_barrier()

    if gather:
      NG = CPT // NBUF

      def gath(b, t):
        return pltpu.make_async_copy(u_hbm.at[idx_s.at[b + t]],
                                     bufs[t], gsems[t])

      def scat(b, t):
        return pltpu.make_async_copy(bufs[t], acc.at[idx_d.at[b + t]],
                                     ssems[t])

      for t in range(NBUF):
        gath(0, t).start()

      def group(j, _):
        base = j * NBUF
        for t in range(NBUF):
          gath(base, t).wait()
          scat(base, t).start(add=True)

        @pl.when(j < NG - 1)
        def _():
          for t in range(NBUF):
            scat(base, t).wait()
            gath(base + NBUF, t).start()
        return 0
      lax.fori_loop(0, NG, group, 0)
      for t in range(NBUF):
        scat((NG - 1) * NBUF, t).wait()
    else:
      def chunk(i, _):
        pltpu.sync_copy(buf, acc.at[idx_d.at[i]], add=True)
        return 0
      lax.fori_loop(0, CPT, chunk, 0)
    plsc.subcore_barrier()
    pltpu.sync_copy(acc.at[pl.ds(s * R_TILE, R_TILE)],
                    out_hbm.at[c, pl.ds(s * R_TILE, R_TILE)])

  return body


_deg_sc = _sc_agg(16, gather=False, K=256, NBUF=1)
_agg64_sc = _sc_agg(64, gather=True, K=256, NBUF=4, dtype=jnp.bfloat16)
_agg16_sc = _sc_agg(16, gather=True, K=256, NBUF=8, dtype=jnp.bfloat16)


def _tc(body, out_shapes):
  return pl.pallas_call(body, out_shape=out_shapes)


def _mm_body(x_ref, w_ref, o_ref):
  o_ref[...] = jnp.dot(x_ref[...], w_ref[...], preferred_element_type=F32)


def _prep_body(dp_ref, xw_ref, dis_ref, u_ref):
  deg = (jnp.max(dp_ref[0, :N, :], axis=1, keepdims=True)
         + jnp.max(dp_ref[1, :N, :], axis=1, keepdims=True) + 1.0)
  dis = lax.rsqrt(jnp.maximum(deg, 1e-12))
  dis_ref[...] = dis
  u_ref[...] = xw_ref[...] * dis


def _bn_relu(t, g, be):
  mu = jnp.mean(t, axis=0, keepdims=True)
  xc = t - mu
  var = jnp.mean(xc * xc, axis=0, keepdims=True)
  return jnp.maximum(xc * lax.rsqrt(var + 1e-5) * g + be, 0.0)


def _l1_body(p_ref, u1_ref, dis_ref, b_ref, g_ref, be_ref, u2_ref):
  dis = dis_ref[...]
  agg = (p_ref[0, :N, :].astype(F32) + p_ref[1, :N, :].astype(F32)
         + u1_ref[...])
  t = dis * agg + b_ref[...]
  u2_ref[...] = _bn_relu(t, g_ref[...], be_ref[...]) * dis


def _l2_body(q_ref, u2_ref, dis_ref, w2_ref, b2_ref, g2_ref, be2_ref,
             w3_ref, u3_ref):
  dis = dis_ref[...]
  aggpre = dis * (q_ref[0, :N, :].astype(F32) + q_ref[1, :N, :].astype(F32)
                  + u2_ref[...])
  t = jnp.dot(aggpre, w2_ref[...], preferred_element_type=F32) + b2_ref[...]
  h2 = _bn_relu(t, g2_ref[...], be2_ref[...])
  u3_ref[...] = jnp.dot(h2, w3_ref[...], preferred_element_type=F32) * dis


def _fin_body(r_ref, u3_ref, dis_ref, b3_ref, batch_ref, o_ref):
  h3 = dis_ref[...] * (r_ref[0, :N, :].astype(F32)
                       + r_ref[1, :N, :].astype(F32) + u3_ref[...]) \
      + b3_ref[...]
  gid = lax.broadcasted_iota(jnp.int32, (N, G), 1)
  oh = (gid == batch_ref[...]).astype(F32)
  dn = (((0,), (0,)), ((), ()))
  sums = lax.dot_general(oh, h3, dn, preferred_element_type=F32)
  counts = lax.dot_general(oh, jnp.ones((N, 1), F32), dn,
                           preferred_element_type=F32)
  pooled = sums / jnp.maximum(counts, 1.0)
  lane = lax.broadcasted_iota(jnp.int32, (G, 16), 1)
  valid = lane < 10
  xm = jnp.where(valid, pooled, -1e30)
  mx = jnp.max(xm, axis=1, keepdims=True)
  ex = jnp.where(valid, jnp.exp(xm - mx), 0.0)
  lse = jnp.log(jnp.sum(ex, axis=1, keepdims=True))
  o_ref[...] = xm - mx - lse


def kernel(x, edge_index, batch, W1, b1, g1, be1, W2, b2, g2, be2, W3, b3):
  src = edge_index[0]
  dst = edge_index[1]
  pad = E_PAD - E
  srcp = jnp.concatenate([src, jnp.zeros((pad,), jnp.int32)]).reshape(-1, 256)
  dstp = jnp.concatenate([dst, jnp.full((pad,), TRASH, jnp.int32)]
                         ).reshape(-1, 256)

  dp = _deg_sc(dstp)
  xw1 = _tc(_mm_body, jax.ShapeDtypeStruct((N, 64), F32))(x, W1)
  dis, u1 = _tc(_prep_body, (jax.ShapeDtypeStruct((N, 1), F32),
                             jax.ShapeDtypeStruct((N, 64), F32)))(dp, xw1)
  p = _agg64_sc(u1.astype(jnp.bfloat16), srcp, dstp)
  u2 = _tc(_l1_body, jax.ShapeDtypeStruct((N, 64), F32))(
      p, u1, dis, b1.reshape(1, -1), g1.reshape(1, -1), be1.reshape(1, -1))
  q = _agg64_sc(u2.astype(jnp.bfloat16), srcp, dstp)
  w3p = jnp.pad(W3, ((0, 0), (0, 6)))
  u3 = _tc(_l2_body, jax.ShapeDtypeStruct((N, 16), F32))(
      q, u2, dis, W2, b2.reshape(1, -1), g2.reshape(1, -1),
      be2.reshape(1, -1), w3p)
  r = _agg16_sc(u3.astype(jnp.bfloat16), srcp, dstp)
  b3p = jnp.pad(b3, (0, 6)).reshape(1, -1)
  out = _tc(_fin_body, jax.ShapeDtypeStruct((G, 16), F32))(
      r, u3, dis, b3p, batch[:, None])
  return out[:, :10]

# --- scband reference (transcript-rebuilt; emitter-appended) ---
"""Pipeline reference for scband-gcn-7481833030015 (READ-ONLY COPY).

The authoritative reference and input builder live on the scoring server;
editing this copy changes nothing except your own understanding.
"""

import jax, jax.numpy as jnp
import numpy as np

N = 10000
E = 320000
F_IN = 128
H1 = 64
H2 = 128
C = 10
G = 64


def setup_inputs(seed: int = 0) -> dict:
    key = jax.random.key(seed)
    ks = jax.random.split(key, 8)
    x = jax.random.normal(ks[0], (N, F_IN), dtype=jnp.float32)
    edge_index = jax.random.randint(ks[1], (2, E), 0, N, dtype=jnp.int32)
    batch = jnp.sort(jax.random.randint(ks[2], (N,), 0, G, dtype=jnp.int32))
    W1 = jax.random.normal(ks[3], (F_IN, H1), dtype=jnp.float32) * (1.0 / np.sqrt(F_IN))
    b1 = jnp.zeros((H1,), dtype=jnp.float32)
    g1 = jnp.ones((H1,), dtype=jnp.float32)
    be1 = jnp.zeros((H1,), dtype=jnp.float32)
    W2 = jax.random.normal(ks[4], (H1, H2), dtype=jnp.float32) * (1.0 / np.sqrt(H1))
    b2 = jnp.zeros((H2,), dtype=jnp.float32)
    g2 = jnp.ones((H2,), dtype=jnp.float32)
    be2 = jnp.zeros((H2,), dtype=jnp.float32)
    W3 = jax.random.normal(ks[5], (H2, C), dtype=jnp.float32) * (1.0 / np.sqrt(H2))
    b3 = jnp.zeros((C,), dtype=jnp.float32)
    return {"x": x, "edge_index": edge_index, "batch": batch,
            "W1": W1, "b1": b1, "g1": g1, "be1": be1,
            "W2": W2, "b2": b2, "g2": g2, "be2": be2,
            "W3": W3, "b3": b3}


def _gcn_conv(x, src, dst, W, b, num_nodes):
    # GCNConv: D^{-1/2} (A + I) D^{-1/2} X W + b
    loop = jnp.arange(num_nodes, dtype=src.dtype)
    s = jnp.concatenate([src, loop])
    d = jnp.concatenate([dst, loop])
    deg = jnp.zeros((num_nodes,), dtype=x.dtype).at[d].add(1.0)
    dis = jax.lax.rsqrt(jnp.maximum(deg, 1e-12))
    norm = dis[s] * dis[d]
    xw = x @ W
    msg = xw[s] * norm[:, None]
    out = jnp.zeros((num_nodes, W.shape[1]), dtype=x.dtype).at[d].add(msg)
    return out + b


def _bn(x, gamma, beta, eps=1e-5):
    # BatchNorm1d in training mode: batch statistics, biased variance
    mu = jnp.mean(x, axis=0)
    var = jnp.var(x, axis=0)
    return (x - mu) * jax.lax.rsqrt(var + eps) * gamma + beta


def reference(x, edge_index, batch, W1, b1, g1, be1, W2, b2, g2, be2, W3, b3):
    src = edge_index[0]
    dst = edge_index[1]
    h = jax.nn.relu(_bn(_gcn_conv(x, src, dst, W1, b1, N), g1, be1))
    # dropout treated as identity (deterministic reference)
    h = jax.nn.relu(_bn(_gcn_conv(h, src, dst, W2, b2, N), g2, be2))
    h = _gcn_conv(h, src, dst, W3, b3, N)
    sums = jax.ops.segment_sum(h, batch, num_segments=G)
    counts = jax.ops.segment_sum(jnp.ones((N,), dtype=h.dtype), batch, num_segments=G)
    pooled = sums / jnp.maximum(counts, 1.0)[:, None]
    return jax.nn.log_softmax(pooled, axis=1)

if __name__ == "__main__":
    import jax
    _d = setup_inputs()
    print(jax.jit(kernel)(*tuple(_d.values())))

</pallas_src>

<mosaic_0001>
#map = affine_map<(d0, d1) -> (0, 0)>
#map1 = affine_map<(d0, d1) -> (0, 0, 0)>
module attributes {stable_mosaic.version = 14 : i64} {
  func.func @body(%arg0: i32, %arg1: i32, %arg2: memref<1280x256xi32, #tpu.memory_space<hbm>>, %arg3: memref<2x10240x16xf32, #tpu.memory_space<hbm>>, %arg4: memref<40x256xi32, #tpu.memory_space<vmem>>, %arg5: memref<256x16xf32, #tpu.memory_space<vmem>>, %arg6: memref<64x16xf32, #tpu.memory_space<vmem>>, %arg7: memref<10240x16xf32, #tpu.memory_space<vmem_shared>>, %arg8: memref<!tpu.dma_semaphore, #tpu.memory_space<semaphore_mem>>) attributes {dimension_semantics = [#tpu.dimension_semantics<core_parallel>, #tpu.dimension_semantics<subcore_parallel>], iteration_bounds = array<i64: 2, 16>, scalar_prefetch = 0 : i64, scratch_operands = 5 : i64, tpu.core_type = #tpu.core_type<sc_vector_subcore>, window_params = [{transform_indices = #map}, {transform_indices = #map1}]} {
    %mul3A = arith.constant 16 : i32
    %mul3A_0 = arith.muli %arg0, %mul3A : i32
    %add3A = arith.addi %mul3A_0, %arg1 : i32
    %scan3A = arith.constant 0 : i32
    %scan3A_1 = arith.constant 0 : i32
    %scan3A_2 = arith.constant 64 : i32
    %scan3A_3 = arith.addi %scan3A_1, %scan3A_2 : i32
    %scan3A_4 = arith.constant 1 : i32
    %scan3A_5 = scf.for %scan3A_35 = %scan3A_1 to %scan3A_3 step %scan3A_4 iter_args(%scan3A_36 = %scan3A) -> (i32)  : i32 {
      %jit3A = arith.constant 1 : i32
      %div3A = arith.divsi %scan3A_35, %jit3A : i32
      %sign3A = arith.constant 0 : i32
      %sign3A_37 = arith.cmpi sgt, %scan3A_35, %sign3A : i32
      %sign3A_38 = arith.extui %sign3A_37 : i1 to i32
      %sign3A_39 = arith.constant 0 : i32
      %sign3A_40 = arith.cmpi slt, %scan3A_35, %sign3A_39 : i32
      %sign3A_41 = arith.extui %sign3A_40 : i1 to i32
      %sign3A_42 = arith.subi %sign3A_38, %sign3A_41 : i32
      %sign3A_43 = arith.constant 0 : i32
      %sign3A_44 = arith.cmpi sgt, %jit3A, %sign3A_43 : i32
      %sign3A_45 = arith.extui %sign3A_44 : i1 to i32
      %sign3A_46 = arith.constant 0 : i32
      %sign3A_47 = arith.cmpi slt, %jit3A, %sign3A_46 : i32
      %sign3A_48 = arith.extui %sign3A_47 : i1 to i32
      %sign3A_49 = arith.subi %sign3A_45, %sign3A_48 : i32
      %ne3A = arith.cmpi ne, %sign3A_42, %sign3A_49 : i32
      %rem3A = arith.remsi %scan3A_35, %jit3A : i32
      %ne3A_50 = arith.constant 0 : i32
      %ne3A_51 = arith.cmpi ne, %rem3A, %ne3A_50 : i32
      %and3A = arith.andi %ne3A, %ne3A_51 : i1
      %sub3A = arith.constant 1 : i32
      %sub3A_52 = arith.subi %div3A, %sub3A : i32
      %select_n3A = arith.select %and3A, %sub3A_52, %div3A : i32
      %jit3A_53 = arith.constant 1 : i32
      %eq3A = arith.constant 0 : i32
      %eq3A_54 = arith.cmpi eq, %jit3A_53, %eq3A : i32
      %jit3A_55 = arith.constant 1 : i32
      %select_n3A_56 = arith.select %eq3A_54, %jit3A_55, %jit3A_53 : i32
      %rem3A_57 = arith.remsi %scan3A_35, %select_n3A_56 : i32
      %ne3A_58 = arith.constant 0 : i32
      %ne3A_59 = arith.cmpi ne, %rem3A_57, %ne3A_58 : i32
      %lt3A = arith.constant 0 : i32
      %lt3A_60 = arith.cmpi slt, %rem3A_57, %lt3A : i32
      %lt3A_61 = arith.constant 0 : i32
      %lt3A_62 = arith.cmpi slt, %select_n3A_56, %lt3A_61 : i32
      %ne3A_63 = arith.xori %lt3A_60, %lt3A_62 : i1
      %and3A_64 = arith.andi %ne3A_63, %ne3A_59 : i1
      %add3A_65 = arith.addi %rem3A_57, %select_n3A_56 : i32
      %select_n3A_66 = arith.select %and3A_64, %add3A_65, %rem3A_57 : i32
      %mul3A_67 = arith.constant 16 : i32
      %mul3A_68 = arith.muli %select_n3A_66, %mul3A_67 : i32
      %broadcast_in_dim3A = arith.constant 0.000000e+00 : f32
      %broadcast_in_dim3A_69 = vector.broadcast %broadcast_in_dim3A : f32 to vector<16xf32>
      %swap3A = arith.index_cast %select_n3A : i32 to index
      %swap3A_70 = arith.index_cast %mul3A_68 : i32 to index
      %swap3A_71 = tpu.vector_load %arg6[%swap3A, %swap3A_70] {strides = array<i32>} : memref<64x16xf32, #tpu.memory_space<vmem>>, vector<1x16xf32>,
      %swap3A_72 = vector.shape_cast %swap3A_71 : vector<1x16xf32> to vector<16xf32>
      %swap3A_73 = vector.shape_cast %broadcast_in_dim3A_69 : vector<16xf32> to vector<1x16xf32>
      tpu.vector_store %arg6[%swap3A, %swap3A_70], %swap3A_73 {strides = array<i32>} : memref<64x16xf32, #tpu.memory_space<vmem>>, vector<1x16xf32>,
      %scan3A_74 = arith.constant 0 : i32
      scf.yield %scan3A_74 : i32
    }
    %scan3A_6 = arith.constant 64 : i32
    %scan3A_7 = arith.constant 0 : i32
    %scan3A_8 = arith.constant 0 : i32
    %scan3A_9 = arith.constant 10 : i32
    %scan3A_10 = arith.addi %scan3A_8, %scan3A_9 : i32
    %scan3A_11 = arith.constant 1 : i32
    %scan3A_12 = scf.for %scan3A_35 = %scan3A_8 to %scan3A_10 step %scan3A_11 iter_args(%scan3A_36 = %scan3A_7) -> (i32)  : i32 {
      %mul3A_37 = arith.constant 640 : i32
      %mul3A_38 = arith.muli %arg1, %mul3A_37 : i32
      %mul3A_39 = arith.constant 64 : i32
      %mul3A_40 = arith.muli %scan3A_35, %mul3A_39 : i32
      %add3A_41 = arith.addi %mul3A_38, %mul3A_40 : i32
      "tpu.region"() ({
        %run_scoped3A = tpu.sem_alloc : memref<!tpu.dma_semaphore, #tpu.memory_space<semaphore_mem>>
        %dma_start3A = arith.constant 0 : i32
        %dma_start3A_43 = tpu.memref_slice %arg7[%add3A_41, %dma_start3A] : memref<10240x16xf32, #tpu.memory_space<vmem_shared>> -> memref<64x16xf32, #tpu.memory_space<vmem_shared>>
        %dma_start3A_44 = arith.constant 0 : i32
        %dma_start3A_45 = tpu.memref_slice %arg7[%add3A_41, %dma_start3A_44] : memref<10240x16xf32, #tpu.memory_space<vmem_shared>> -> memref<64x16xf32, #tpu.memory_space<vmem_shared>>
        tpu.enqueue_dma source(%arg6 : memref<64x16xf32, #tpu.memory_space<vmem>>) target(%dma_start3A_45 : memref<64x16xf32, #tpu.memory_space<vmem_shared>>) target_semaphore(%run_scoped3A : memref<!tpu.dma_semaphore, #tpu.memory_space<semaphore_mem>>)
        %dma_wait3A = arith.constant 0 : i32
        %dma_wait3A_46 = tpu.memref_slice %arg7[%add3A_41, %dma_wait3A] : memref<10240x16xf32, #tpu.memory_space<vmem_shared>> -> memref<64x16xf32, #tpu.memory_space<vmem_shared>>
        %dma_wait3A_47 = arith.constant 0 : i32
        %dma_wait3A_48 = tpu.memref_slice %arg7[%add3A_41, %dma_wait3A_47] : memref<10240x16xf32, #tpu.memory_space<vmem_shared>> -> memref<64x16xf32, #tpu.memory_space<vmem_shared>>
        tpu.wait_dma2 semaphore(%run_scoped3A : memref<!tpu.dma_semaphore, #tpu.memory_space<semaphore_mem>>) src(%arg6 : memref<64x16xf32, #tpu.memory_space<vmem>>) dst(%dma_wait3A_48 : memref<64x16xf32, #tpu.memory_space<vmem_shared>>)
        tpu.yield
      }) : () -> ()
      %scan3A_42 = arith.constant 0 : i32
      scf.yield %scan3A_42 : i32
    }
    %scan3A_13 = arith.constant 10 : i32
    %scan3A_14 = arith.constant 0 : i32
    %scan3A_15 = arith.constant 0 : i32
    %scan3A_16 = arith.constant 256 : i32
    %scan3A_17 = arith.addi %scan3A_15, %scan3A_16 : i32
    %scan3A_18 = arith.constant 1 : i32
    %scan3A_19 = scf.for %scan3A_35 = %scan3A_15 to %scan3A_17 step %scan3A_18 iter_args(%scan3A_36 = %scan3A_14) -> (i32)  : i32 {
      %jit3A = arith.constant 1 : i32
      %div3A = arith.divsi %scan3A_35, %jit3A : i32
      %sign3A = arith.constant 0 : i32
      %sign3A_37 = arith.cmpi sgt, %scan3A_35, %sign3A : i32
      %sign3A_38 = arith.extui %sign3A_37 : i1 to i32
      %sign3A_39 = arith.constant 0 : i32
      %sign3A_40 = arith.cmpi slt, %scan3A_35, %sign3A_39 : i32
      %sign3A_41 = arith.extui %sign3A_40 : i1 to i32
      %sign3A_42 = arith.subi %sign3A_38, %sign3A_41 : i32
      %sign3A_43 = arith.constant 0 : i32
      %sign3A_44 = arith.cmpi sgt, %jit3A, %sign3A_43 : i32
      %sign3A_45 = arith.extui %sign3A_44 : i1 to i32
      %sign3A_46 = arith.constant 0 : i32
      %sign3A_47 = arith.cmpi slt, %jit3A, %sign3A_46 : i32
      %sign3A_48 = arith.extui %sign3A_47 : i1 to i32
      %sign3A_49 = arith.subi %sign3A_45, %sign3A_48 : i32
      %ne3A = arith.cmpi ne, %sign3A_42, %sign3A_49 : i32
      %rem3A = arith.remsi %scan3A_35, %jit3A : i32
      %ne3A_50 = arith.constant 0 : i32
      %ne3A_51 = arith.cmpi ne, %rem3A, %ne3A_50 : i32
      %and3A = arith.andi %ne3A, %ne3A_51 : i1
      %sub3A = arith.constant 1 : i32
      %sub3A_52 = arith.subi %div3A, %sub3A : i32
      %select_n3A = arith.select %and3A, %sub3A_52, %div3A : i32
      %jit3A_53 = arith.constant 1 : i32
      %eq3A = arith.constant 0 : i32
      %eq3A_54 = arith.cmpi eq, %jit3A_53, %eq3A : i32
      %jit3A_55 = arith.constant 1 : i32
      %select_n3A_56 = arith.select %eq3A_54, %jit3A_55, %jit3A_53 : i32
      %rem3A_57 = arith.remsi %scan3A_35, %select_n3A_56 : i32
      %ne3A_58 = arith.constant 0 : i32
      %ne3A_59 = arith.cmpi ne, %rem3A_57, %ne3A_58 : i32
      %lt3A = arith.constant 0 : i32
      %lt3A_60 = arith.cmpi slt, %rem3A_57, %lt3A : i32
      %lt3A_61 = arith.constant 0 : i32
      %lt3A_62 = arith.cmpi slt, %select_n3A_56, %lt3A_61 : i32
      %ne3A_63 = arith.xori %lt3A_60, %lt3A_62 : i1
      %and3A_64 = arith.andi %ne3A_63, %ne3A_59 : i1
      %add3A_65 = arith.addi %rem3A_57, %select_n3A_56 : i32
      %select_n3A_66 = arith.select %and3A_64, %add3A_65, %rem3A_57 : i32
      %mul3A_67 = arith.constant 16 : i32
      %mul3A_68 = arith.muli %select_n3A_66, %mul3A_67 : i32
      %broadcast_in_dim3A = arith.constant 1.000000e+00 : f32
      %broadcast_in_dim3A_69 = vector.broadcast %broadcast_in_dim3A : f32 to vector<16xf32>
      %swap3A = arith.index_cast %select_n3A : i32 to index
      %swap3A_70 = arith.index_cast %mul3A_68 : i32 to index
      %swap3A_71 = tpu.vector_load %arg5[%swap3A, %swap3A_70] {strides = array<i32>} : memref<256x16xf32, #tpu.memory_space<vmem>>, vector<1x16xf32>,
      %swap3A_72 = vector.shape_cast %swap3A_71 : vector<1x16xf32> to vector<16xf32>
      %swap3A_73 = vector.shape_cast %broadcast_in_dim3A_69 : vector<16xf32> to vector<1x16xf32>
      tpu.vector_store %arg5[%swap3A, %swap3A_70], %swap3A_73 {strides = array<i32>} : memref<256x16xf32, #tpu.memory_space<vmem>>, vector<1x16xf32>,
      %scan3A_74 = arith.constant 0 : i32
      scf.yield %scan3A_74 : i32
    }
    %scan3A_20 = arith.constant 256 : i32
    %mul3A_21 = arith.constant 40 : i32
    %mul3A_22 = arith.muli %add3A, %mul3A_21 : i32
    "tpu.region"() ({
      %run_scoped3A = tpu.sem_alloc : memref<!tpu.dma_semaphore, #tpu.memory_space<semaphore_mem>>
      %dma_start3A = arith.constant 0 : i32
      %dma_start3A_35 = tpu.memref_slice %arg2[%mul3A_22, %dma_start3A] : memref<1280x256xi32, #tpu.memory_space<hbm>> -> memref<40x256xi32, #tpu.memory_space<hbm>>
      %dma_start3A_36 = arith.constant 0 : i32
      %dma_start3A_37 = tpu.memref_slice %arg2[%mul3A_22, %dma_start3A_36] : memref<1280x256xi32, #tpu.memory_space<hbm>> -> memref<40x256xi32, #tpu.memory_space<hbm>>
      tpu.enqueue_dma source(%dma_start3A_37 : memref<40x256xi32, #tpu.memory_space<hbm>>) target(%arg4 : memref<40x256xi32, #tpu.memory_space<vmem>>) target_semaphore(%run_scoped3A : memref<!tpu.dma_semaphore, #tpu.memory_space<semaphore_mem>>)
      %dma_wait3A = arith.constant 0 : i32
      %dma_wait3A_38 = tpu.memref_slice %arg2[%mul3A_22, %dma_wait3A] : memref<1280x256xi32, #tpu.memory_space<hbm>> -> memref<40x256xi32, #tpu.memory_space<hbm>>
      %dma_wait3A_39 = arith.constant 0 : i32
      %dma_wait3A_40 = tpu.memref_slice %arg2[%mul3A_22, %dma_wait3A_39] : memref<1280x256xi32, #tpu.memory_space<hbm>> -> memref<40x256xi32, #tpu.memory_space<hbm>>
      tpu.wait_dma2 semaphore(%run_scoped3A : memref<!tpu.dma_semaphore, #tpu.memory_space<semaphore_mem>>) src(%dma_wait3A_40 : memref<40x256xi32, #tpu.memory_space<hbm>>) dst(%arg4 : memref<40x256xi32, #tpu.memory_space<vmem>>)
      tpu.yield
    }) : () -> ()
    %barrier3A = arith.constant 0 : index
    tpu.barrier barrier_id(%barrier3A)
    %scan3A_23 = arith.constant 0 : i32
    %scan3A_24 = arith.constant 0 : i32
    %scan3A_25 = arith.constant 40 : i32
    %scan3A_26 = arith.addi %scan3A_24, %scan3A_25 : i32
    %scan3A_27 = arith.constant 1 : i32
    %scan3A_28 = scf.for %scan3A_35 = %scan3A_24 to %scan3A_26 step %scan3A_27 iter_args(%scan3A_36 = %scan3A_23) -> (i32)  : i32 {
      "tpu.region"() ({
        %run_scoped3A = tpu.sem_alloc : memref<!tpu.dma_semaphore, #tpu.memory_space<semaphore_mem>>
        %dma_start3A = arith.constant 0 : i32
        %dma_start3A_38 = tpu.memref_slice %arg4[%scan3A_35, %dma_start3A] : memref<40x256xi32, #tpu.memory_space<vmem>> -> memref<1x256xi32, #tpu.memory_space<vmem>>
        %dma_start3A_39 = tpu.memref_squeeze %dma_start3A_38 : memref<1x256xi32, #tpu.memory_space<vmem>> -> memref<256xi32, #tpu.memory_space<vmem>>
        %dma_start3A_40 = arith.constant 0 : i32
        %dma_start3A_41 = arith.constant 0 : i32
        %dma_start3A_42 = tpu.memref_slice %arg7[%dma_start3A_40, %dma_start3A_41] : memref<10240x16xf32, #tpu.memory_space<vmem_shared>> -> memref<10240x16xf32, #tpu.memory_space<vmem_shared>>
        tpu.enqueue_indirect_dma source(%arg5 : memref<256x16xf32, #tpu.memory_space<vmem>>) target(%dma_start3A_42 : memref<10240x16xf32, #tpu.memory_space<vmem_shared>>) offsets(%dma_start3A_39 : memref<256xi32, #tpu.memory_space<vmem>>) semaphore(%run_scoped3A : memref<!tpu.dma_semaphore, #tpu.memory_space<semaphore_mem>>) {add = true}
        %dma_wait3A = arith.constant 0 : i32
        %dma_wait3A_43 = tpu.memref_slice %arg4[%scan3A_35, %dma_wait3A] : memref<40x256xi32, #tpu.memory_space<vmem>> -> memref<1x256xi32, #tpu.memory_space<vmem>>
        %dma_wait3A_44 = tpu.memref_squeeze %dma_wait3A_43 : memref<1x256xi32, #tpu.memory_space<vmem>> -> memref<256xi32, #tpu.memory_space<vmem>>
        %dma_wait3A_45 = arith.constant 0 : i32
        %dma_wait3A_46 = arith.constant 0 : i32
        %dma_wait3A_47 = tpu.memref_slice %arg7[%dma_wait3A_45, %dma_wait3A_46] : memref<10240x16xf32, #tpu.memory_space<vmem_shared>> -> memref<10240x16xf32, #tpu.memory_space<vmem_shared>>
        tpu.wait_indirect_dma semaphore(%run_scoped3A : memref<!tpu.dma_semaphore, #tpu.memory_space<semaphore_mem>>) src(%arg5 : memref<256x16xf32, #tpu.memory_space<vmem>>) dst(%dma_wait3A_47 : memref<10240x16xf32, #tpu.memory_space<vmem_shared>>)
        tpu.yield
      }) : () -> ()
      %scan3A_37 = arith.constant 0 : i32
      scf.yield %scan3A_37 : i32
    }
    %scan3A_29 = arith.constant 40 : i32
    %barrier3A_30 = arith.constant 0 : index
    tpu.barrier barrier_id(%barrier3A_30)
    %mul3A_31 = arith.constant 640 : i32
    %mul3A_32 = arith.muli %arg1, %mul3A_31 : i32
    %mul3A_33 = arith.constant 640 : i32
    %mul3A_34 = arith.muli %arg1, %mul3A_33 : i32
    "tpu.region"() ({
      %run_scoped3A = tpu.sem_alloc : memref<!tpu.dma_semaphore, #tpu.memory_space<semaphore_mem>>
      %dma_start3A = arith.constant 0 : i32
      %dma_start3A_35 = tpu.memref_slice %arg3[%arg0, %mul3A_34, %dma_start3A] : memref<2x10240x16xf32, #tpu.memory_space<hbm>> -> memref<1x640x16xf32, #tpu.memory_space<hbm>>
      %dma_start3A_36 = tpu.memref_squeeze %dma_start3A_35 : memref<1x640x16xf32, #tpu.memory_space<hbm>> -> memref<640x16xf32, #tpu.memory_space<hbm>>
      %dma_start3A_37 = arith.constant 0 : i32
      %dma_start3A_38 = tpu.memref_slice %arg7[%mul3A_32, %dma_start3A_37] : memref<10240x16xf32, #tpu.memory_space<vmem_shared>> -> memref<640x16xf32, #tpu.memory_space<vmem_shared>>
      tpu.enqueue_dma source(%dma_start3A_38 : memref<640x16xf32, #tpu.memory_space<vmem_shared>>) target(%dma_start3A_36 : memref<640x16xf32, #tpu.memory_space<hbm>>) target_semaphore(%run_scoped3A : memref<!tpu.dma_semaphore, #tpu.memory_space<semaphore_mem>>)
      %dma_wait3A = arith.constant 0 : i32
      %dma_wait3A_39 = tpu.memref_slice %arg3[%arg0, %mul3A_34, %dma_wait3A] : memref<2x10240x16xf32, #tpu.memory_space<hbm>> -> memref<1x640x16xf32, #tpu.memory_space<hbm>>
      %dma_wait3A_40 = tpu.memref_squeeze %dma_wait3A_39 : memref<1x640x16xf32, #tpu.memory_space<hbm>> -> memref<640x16xf32, #tpu.memory_space<hbm>>
      %dma_wait3A_41 = arith.constant 0 : i32
      %dma_wait3A_42 = tpu.memref_slice %arg7[%mul3A_32, %dma_wait3A_41] : memref<10240x16xf32, #tpu.memory_space<vmem_shared>> -> memref<640x16xf32, #tpu.memory_space<vmem_shared>>
      tpu.wait_dma2 semaphore(%run_scoped3A : memref<!tpu.dma_semaphore, #tpu.memory_space<semaphore_mem>>) src(%dma_wait3A_42 : memref<640x16xf32, #tpu.memory_space<vmem_shared>>) dst(%dma_wait3A_40 : memref<640x16xf32, #tpu.memory_space<hbm>>)
      tpu.yield
    }) : () -> ()
    return
  }
}

#map = affine_map<(d0, d1) -> (0, 0)>
#map1 = affine_map<(d0, d1) -> (0, 0, 0)>
module attributes {stable_mosaic.version = 14 : i64} {
  func.func @body(%arg0: i32, %arg1: i32, %arg2: memref<10000x64xbf16, #tpu.memory_space<hbm>>, %arg3: memref<1280x256xi32, #tpu.memory_space<hbm>>, %arg4: memref<1280x256xi32, #tpu.memory_space<hbm>>, %arg5: memref<2x10240x64xbf16, #tpu.memory_space<hbm>>, %arg6: memref<40x256xi32, #tpu.memory_space<vmem>>, %arg7: memref<40x256xi32, #tpu.memory_space<vmem>>, %arg8: memref<256x64xbf16, #tpu.memory_space<vmem>>, %arg9: memref<64x64xbf16, #tpu.memory_space<vmem>>, %arg10: memref<10240x64xbf16, #tpu.memory_space<vmem_shared>>, %arg11: memref<!tpu.dma_semaphore, #tpu.memory_space<semaphore_mem>>, %arg12: memref<256x64xbf16, #tpu.memory_space<vmem>>, %arg13: memref<256x64xbf16, #tpu.memory_space<vmem>>, %arg14: memref<256x64xbf16, #tpu.memory_space<vmem>>, %arg15: memref<!tpu.dma_semaphore, #tpu.memory_space<semaphore_mem>>, %arg16: memref<!tpu.dma_semaphore, #tpu.memory_space<semaphore_mem>>, %arg17: memref<!tpu.dma_semaphore, #tpu.memory_space<semaphore_mem>>, %arg18: memref<!tpu.dma_semaphore, #tpu.memory_space<semaphore_mem>>, %arg19: memref<!tpu.dma_semaphore, #tpu.memory_space<semaphore_mem>>, %arg20: memref<!tpu.dma_semaphore, #tpu.memory_space<semaphore_mem>>, %arg21: memref<!tpu.dma_semaphore, #tpu.memory_space<semaphore_mem>>) attributes {dimension_semantics = [#tpu.dimension_semantics<core_parallel>, #tpu.dimension_semantics<subcore_parallel>], iteration_bounds = array<i64: 2, 16>, scalar_prefetch = 0 : i64, scratch_operands = 16 : i64, tpu.core_type = #tpu.core_type<sc_vector_subcore>, window_params = [{transform_indices = #map}, {transform_indices = #map}, {transform_indices = #map}, {transform_indices = #map1}]} {
    %mul3A = arith.constant 16 : i32
    %mul3A_0 = arith.muli %arg0, %mul3A : i32
    %add3A = arith.addi %mul3A_0, %arg1 : i32
    %scan3A = arith.constant 0 : i32
    %scan3A_1 = arith.constant 0 : i32
    %scan3A_2 = arith.constant 128 : i32
    %scan3A_3 = arith.addi %scan3A_1, %scan3A_2 : i32
    %scan3A_4 = arith.constant 1 : i32
    %scan3A_5 = scf.for %scan3A_84 = %scan3A_1 to %scan3A_3 step %scan3A_4 iter_args(%scan3A_85 = %scan3A) -> (i32)  : i32 {
      %jit3A = arith.constant 2 : i32
      %div3A = arith.divsi %scan3A_84, %jit3A : i32
      %sign3A = arith.constant 0 : i32
      %sign3A_86 = arith.cmpi sgt, %scan3A_84, %sign3A : i32
      %sign3A_87 = arith.extui %sign3A_86 : i1 to i32
      %sign3A_88 = arith.constant 0 : i32
      %sign3A_89 = arith.cmpi slt, %scan3A_84, %sign3A_88 : i32
      %sign3A_90 = arith.extui %sign3A_89 : i1 to i32
      %sign3A_91 = arith.subi %sign3A_87, %sign3A_90 : i32
      %sign3A_92 = arith.constant 0 : i32
      %sign3A_93 = arith.cmpi sgt, %jit3A, %sign3A_92 : i32
      %sign3A_94 = arith.extui %sign3A_93 : i1 to i32
      %sign3A_95 = arith.constant 0 : i32
      %sign3A_96 = arith.cmpi slt, %jit3A, %sign3A_95 : i32
      %sign3A_97 = arith.extui %sign3A_96 : i1 to i32
      %sign3A_98 = arith.subi %sign3A_94, %sign3A_97 : i32
      %ne3A = arith.cmpi ne, %sign3A_91, %sign3A_98 : i32
      %rem3A = arith.remsi %scan3A_84, %jit3A : i32
      %ne3A_99 = arith.constant 0 : i32
      %ne3A_100 = arith.cmpi ne, %rem3A, %ne3A_99 : i32
      %and3A = arith.andi %ne3A, %ne3A_100 : i1
      %sub3A = arith.constant 1 : i32
      %sub3A_101 = arith.subi %div3A, %sub3A : i32
      %select_n3A = arith.select %and3A, %sub3A_101, %div3A : i32
      %jit3A_102 = arith.constant 2 : i32
      %eq3A = arith.constant 0 : i32
      %eq3A_103 = arith.cmpi eq, %jit3A_102, %eq3A : i32
      %jit3A_104 = arith.constant 1 : i32
      %select_n3A_105 = arith.select %eq3A_103, %jit3A_104, %jit3A_102 : i32
      %rem3A_106 = arith.remsi %scan3A_84, %select_n3A_105 : i32
      %ne3A_107 = arith.constant 0 : i32
      %ne3A_108 = arith.cmpi ne, %rem3A_106, %ne3A_107 : i32
      %lt3A = arith.constant 0 : i32
      %lt3A_109 = arith.cmpi slt, %rem3A_106, %lt3A : i32
      %lt3A_110 = arith.constant 0 : i32
      %lt3A_111 = arith.cmpi slt, %select_n3A_105, %lt3A_110 : i32
      %ne3A_112 = arith.xori %lt3A_109, %lt3A_111 : i1
      %and3A_113 = arith.andi %ne3A_112, %ne3A_108 : i1
      %add3A_114 = arith.addi %rem3A_106, %select_n3A_105 : i32
      %select_n3A_115 = arith.select %and3A_113, %add3A_114, %rem3A_106 : i32
      %mul3A_116 = arith.constant 32 : i32
      %mul3A_117 = arith.muli %select_n3A_115, %mul3A_116 : i32
      %broadcast_in_dim3A = arith.constant 0.000000e+00 : bf16
      %broadcast_in_dim3A_118 = vector.broadcast %broadcast_in_dim3A : bf16 to vector<32xbf16>
      %swap3A = arith.index_cast %select_n3A : i32 to index
      %swap3A_119 = arith.index_cast %mul3A_117 : i32 to index
      %swap3A_120 = tpu.vector_load %arg9[%swap3A, %swap3A_119] {strides = array<i32>} : memref<64x64xbf16, #tpu.memory_space<vmem>>, vector<1x32xbf16>,
      %swap3A_121 = vector.shape_cast %swap3A_120 : vector<1x32xbf16> to vector<32xbf16>
      %swap3A_122 = vector.shape_cast %broadcast_in_dim3A_118 : vector<32xbf16> to vector<1x32xbf16>
      tpu.vector_store %arg9[%swap3A, %swap3A_119], %swap3A_122 {strides = array<i32>} : memref<64x64xbf16, #tpu.memory_space<vmem>>, vector<1x32xbf16>,
      %scan3A_123 = arith.constant 0 : i32
      scf.yield %scan3A_123 : i32
    }
    %scan3A_6 = arith.constant 128 : i32
    %scan3A_7 = arith.constant 0 : i32
    %scan3A_8 = arith.constant 0 : i32
    %scan3A_9 = arith.constant 10 : i32
    %scan3A_10 = arith.addi %scan3A_8, %scan3A_9 : i32
    %scan3A_11 = arith.constant 1 : i32
    %scan3A_12 = scf.for %scan3A_84 = %scan3A_8 to %scan3A_10 step %scan3A_11 iter_args(%scan3A_85 = %scan3A_7) -> (i32)  : i32 {
      %mul3A_86 = arith.constant 640 : i32
      %mul3A_87 = arith.muli %arg1, %mul3A_86 : i32
      %mul3A_88 = arith.constant 64 : i32
      %mul3A_89 = arith.muli %scan3A_84, %mul3A_88 : i32
      %add3A_90 = arith.addi %mul3A_87, %mul3A_89 : i32
      "tpu.region"() ({
        %run_scoped3A = tpu.sem_alloc : memref<!tpu.dma_semaphore, #tpu.memory_space<semaphore_mem>>
        %dma_start3A_92 = arith.constant 0 : i32
        %dma_start3A_93 = tpu.memref_slice %arg10[%add3A_90, %dma_start3A_92] : memref<10240x64xbf16, #tpu.memory_space<vmem_shared>> -> memref<64x64xbf16, #tpu.memory_space<vmem_shared>>
        %dma_start3A_94 = arith.constant 0 : i32
        %dma_start3A_95 = tpu.memref_slice %arg10[%add3A_90, %dma_start3A_94] : memref<10240x64xbf16, #tpu.memory_space<vmem_shared>> -> memref<64x64xbf16, #tpu.memory_space<vmem_shared>>
        tpu.enqueue_dma source(%arg9 : memref<64x64xbf16, #tpu.memory_space<vmem>>) target(%dma_start3A_95 : memref<64x64xbf16, #tpu.memory_space<vmem_shared>>) target_semaphore(%run_scoped3A : memref<!tpu.dma_semaphore, #tpu.memory_space<semaphore_mem>>)
        %dma_wait3A_96 = arith.constant 0 : i32
        %dma_wait3A_97 = tpu.memref_slice %arg10[%add3A_90, %dma_wait3A_96] : memref<10240x64xbf16, #tpu.memory_space<vmem_shared>> -> memref<64x64xbf16, #tpu.memory_space<vmem_shared>>
        %dma_wait3A_98 = arith.constant 0 : i32
        %dma_wait3A_99 = tpu.memref_slice %arg10[%add3A_90, %dma_wait3A_98] : memref<10240x64xbf16, #tpu.memory_space<vmem_shared>> -> memref<64x64xbf16, #tpu.memory_space<vmem_shared>>
        tpu.wait_dma2 semaphore(%run_scoped3A : memref<!tpu.dma_semaphore, #tpu.memory_space<semaphore_mem>>) src(%arg9 : memref<64x64xbf16, #tpu.memory_space<vmem>>) dst(%dma_wait3A_99 : memref<64x64xbf16, #tpu.memory_space<vmem_shared>>)
        tpu.yield
      }) : () -> ()
      %scan3A_91 = arith.constant 0 : i32
      scf.yield %scan3A_91 : i32
    }
    %scan3A_13 = arith.constant 10 : i32
    %mul3A_14 = arith.constant 40 : i32
    %mul3A_15 = arith.muli %add3A, %mul3A_14 : i32
    "tpu.region"() ({
      %run_scoped3A = tpu.sem_alloc : memref<!tpu.dma_semaphore, #tpu.memory_space<semaphore_mem>>
      %dma_start3A_84 = arith.constant 0 : i32
      %dma_start3A_85 = tpu.memref_slice %arg4[%mul3A_15, %dma_start3A_84] : memref<1280x256xi32, #tpu.memory_space<hbm>> -> memref<40x256xi32, #tpu.memory_space<hbm>>
      %dma_start3A_86 = arith.constant 0 : i32
      %dma_start3A_87 = tpu.memref_slice %arg4[%mul3A_15, %dma_start3A_86] : memref<1280x256xi32, #tpu.memory_space<hbm>> -> memref<40x256xi32, #tpu.memory_space<hbm>>
      tpu.enqueue_dma source(%dma_start3A_87 : memref<40x256xi32, #tpu.memory_space<hbm>>) target(%arg7 : memref<40x256xi32, #tpu.memory_space<vmem>>) target_semaphore(%run_scoped3A : memref<!tpu.dma_semaphore, #tpu.memory_space<semaphore_mem>>)
      %dma_wait3A_88 = arith.constant 0 : i32
      %dma_wait3A_89 = tpu.memref_slice %arg4[%mul3A_15, %dma_wait3A_88] : memref<1280x256xi32, #tpu.memory_space<hbm>> -> memref<40x256xi32, #tpu.memory_space<hbm>>
      %dma_wait3A_90 = arith.constant 0 : i32
      %dma_wait3A_91 = tpu.memref_slice %arg4[%mul3A_15, %dma_wait3A_90] : memref<1280x256xi32, #tpu.memory_space<hbm>> -> memref<40x256xi32, #tpu.memory_space<hbm>>
      tpu.wait_dma2 semaphore(%run_scoped3A : memref<!tpu.dma_semaphore, #tpu.memory_space<semaphore_mem>>) src(%dma_wait3A_91 : memref<40x256xi32, #tpu.memory_space<hbm>>) dst(%arg7 : memref<40x256xi32, #tpu.memory_space<vmem>>)
      tpu.yield
    }) : () -> ()
    %mul3A_16 = arith.constant 40 : i32
    %mul3A_17 = arith.muli %add3A, %mul3A_16 : i32
    "tpu.region"() ({
      %run_scoped3A = tpu.sem_alloc : memref<!tpu.dma_semaphore, #tpu.memory_space<semaphore_mem>>
      %dma_start3A_84 = arith.constant 0 : i32
      %dma_start3A_85 = tpu.memref_slice %arg3[%mul3A_17, %dma_start3A_84] : memref<1280x256xi32, #tpu.memory_space<hbm>> -> memref<40x256xi32, #tpu.memory_space<hbm>>
      %dma_start3A_86 = arith.constant 0 : i32
      %dma_start3A_87 = tpu.memref_slice %arg3[%mul3A_17, %dma_start3A_86] : memref<1280x256xi32, #tpu.memory_space<hbm>> -> memref<40x256xi32, #tpu.memory_space<hbm>>
      tpu.enqueue_dma source(%dma_start3A_87 : memref<40x256xi32, #tpu.memory_space<hbm>>) target(%arg6 : memref<40x256xi32, #tpu.memory_space<vmem>>) target_semaphore(%run_scoped3A : memref<!tpu.dma_semaphore, #tpu.memory_space<semaphore_mem>>)
      %dma_wait3A_88 = arith.constant 0 : i32
      %dma_wait3A_89 = tpu.memref_slice %arg3[%mul3A_17, %dma_wait3A_88] : memref<1280x256xi32, #tpu.memory_space<hbm>> -> memref<40x256xi32, #tpu.memory_space<hbm>>
      %dma_wait3A_90 = arith.constant 0 : i32
      %dma_wait3A_91 = tpu.memref_slice %arg3[%mul3A_17, %dma_wait3A_90] : memref<1280x256xi32, #tpu.memory_space<hbm>> -> memref<40x256xi32, #tpu.memory_space<hbm>>
      tpu.wait_dma2 semaphore(%run_scoped3A : memref<!tpu.dma_semaphore, #tpu.memory_space<semaphore_mem>>) src(%dma_wait3A_91 : memref<40x256xi32, #tpu.memory_space<hbm>>) dst(%arg6 : memref<40x256xi32, #tpu.memory_space<vmem>>)
      tpu.yield
    }) : () -> ()
    %barrier3A = arith.constant 0 : index
    tpu.barrier barrier_id(%barrier3A)
    %dma_start3A = arith.constant 0 : i32
    %dma_start3A_18 = arith.constant 0 : i32
    %dma_start3A_19 = tpu.memref_slice %arg6[%dma_start3A, %dma_start3A_18] : memref<40x256xi32, #tpu.memory_space<vmem>> -> memref<1x256xi32, #tpu.memory_space<vmem>>
    %dma_start3A_20 = tpu.memref_squeeze %dma_start3A_19 : memref<1x256xi32, #tpu.memory_space<vmem>> -> memref<256xi32, #tpu.memory_space<vmem>>
    %dma_start3A_21 = arith.constant 0 : i32
    %dma_start3A_22 = arith.constant 0 : i32
    %dma_start3A_23 = tpu.memref_slice %arg2[%dma_start3A_21, %dma_start3A_22] : memref<10000x64xbf16, #tpu.memory_space<hbm>> -> memref<10000x64xbf16, #tpu.memory_space<hbm>>
    tpu.enqueue_indirect_dma source(%dma_start3A_23 : memref<10000x64xbf16, #tpu.memory_space<hbm>>) target(%arg8 : memref<256x64xbf16, #tpu.memory_space<vmem>>) offsets(%dma_start3A_20 : memref<256xi32, #tpu.memory_space<vmem>>) semaphore(%arg11 : memref<!tpu.dma_semaphore, #tpu.memory_space<semaphore_mem>>)
    %dma_start3A_24 = arith.constant 1 : i32
    %dma_start3A_25 = arith.constant 0 : i32
    %dma_start3A_26 = tpu.memref_slice %arg6[%dma_start3A_24, %dma_start3A_25] : memref<40x256xi32, #tpu.memory_space<vmem>> -> memref<1x256xi32, #tpu.memory_space<vmem>>
    %dma_start3A_27 = tpu.memref_squeeze %dma_start3A_26 : memref<1x256xi32, #tpu.memory_space<vmem>> -> memref<256xi32, #tpu.memory_space<vmem>>
    %dma_start3A_28 = arith.constant 0 : i32
    %dma_start3A_29 = arith.constant 0 : i32
    %dma_start3A_30 = tpu.memref_slice %arg2[%dma_start3A_28, %dma_start3A_29] : memref<10000x64xbf16, #tpu.memory_space<hbm>> -> memref<10000x64xbf16, #tpu.memory_space<hbm>>
    tpu.enqueue_indirect_dma source(%dma_start3A_30 : memref<10000x64xbf16, #tpu.memory_space<hbm>>) target(%arg12 : memref<256x64xbf16, #tpu.memory_space<vmem>>) offsets(%dma_start3A_27 : memref<256xi32, #tpu.memory_space<vmem>>) semaphore(%arg15 : memref<!tpu.dma_semaphore, #tpu.memory_space<semaphore_mem>>)
    %dma_start3A_31 = arith.constant 2 : i32
    %dma_start3A_32 = arith.constant 0 : i32
    %dma_start3A_33 = tpu.memref_slice %arg6[%dma_start3A_31, %dma_start3A_32] : memref<40x256xi32, #tpu.memory_space<vmem>> -> memref<1x256xi32, #tpu.memory_space<vmem>>
    %dma_start3A_34 = tpu.memref_squeeze %dma_start3A_33 : memref<1x256xi32, #tpu.memory_space<vmem>> -> memref<256xi32, #tpu.memory_space<vmem>>
    %dma_start3A_35 = arith.constant 0 : i32
    %dma_start3A_36 = arith.constant 0 : i32
    %dma_start3A_37 = tpu.memref_slice %arg2[%dma_start3A_35, %dma_start3A_36] : memref<10000x64xbf16, #tpu.memory_space<hbm>> -> memref<10000x64xbf16, #tpu.memory_space<hbm>>
    tpu.enqueue_indirect_dma source(%dma_start3A_37 : memref<10000x64xbf16, #tpu.memory_space<hbm>>) target(%arg13 : memref<256x64xbf16, #tpu.memory_space<vmem>>) offsets(%dma_start3A_34 : memref<256xi32, #tpu.memory_space<vmem>>) semaphore(%arg16 : memref<!tpu.dma_semaphore, #tpu.memory_space<semaphore_mem>>)
    %dma_start3A_38 = arith.constant 3 : i32
    %dma_start3A_39 = arith.constant 0 : i32
    %dma_start3A_40 = tpu.memref_slice %arg6[%dma_start3A_38, %dma_start3A_39] : memref<40x256xi32, #tpu.memory_space<vmem>> -> memref<1x256xi32, #tpu.memory_space<vmem>>
    %dma_start3A_41 = tpu.memref_squeeze %dma_start3A_40 : memref<1x256xi32, #tpu.memory_space<vmem>> -> memref<256xi32, #tpu.memory_space<vmem>>
    %dma_start3A_42 = arith.constant 0 : i32
    %dma_start3A_43 = arith.constant 0 : i32
    %dma_start3A_44 = tpu.memref_slice %arg2[%dma_start3A_42, %dma_start3A_43] : memref<10000x64xbf16, #tpu.memory_space<hbm>> -> memref<10000x64xbf16, #tpu.memory_space<hbm>>
    tpu.enqueue_indirect_dma source(%dma_start3A_44 : memref<10000x64xbf16, #tpu.memory_space<hbm>>) target(%arg14 : memref<256x64xbf16, #tpu.memory_space<vmem>>) offsets(%dma_start3A_41 : memref<256xi32, #tpu.memory_space<vmem>>) semaphore(%arg17 : memref<!tpu.dma_semaphore, #tpu.memory_space<semaphore_mem>>)
    %scan3A_45 = arith.constant 0 : i32
    %scan3A_46 = arith.constant 0 : i32
    %scan3A_47 = arith.constant 10 : i32
    %scan3A_48 = arith.addi %scan3A_46, %scan3A_47 : i32
    %scan3A_49 = arith.constant 1 : i32
    %scan3A_50 = scf.for %scan3A_84 = %scan3A_46 to %scan3A_48 step %scan3A_49 iter_args(%scan3A_85 = %scan3A_45) -> (i32)  : i32 {
      %mul3A_86 = arith.constant 4 : i32
      %mul3A_87 = arith.muli %scan3A_84, %mul3A_86 : i32
      %add3A_88 = arith.constant 0 : i32
      %add3A_89 = arith.addi %mul3A_87, %add3A_88 : i32
      %dma_wait3A_90 = arith.constant 0 : i32
      %dma_wait3A_91 = tpu.memref_slice %arg6[%add3A_89, %dma_wait3A_90] : memref<40x256xi32, #tpu.memory_space<vmem>> -> memref<1x256xi32, #tpu.memory_space<vmem>>
      %dma_wait3A_92 = tpu.memref_squeeze %dma_wait3A_91 : memref<1x256xi32, #tpu.memory_space<vmem>> -> memref<256xi32, #tpu.memory_space<vmem>>
      %dma_wait3A_93 = arith.constant 0 : i32
      %dma_wait3A_94 = arith.constant 0 : i32
      %dma_wait3A_95 = tpu.memref_slice %arg2[%dma_wait3A_93, %dma_wait3A_94] : memref<10000x64xbf16, #tpu.memory_space<hbm>> -> memref<10000x64xbf16, #tpu.memory_space<hbm>>
      tpu.wait_indirect_dma semaphore(%arg11 : memref<!tpu.dma_semaphore, #tpu.memory_space<semaphore_mem>>) src(%dma_wait3A_95 : memref<10000x64xbf16, #tpu.memory_space<hbm>>) dst(%arg8 : memref<256x64xbf16, #tpu.memory_space<vmem>>)
      %add3A_96 = arith.constant 0 : i32
      %add3A_97 = arith.addi %mul3A_87, %add3A_96 : i32
      %dma_start3A_98 = arith.constant 0 : i32
      %dma_start3A_99 = tpu.memref_slice %arg7[%add3A_97, %dma_start3A_98] : memref<40x256xi32, #tpu.memory_space<vmem>> -> memref<1x256xi32, #tpu.memory_space<vmem>>
      %dma_start3A_100 = tpu.memref_squeeze %dma_start3A_99 : memref<1x256xi32, #tpu.memory_space<vmem>> -> memref<256xi32, #tpu.memory_space<vmem>>
      %dma_start3A_101 = arith.constant 0 : i32
      %dma_start3A_102 = arith.constant 0 : i32
      %dma_start3A_103 = tpu.memref_slice %arg10[%dma_start3A_101, %dma_start3A_102] : memref<10240x64xbf16, #tpu.memory_space<vmem_shared>> -> memref<10240x64xbf16, #tpu.memory_space<vmem_shared>>
      tpu.enqueue_indirect_dma source(%arg8 : memref<256x64xbf16, #tpu.memory_space<vmem>>) target(%dma_start3A_103 : memref<10240x64xbf16, #tpu.memory_space<vmem_shared>>) offsets(%dma_start3A_100 : memref<256xi32, #tpu.memory_space<vmem>>) semaphore(%arg18 : memref<!tpu.dma_semaphore, #tpu.memory_space<semaphore_mem>>) {add = true}
      %add3A_104 = arith.constant 1 : i32
      %add3A_105 = arith.addi %mul3A_87, %add3A_104 : i32
      %dma_wait3A_106 = arith.constant 0 : i32
      %dma_wait3A_107 = tpu.memref_slice %arg6[%add3A_105, %dma_wait3A_106] : memref<40x256xi32, #tpu.memory_space<vmem>> -> memref<1x256xi32, #tpu.memory_space<vmem>>
      %dma_wait3A_108 = tpu.memref_squeeze %dma_wait3A_107 : memref<1x256xi32, #tpu.memory_space<vmem>> -> memref<256xi32, #tpu.memory_space<vmem>>
      %dma_wait3A_109 = arith.constant 0 : i32
      %dma_wait3A_110 = arith.constant 0 : i32
      %dma_wait3A_111 = tpu.memref_slice %arg2[%dma_wait3A_109, %dma_wait3A_110] : memref<10000x64xbf16, #tpu.memory_space<hbm>> -> memref<10000x64xbf16, #tpu.memory_space<hbm>>
      tpu.wait_indirect_dma semaphore(%arg15 : memref<!tpu.dma_semaphore, #tpu.memory_space<semaphore_mem>>) src(%dma_wait3A_111 : memref<10000x64xbf16, #tpu.memory_space<hbm>>) dst(%arg12 : memref<256x64xbf16, #tpu.memory_space<vmem>>)
      %add3A_112 = arith.constant 1 : i32
      %add3A_113 = arith.addi %mul3A_87, %add3A_112 : i32
      %dma_start3A_114 = arith.constant 0 : i32
      %dma_start3A_115 = tpu.memref_slice %arg7[%add3A_113, %dma_start3A_114] : memref<40x256xi32, #tpu.memory_space<vmem>> -> memref<1x256xi32, #tpu.memory_space<vmem>>
      %dma_start3A_116 = tpu.memref_squeeze %dma_start3A_115 : memref<1x256xi32, #tpu.memory_space<vmem>> -> memref<256xi32, #tpu.memory_space<vmem>>
      %dma_start3A_117 = arith.constant 0 : i32
      %dma_start3A_118 = arith.constant 0 : i32
      %dma_start3A_119 = tpu.memref_slice %arg10[%dma_start3A_117, %dma_start3A_118] : memref<10240x64xbf16, #tpu.memory_space<vmem_shared>> -> memref<10240x64xbf16, #tpu.memory_space<vmem_shared>>
      tpu.enqueue_indirect_dma source(%arg12 : memref<256x64xbf16, #tpu.memory_space<vmem>>) target(%dma_start3A_119 : memref<10240x64xbf16, #tpu.memory_space<vmem_shared>>) offsets(%dma_start3A_116 : memref<256xi32, #tpu.memory_space<vmem>>) semaphore(%arg19 : memref<!tpu.dma_semaphore, #tpu.memory_space<semaphore_mem>>) {add = true}
      %add3A_120 = arith.constant 2 : i32
      %add3A_121 = arith.addi %mul3A_87, %add3A_120 : i32
      %dma_wait3A_122 = arith.constant 0 : i32
      %dma_wait3A_123 = tpu.memref_slice %arg6[%add3A_121, %dma_wait3A_122] : memref<40x256xi32, #tpu.memory_space<vmem>> -> memref<1x256xi32, #tpu.memory_space<vmem>>
      %dma_wait3A_124 = tpu.memref_squeeze %dma_wait3A_123 : memref<1x256xi32, #tpu.memory_space<vmem>> -> memref<256xi32, #tpu.memory_space<vmem>>
      %dma_wait3A_125 = arith.constant 0 : i32
      %dma_wait3A_126 = arith.constant 0 : i32
      %dma_wait3A_127 = tpu.memref_slice %arg2[%dma_wait3A_125, %dma_wait3A_126] : memref<10000x64xbf16, #tpu.memory_space<hbm>> -> memref<10000x64xbf16, #tpu.memory_space<hbm>>
      tpu.wait_indirect_dma semaphore(%arg16 : memref<!tpu.dma_semaphore, #tpu.memory_space<semaphore_mem>>) src(%dma_wait3A_127 : memref<10000x64xbf16, #tpu.memory_space<hbm>>) dst(%arg13 : memref<256x64xbf16, #tpu.memory_space<vmem>>)
      %add3A_128 = arith.constant 2 : i32
      %add3A_129 = arith.addi %mul3A_87, %add3A_128 : i32
      %dma_start3A_130 = arith.constant 0 : i32
      %dma_start3A_131 = tpu.memref_slice %arg7[%add3A_129, %dma_start3A_130] : memref<40x256xi32, #tpu.memory_space<vmem>> -> memref<1x256xi32, #tpu.memory_space<vmem>>
      %dma_start3A_132 = tpu.memref_squeeze %dma_start3A_131 : memref<1x256xi32, #tpu.memory_space<vmem>> -> memref<256xi32, #tpu.memory_space<vmem>>
      %dma_start3A_133 = arith.constant 0 : i32
      %dma_start3A_134 = arith.constant 0 : i32
      %dma_start3A_135 = tpu.memref_slice %arg10[%dma_start3A_133, %dma_start3A_134] : memref<10240x64xbf16, #tpu.memory_space<vmem_shared>> -> memref<10240x64xbf16, #tpu.memory_space<vmem_shared>>
      tpu.enqueue_indirect_dma source(%arg13 : memref<256x64xbf16, #tpu.memory_space<vmem>>) target(%dma_start3A_135 : memref<10240x64xbf16, #tpu.memory_space<vmem_shared>>) offsets(%dma_start3A_132 : memref<256xi32, #tpu.memory_space<vmem>>) semaphore(%arg20 : memref<!tpu.dma_semaphore, #tpu.memory_space<semaphore_mem>>) {add = true}
      %add3A_136 = arith.constant 3 : i32
      %add3A_137 = arith.addi %mul3A_87, %add3A_136 : i32
      %dma_wait3A_138 = arith.constant 0 : i32
      %dma_wait3A_139 = tpu.memref_slice %arg6[%add3A_137, %dma_wait3A_138] : memref<40x256xi32, #tpu.memory_space<vmem>> -> memref<1x256xi32, #tpu.memory_space<vmem>>
      %dma_wait3A_140 = tpu.memref_squeeze %dma_wait3A_139 : memref<1x256xi32, #tpu.memory_space<vmem>> -> memref<256xi32, #tpu.memory_space<vmem>>
      %dma_wait3A_141 = arith.constant 0 : i32
      %dma_wait3A_142 = arith.constant 0 : i32
      %dma_wait3A_143 = tpu.memref_slice %arg2[%dma_wait3A_141, %dma_wait3A_142] : memref<10000x64xbf16, #tpu.memory_space<hbm>> -> memref<10000x64xbf16, #tpu.memory_space<hbm>>
      tpu.wait_indirect_dma semaphore(%arg17 : memref<!tpu.dma_semaphore, #tpu.memory_space<semaphore_mem>>) src(%dma_wait3A_143 : memref<10000x64xbf16, #tpu.memory_space<hbm>>) dst(%arg14 : memref<256x64xbf16, #tpu.memory_space<vmem>>)
      %add3A_144 = arith.constant 3 : i32
      %add3A_145 = arith.addi %mul3A_87, %add3A_144 : i32
      %dma_start3A_146 = arith.constant 0 : i32
      %dma_start3A_147 = tpu.memref_slice %arg7[%add3A_145, %dma_start3A_146] : memref<40x256xi32, #tpu.memory_space<vmem>> -> memref<1x256xi32, #tpu.memory_space<vmem>>
      %dma_start3A_148 = tpu.memref_squeeze %dma_start3A_147 : memref<1x256xi32, #tpu.memory_space<vmem>> -> memref<256xi32, #tpu.memory_space<vmem>>
      %dma_start3A_149 = arith.constant 0 : i32
      %dma_start3A_150 = arith.constant 0 : i32
      %dma_start3A_151 = tpu.memref_slice %arg10[%dma_start3A_149, %dma_start3A_150] : memref<10240x64xbf16, #tpu.memory_space<vmem_shared>> -> memref<10240x64xbf16, #tpu.memory_space<vmem_shared>>
      tpu.enqueue_indirect_dma source(%arg14 : memref<256x64xbf16, #tpu.memory_space<vmem>>) target(%dma_start3A_151 : memref<10240x64xbf16, #tpu.memory_space<vmem_shared>>) offsets(%dma_start3A_148 : memref<256xi32, #tpu.memory_space<vmem>>) semaphore(%arg21 : memref<!tpu.dma_semaphore, #tpu.memory_space<semaphore_mem>>) {add = true}
      %lt3A = arith.constant 9 : i32
      %lt3A_152 = arith.cmpi slt, %scan3A_84, %lt3A : i32
      %convert_element_type3A = arith.extui %lt3A_152 : i1 to i32
      %cond3A = arith.constant 0 : i32
      %cond3A_153 = arith.cmpi ne, %convert_element_type3A, %cond3A : i32
      scf.if %cond3A_153 {
        %add3A_155 = arith.constant 0 : i32
        %add3A_156 = arith.addi %mul3A_87, %add3A_155 : i32
        %dma_wait3A_157 = arith.constant 0 : i32
        %dma_wait3A_158 = tpu.memref_slice %arg7[%add3A_156, %dma_wait3A_157] : memref<40x256xi32, #tpu.memory_space<vmem>> -> memref<1x256xi32, #tpu.memory_space<vmem>>
        %dma_wait3A_159 = tpu.memref_squeeze %dma_wait3A_158 : memref<1x256xi32, #tpu.memory_space<vmem>> -> memref<256xi32, #tpu.memory_space<vmem>>
        %dma_wait3A_160 = arith.constant 0 : i32
        %dma_wait3A_161 = arith.constant 0 : i32
        %dma_wait3A_162 = tpu.memref_slice %arg10[%dma_wait3A_160, %dma_wait3A_161] : memref<10240x64xbf16, #tpu.memory_space<vmem_shared>> -> memref<10240x64xbf16, #tpu.memory_space<vmem_shared>>
        tpu.wait_indirect_dma semaphore(%arg18 : memref<!tpu.dma_semaphore, #tpu.memory_space<semaphore_mem>>) src(%arg8 : memref<256x64xbf16, #tpu.memory_space<vmem>>) dst(%dma_wait3A_162 : memref<10240x64xbf16, #tpu.memory_space<vmem_shared>>)
        %add3A_163 = arith.constant 4 : i32
        %add3A_164 = arith.addi %mul3A_87, %add3A_163 : i32
        %add3A_165 = arith.constant 0 : i32
        %add3A_166 = arith.addi %add3A_164, %add3A_165 : i32
        %dma_start3A_167 = arith.constant 0 : i32
        %dma_start3A_168 = tpu.memref_slice %arg6[%add3A_166, %dma_start3A_167] : memref<40x256xi32, #tpu.memory_space<vmem>> -> memref<1x256xi32, #tpu.memory_space<vmem>>
        %dma_start3A_169 = tpu.memref_squeeze %dma_start3A_168 : memref<1x256xi32, #tpu.memory_space<vmem>> -> memref<256xi32, #tpu.memory_space<vmem>>
        %dma_start3A_170 = arith.constant 0 : i32
        %dma_start3A_171 = arith.constant 0 : i32
        %dma_start3A_172 = tpu.memref_slice %arg2[%dma_start3A_170, %dma_start3A_171] : memref<10000x64xbf16, #tpu.memory_space<hbm>> -> memref<10000x64xbf16, #tpu.memory_space<hbm>>
        tpu.enqueue_indirect_dma source(%dma_start3A_172 : memref<10000x64xbf16, #tpu.memory_space<hbm>>) target(%arg8 : memref<256x64xbf16, #tpu.memory_space<vmem>>) offsets(%dma_start3A_169 : memref<256xi32, #tpu.memory_space<vmem>>) semaphore(%arg11 : memref<!tpu.dma_semaphore, #tpu.memory_space<semaphore_mem>>)
        %add3A_173 = arith.constant 1 : i32
        %add3A_174 = arith.addi %mul3A_87, %add3A_173 : i32
        %dma_wait3A_175 = arith.constant 0 : i32
        %dma_wait3A_176 = tpu.memref_slice %arg7[%add3A_174, %dma_wait3A_175] : memref<40x256xi32, #tpu.memory_space<vmem>> -> memref<1x256xi32, #tpu.memory_space<vmem>>
        %dma_wait3A_177 = tpu.memref_squeeze %dma_wait3A_176 : memref<1x256xi32, #tpu.memory_space<vmem>> -> memref<256xi32, #tpu.memory_space<vmem>>
        %dma_wait3A_178 = arith.constant 0 : i32
        %dma_wait3A_179 = arith.constant 0 : i32
        %dma_wait3A_180 = tpu.memref_slice %arg10[%dma_wait3A_178, %dma_wait3A_179] : memref<10240x64xbf16, #tpu.memory_space<vmem_shared>> -> memref<10240x64xbf16, #tpu.memory_space<vmem_shared>>
        tpu.wait_indirect_dma semaphore(%arg19 : memref<!tpu.dma_semaphore, #tpu.memory_space<semaphore_mem>>) src(%arg12 : memref<256x64xbf16, #tpu.memory_space<vmem>>) dst(%dma_wait3A_180 : memref<10240x64xbf16, #tpu.memory_space<vmem_shared>>)
        %add3A_181 = arith.constant 4 : i32
        %add3A_182 = arith.addi %mul3A_87, %add3A_181 : i32
        %add3A_183 = arith.constant 1 : i32
        %add3A_184 = arith.addi %add3A_182, %add3A_183 : i32
        %dma_start3A_185 = arith.constant 0 : i32
        %dma_start3A_186 = tpu.memref_slice %arg6[%add3A_184, %dma_start3A_185] : memref<40x256xi32, #tpu.memory_space<vmem>> -> memref<1x256xi32, #tpu.memory_space<vmem>>
        %dma_start3A_187 = tpu.memref_squeeze %dma_start3A_186 : memref<1x256xi32, #tpu.memory_space<vmem>> -> memref<256xi32, #tpu.memory_space<vmem>>
        %dma_start3A_188 = arith.constant 0 : i32
        %dma_start3A_189 = arith.constant 0 : i32
        %dma_start3A_190 = tpu.memref_slice %arg2[%dma_start3A_188, %dma_start3A_189] : memref<10000x64xbf16, #tpu.memory_space<hbm>> -> memref<10000x64xbf16, #tpu.memory_space<hbm>>
        tpu.enqueue_indirect_dma source(%dma_start3A_190 : memref<10000x64xbf16, #tpu.memory_space<hbm>>) target(%arg12 : memref<256x64xbf16, #tpu.memory_space<vmem>>) offsets(%dma_start3A_187 : memref<256xi32, #tpu.memory_space<vmem>>) semaphore(%arg15 : memref<!tpu.dma_semaphore, #tpu.memory_space<semaphore_mem>>)
        %add3A_191 = arith.constant 2 : i32
        %add3A_192 = arith.addi %mul3A_87, %add3A_191 : i32
        %dma_wait3A_193 = arith.constant 0 : i32
        %dma_wait3A_194 = tpu.memref_slice %arg7[%add3A_192, %dma_wait3A_193] : memref<40x256xi32, #tpu.memory_space<vmem>> -> memref<1x256xi32, #tpu.memory_space<vmem>>
        %dma_wait3A_195 = tpu.memref_squeeze %dma_wait3A_194 : memref<1x256xi32, #tpu.memory_space<vmem>> -> memref<256xi32, #tpu.memory_space<vmem>>
        %dma_wait3A_196 = arith.constant 0 : i32
        %dma_wait3A_197 = arith.constant 0 : i32
        %dma_wait3A_198 = tpu.memref_slice %arg10[%dma_wait3A_196, %dma_wait3A_197] : memref<10240x64xbf16, #tpu.memory_space<vmem_shared>> -> memref<10240x64xbf16, #tpu.memory_space<vmem_shared>>
        tpu.wait_indirect_dma semaphore(%arg20 : memref<!tpu.dma_semaphore, #tpu.memory_space<semaphore_mem>>) src(%arg13 : memref<256x64xbf16, #tpu.memory_space<vmem>>) dst(%dma_wait3A_198 : memref<10240x64xbf16, #tpu.memory_space<vmem_shared>>)
        %add3A_199 = arith.constant 4 : i32
        %add3A_200 = arith.addi %mul3A_87, %add3A_199 : i32
        %add3A_201 = arith.constant 2 : i32
        %add3A_202 = arith.addi %add3A_200, %add3A_201 : i32
        %dma_start3A_203 = arith.constant 0 : i32
        %dma_start3A_204 = tpu.memref_slice %arg6[%add3A_202, %dma_start3A_203] : memref<40x256xi32, #tpu.memory_space<vmem>> -> memref<1x256xi32, #tpu.memory_space<vmem>>
        %dma_start3A_205 = tpu.memref_squeeze %dma_start3A_204 : memref<1x256xi32, #tpu.memory_space<vmem>> -> memref<256xi32, #tpu.memory_space<vmem>>
        %dma_start3A_206 = arith.constant 0 : i32
        %dma_start3A_207 = arith.constant 0 : i32
        %dma_start3A_208 = tpu.memref_slice %arg2[%dma_start3A_206, %dma_start3A_207] : memref<10000x64xbf16, #tpu.memory_space<hbm>> -> memref<10000x64xbf16, #tpu.memory_space<hbm>>
        tpu.enqueue_indirect_dma source(%dma_start3A_208 : memref<10000x64xbf16, #tpu.memory_space<hbm>>) target(%arg13 : memref<256x64xbf16, #tpu.memory_space<vmem>>) offsets(%dma_start3A_205 : memref<256xi32, #tpu.memory_space<vmem>>) semaphore(%arg16 : memref<!tpu.dma_semaphore, #tpu.memory_space<semaphore_mem>>)
        %add3A_209 = arith.constant 3 : i32
        %add3A_210 = arith.addi %mul3A_87, %add3A_209 : i32
        %dma_wait3A_211 = arith.constant 0 : i32
        %dma_wait3A_212 = tpu.memref_slice %arg7[%add3A_210, %dma_wait3A_211] : memref<40x256xi32, #tpu.memory_space<vmem>> -> memref<1x256xi32, #tpu.memory_space<vmem>>
        %dma_wait3A_213 = tpu.memref_squeeze %dma_wait3A_212 : memref<1x256xi32, #tpu.memory_space<vmem>> -> memref<256xi32, #tpu.memory_space<vmem>>
        %dma_wait3A_214 = arith.constant 0 : i32
        %dma_wait3A_215 = arith.constant 0 : i32
        %dma_wait3A_216 = tpu.memref_slice %arg10[%dma_wait3A_214, %dma_wait3A_215] : memref<10240x64xbf16, #tpu.memory_space<vmem_shared>> -> memref<10240x64xbf16, #tpu.memory_space<vmem_shared>>
        tpu.wait_indirect_dma semaphore(%arg21 : memref<!tpu.dma_semaphore, #tpu.memory_space<semaphore_mem>>) src(%arg14 : memref<256x64xbf16, #tpu.memory_space<vmem>>) dst(%dma_wait3A_216 : memref<10240x64xbf16, #tpu.memory_space<vmem_shared>>)
        %add3A_217 = arith.constant 4 : i32
        %add3A_218 = arith.addi %mul3A_87, %add3A_217 : i32
        %add3A_219 = arith.constant 3 : i32
        %add3A_220 = arith.addi %add3A_218, %add3A_219 : i32
        %dma_start3A_221 = arith.constant 0 : i32
        %dma_start3A_222 = tpu.memref_slice %arg6[%add3A_220, %dma_start3A_221] : memref<40x256xi32, #tpu.memory_space<vmem>> -> memref<1x256xi32, #tpu.memory_space<vmem>>
        %dma_start3A_223 = tpu.memref_squeeze %dma_start3A_222 : memref<1x256xi32, #tpu.memory_space<vmem>> -> memref<256xi32, #tpu.memory_space<vmem>>
        %dma_start3A_224 = arith.constant 0 : i32
        %dma_start3A_225 = arith.constant 0 : i32
        %dma_start3A_226 = tpu.memref_slice %arg2[%dma_start3A_224, %dma_start3A_225] : memref<10000x64xbf16, #tpu.memory_space<hbm>> -> memref<10000x64xbf16, #tpu.memory_space<hbm>>
        tpu.enqueue_indirect_dma source(%dma_start3A_226 : memref<10000x64xbf16, #tpu.memory_space<hbm>>) target(%arg14 : memref<256x64xbf16, #tpu.memory_space<vmem>>) offsets(%dma_start3A_223 : memref<256xi32, #tpu.memory_space<vmem>>) semaphore(%arg17 : memref<!tpu.dma_semaphore, #tpu.memory_space<semaphore_mem>>)
      } else {
      }
      %scan3A_154 = arith.constant 0 : i32
      scf.yield %scan3A_154 : i32
    }
    %scan3A_51 = arith.constant 10 : i32
    %dma_wait3A = arith.constant 36 : i32
    %dma_wait3A_52 = arith.constant 0 : i32
    %dma_wait3A_53 = tpu.memref_slice %arg7[%dma_wait3A, %dma_wait3A_52] : memref<40x256xi32, #tpu.memory_space<vmem>> -> memref<1x256xi32, #tpu.memory_space<vmem>>
    %dma_wait3A_54 = tpu.memref_squeeze %dma_wait3A_53 : memref<1x256xi32, #tpu.memory_space<vmem>> -> memref<256xi32, #tpu.memory_space<vmem>>
    %dma_wait3A_55 = arith.constant 0 : i32
    %dma_wait3A_56 = arith.constant 0 : i32
    %dma_wait3A_57 = tpu.memref_slice %arg10[%dma_wait3A_55, %dma_wait3A_56] : memref<10240x64xbf16, #tpu.memory_space<vmem_shared>> -> memref<10240x64xbf16, #tpu.memory_space<vmem_shared>>
    tpu.wait_indirect_dma semaphore(%arg18 : memref<!tpu.dma_semaphore, #tpu.memory_space<semaphore_mem>>) src(%arg8 : memref<256x64xbf16, #tpu.memory_space<vmem>>) dst(%dma_wait3A_57 : memref<10240x64xbf16, #tpu.memory_space<vmem_shared>>)
    %dma_wait3A_58 = arith.constant 37 : i32
    %dma_wait3A_59 = arith.constant 0 : i32
    %dma_wait3A_60 = tpu.memref_slice %arg7[%dma_wait3A_58, %dma_wait3A_59] : memref<40x256xi32, #tpu.memory_space<vmem>> -> memref<1x256xi32, #tpu.memory_space<vmem>>
    %dma_wait3A_61 = tpu.memref_squeeze %dma_wait3A_60 : memref<1x256xi32, #tpu.memory_space<vmem>> -> memref<256xi32, #tpu.memory_space<vmem>>
    %dma_wait3A_62 = arith.constant 0 : i32
    %dma_wait3A_63 = arith.constant 0 : i32
    %dma_wait3A_64 = tpu.memref_slice %arg10[%dma_wait3A_62, %dma_wait3A_63] : memref<10240x64xbf16, #tpu.memory_space<vmem_shared>> -> memref<10240x64xbf16, #tpu.memory_space<vmem_shared>>
    tpu.wait_indirect_dma semaphore(%arg19 : memref<!tpu.dma_semaphore, #tpu.memory_space<semaphore_mem>>) src(%arg12 : memref<256x64xbf16, #tpu.memory_space<vmem>>) dst(%dma_wait3A_64 : memref<10240x64xbf16, #tpu.memory_space<vmem_shared>>)
    %dma_wait3A_65 = arith.constant 38 : i32
    %dma_wait3A_66 = arith.constant 0 : i32
    %dma_wait3A_67 = tpu.memref_slice %arg7[%dma_wait3A_65, %dma_wait3A_66] : memref<40x256xi32, #tpu.memory_space<vmem>> -> memref<1x256xi32, #tpu.memory_space<vmem>>
    %dma_wait3A_68 = tpu.memref_squeeze %dma_wait3A_67 : memref<1x256xi32, #tpu.memory_space<vmem>> -> memref<256xi32, #tpu.memory_space<vmem>>
    %dma_wait3A_69 = arith.constant 0 : i32
    %dma_wait3A_70 = arith.constant 0 : i32
    %dma_wait3A_71 = tpu.memref_slice %arg10[%dma_wait3A_69, %dma_wait3A_70] : memref<10240x64xbf16, #tpu.memory_space<vmem_shared>> -> memref<10240x64xbf16, #tpu.memory_space<vmem_shared>>
    tpu.wait_indirect_dma semaphore(%arg20 : memref<!tpu.dma_semaphore, #tpu.memory_space<semaphore_mem>>) src(%arg13 : memref<256x64xbf16, #tpu.memory_space<vmem>>) dst(%dma_wait3A_71 : memref<10240x64xbf16, #tpu.memory_space<vmem_shared>>)
    %dma_wait3A_72 = arith.constant 39 : i32
    %dma_wait3A_73 = arith.constant 0 : i32
    %dma_wait3A_74 = tpu.memref_slice %arg7[%dma_wait3A_72, %dma_wait3A_73] : memref<40x256xi32, #tpu.memory_space<vmem>> -> memref<1x256xi32, #tpu.memory_space<vmem>>
    %dma_wait3A_75 = tpu.memref_squeeze %dma_wait3A_74 : memref<1x256xi32, #tpu.memory_space<vmem>> -> memref<256xi32, #tpu.memory_space<vmem>>
    %dma_wait3A_76 = arith.constant 0 : i32
    %dma_wait3A_77 = arith.constant 0 : i32
    %dma_wait3A_78 = tpu.memref_slice %arg10[%dma_wait3A_76, %dma_wait3A_77] : memref<10240x64xbf16, #tpu.memory_space<vmem_shared>> -> memref<10240x64xbf16, #tpu.memory_space<vmem_shared>>
    tpu.wait_indirect_dma semaphore(%arg21 : memref<!tpu.dma_semaphore, #tpu.memory_space<semaphore_mem>>) src(%arg14 : memref<256x64xbf16, #tpu.memory_space<vmem>>) dst(%dma_wait3A_78 : memref<10240x64xbf16, #tpu.memory_space<vmem_shared>>)
    %barrier3A_79 = arith.constant 0 : index
    tpu.barrier barrier_id(%barrier3A_79)
    %mul3A_80 = arith.constant 640 : i32
    %mul3A_81 = arith.muli %arg1, %mul3A_80 : i32
    %mul3A_82 = arith.constant 640 : i32
    %mul3A_83 = arith.muli %arg1, %mul3A_82 : i32
    "tpu.region"() ({
      %run_scoped3A = tpu.sem_alloc : memref<!tpu.dma_semaphore, #tpu.memory_space<semaphore_mem>>
      %dma_start3A_84 = arith.constant 0 : i32
      %dma_start3A_85 = tpu.memref_slice %arg5[%arg0, %mul3A_83, %dma_start3A_84] : memref<2x10240x64xbf16, #tpu.memory_space<hbm>> -> memref<1x640x64xbf16, #tpu.memory_space<hbm>>
      %dma_start3A_86 = tpu.memref_squeeze %dma_start3A_85 : memref<1x640x64xbf16, #tpu.memory_space<hbm>> -> memref<640x64xbf16, #tpu.memory_space<hbm>>
      %dma_start3A_87 = arith.constant 0 : i32
      %dma_start3A_88 = tpu.memref_slice %arg10[%mul3A_81, %dma_start3A_87] : memref<10240x64xbf16, #tpu.memory_space<vmem_shared>> -> memref<640x64xbf16, #tpu.memory_space<vmem_shared>>
      tpu.enqueue_dma source(%dma_start3A_88 : memref<640x64xbf16, #tpu.memory_space<vmem_shared>>) target(%dma_start3A_86 : memref<640x64xbf16, #tpu.memory_space<hbm>>) target_semaphore(%run_scoped3A : memref<!tpu.dma_semaphore, #tpu.memory_space<semaphore_mem>>)
      %dma_wait3A_89 = arith.constant 0 : i32
      %dma_wait3A_90 = tpu.memref_slice %arg5[%arg0, %mul3A_83, %dma_wait3A_89] : memref<2x10240x64xbf16, #tpu.memory_space<hbm>> -> memref<1x640x64xbf16, #tpu.memory_space<hbm>>
      %dma_wait3A_91 = tpu.memref_squeeze %dma_wait3A_90 : memref<1x640x64xbf16, #tpu.memory_space<hbm>> -> memref<640x64xbf16, #tpu.memory_space<hbm>>
      %dma_wait3A_92 = arith.constant 0 : i32
      %dma_wait3A_93 = tpu.memref_slice %arg10[%mul3A_81, %dma_wait3A_92] : memref<10240x64xbf16, #tpu.memory_space<vmem_shared>> -> memref<640x64xbf16, #tpu.memory_space<vmem_shared>>
      tpu.wait_dma2 semaphore(%run_scoped3A : memref<!tpu.dma_semaphore, #tpu.memory_space<semaphore_mem>>) src(%dma_wait3A_93 : memref<640x64xbf16, #tpu.memory_space<vmem_shared>>) dst(%dma_wait3A_91 : memref<640x64xbf16, #tpu.memory_space<hbm>>)
      tpu.yield
    }) : () -> ()
    return
  }
}

#map = affine_map<(d0, d1) -> (0, 0)>
#map1 = affine_map<(d0, d1) -> (0, 0, 0)>
module attributes {stable_mosaic.version = 14 : i64} {
  func.func @body(%arg0: i32, %arg1: i32, %arg2: memref<10000x64xbf16, #tpu.memory_space<hbm>>, %arg3: memref<1280x256xi32, #tpu.memory_space<hbm>>, %arg4: memref<1280x256xi32, #tpu.memory_space<hbm>>, %arg5: memref<2x10240x64xbf16, #tpu.memory_space<hbm>>, %arg6: memref<40x256xi32, #tpu.memory_space<vmem>>, %arg7: memref<40x256xi32, #tpu.memory_space<vmem>>, %arg8: memref<256x64xbf16, #tpu.memory_space<vmem>>, %arg9: memref<64x64xbf16, #tpu.memory_space<vmem>>, %arg10: memref<10240x64xbf16, #tpu.memory_space<vmem_shared>>, %arg11: memref<!tpu.dma_semaphore, #tpu.memory_space<semaphore_mem>>, %arg12: memref<256x64xbf16, #tpu.memory_space<vmem>>, %arg13: memref<256x64xbf16, #tpu.memory_space<vmem>>, %arg14: memref<256x64xbf16, #tpu.memory_space<vmem>>, %arg15: memref<!tpu.dma_semaphore, #tpu.memory_space<semaphore_mem>>, %arg16: memref<!tpu.dma_semaphore, #tpu.memory_space<semaphore_mem>>, %arg17: memref<!tpu.dma_semaphore, #tpu.memory_space<semaphore_mem>>, %arg18: memref<!tpu.dma_semaphore, #tpu.memory_space<semaphore_mem>>, %arg19: memref<!tpu.dma_semaphore, #tpu.memory_space<semaphore_mem>>, %arg20: memref<!tpu.dma_semaphore, #tpu.memory_space<semaphore_mem>>, %arg21: memref<!tpu.dma_semaphore, #tpu.memory_space<semaphore_mem>>) attributes {dimension_semantics = [#tpu.dimension_semantics<core_parallel>, #tpu.dimension_semantics<subcore_parallel>], iteration_bounds = array<i64: 2, 16>, scalar_prefetch = 0 : i64, scratch_operands = 16 : i64, tpu.core_type = #tpu.core_type<sc_vector_subcore>, window_params = [{transform_indices = #map}, {transform_indices = #map}, {transform_indices = #map}, {transform_indices = #map1}]} {
    %mul3A = arith.constant 16 : i32
    %mul3A_0 = arith.muli %arg0, %mul3A : i32
    %add3A = arith.addi %mul3A_0, %arg1 : i32
    %scan3A = arith.constant 0 : i32
    %scan3A_1 = arith.constant 0 : i32
    %scan3A_2 = arith.constant 128 : i32
    %scan3A_3 = arith.addi %scan3A_1, %scan3A_2 : i32
    %scan3A_4 = arith.constant 1 : i32
    %scan3A_5 = scf.for %scan3A_84 = %scan3A_1 to %scan3A_3 step %scan3A_4 iter_args(%scan3A_85 = %scan3A) -> (i32)  : i32 {
      %jit3A = arith.constant 2 : i32
      %div3A = arith.divsi %scan3A_84, %jit3A : i32
      %sign3A = arith.constant 0 : i32
      %sign3A_86 = arith.cmpi sgt, %scan3A_84, %sign3A : i32
      %sign3A_87 = arith.extui %sign3A_86 : i1 to i32
      %sign3A_88 = arith.constant 0 : i32
      %sign3A_89 = arith.cmpi slt, %scan3A_84, %sign3A_88 : i32
      %sign3A_90 = arith.extui %sign3A_89 : i1 to i32
      %sign3A_91 = arith.subi %sign3A_87, %sign3A_90 : i32
      %sign3A_92 = arith.constant 0 : i32
      %sign3A_93 = arith.cmpi sgt, %jit3A, %sign3A_92 : i32
      %sign3A_94 = arith.extui %sign3A_93 : i1 to i32
      %sign3A_95 = arith.constant 0 : i32
      %sign3A_96 = arith.cmpi slt, %jit3A, %sign3A_95 : i32
      %sign3A_97 = arith.extui %sign3A_96 : i1 to i32
      %sign3A_98 = arith.subi %sign3A_94, %sign3A_97 : i32
      %ne3A = arith.cmpi ne, %sign3A_91, %sign3A_98 : i32
      %rem3A = arith.remsi %scan3A_84, %jit3A : i32
      %ne3A_99 = arith.constant 0 : i32
      %ne3A_100 = arith.cmpi ne, %rem3A, %ne3A_99 : i32
      %and3A = arith.andi %ne3A, %ne3A_100 : i1
      %sub3A = arith.constant 1 : i32
      %sub3A_101 = arith.subi %div3A, %sub3A : i32
      %select_n3A = arith.select %and3A, %sub3A_101, %div3A : i32
      %jit3A_102 = arith.constant 2 : i32
      %eq3A = arith.constant 0 : i32
      %eq3A_103 = arith.cmpi eq, %jit3A_102, %eq3A : i32
      %jit3A_104 = arith.constant 1 : i32
      %select_n3A_105 = arith.select %eq3A_103, %jit3A_104, %jit3A_102 : i32
      %rem3A_106 = arith.remsi %scan3A_84, %select_n3A_105 : i32
      %ne3A_107 = arith.constant 0 : i32
      %ne3A_108 = arith.cmpi ne, %rem3A_106, %ne3A_107 : i32
      %lt3A = arith.constant 0 : i32
      %lt3A_109 = arith.cmpi slt, %rem3A_106, %lt3A : i32
      %lt3A_110 = arith.constant 0 : i32
      %lt3A_111 = arith.cmpi slt, %select_n3A_105, %lt3A_110 : i32
      %ne3A_112 = arith.xori %lt3A_109, %lt3A_111 : i1
      %and3A_113 = arith.andi %ne3A_112, %ne3A_108 : i1
      %add3A_114 = arith.addi %rem3A_106, %select_n3A_105 : i32
      %select_n3A_115 = arith.select %and3A_113, %add3A_114, %rem3A_106 : i32
      %mul3A_116 = arith.constant 32 : i32
      %mul3A_117 = arith.muli %select_n3A_115, %mul3A_116 : i32
      %broadcast_in_dim3A = arith.constant 0.000000e+00 : bf16
      %broadcast_in_dim3A_118 = vector.broadcast %broadcast_in_dim3A : bf16 to vector<32xbf16>
      %swap3A = arith.index_cast %select_n3A : i32 to index
      %swap3A_119 = arith.index_cast %mul3A_117 : i32 to index
      %swap3A_120 = tpu.vector_load %arg9[%swap3A, %swap3A_119] {strides = array<i32>} : memref<64x64xbf16, #tpu.memory_space<vmem>>, vector<1x32xbf16>,
      %swap3A_121 = vector.shape_cast %swap3A_120 : vector<1x32xbf16> to vector<32xbf16>
      %swap3A_122 = vector.shape_cast %broadcast_in_dim3A_118 : vector<32xbf16> to vector<1x32xbf16>
      tpu.vector_store %arg9[%swap3A, %swap3A_119], %swap3A_122 {strides = array<i32>} : memref<64x64xbf16, #tpu.memory_space<vmem>>, vector<1x32xbf16>,
      %scan3A_123 = arith.constant 0 : i32
      scf.yield %scan3A_123 : i32
    }
    %scan3A_6 = arith.constant 128 : i32
    %scan3A_7 = arith.constant 0 : i32
    %scan3A_8 = arith.constant 0 : i32
    %scan3A_9 = arith.constant 10 : i32
    %scan3A_10 = arith.addi %scan3A_8, %scan3A_9 : i32
    %scan3A_11 = arith.constant 1 : i32
    %scan3A_12 = scf.for %scan3A_84 = %scan3A_8 to %scan3A_10 step %scan3A_11 iter_args(%scan3A_85 = %scan3A_7) -> (i32)  : i32 {
      %mul3A_86 = arith.constant 640 : i32
      %mul3A_87 = arith.muli %arg1, %mul3A_86 : i32
      %mul3A_88 = arith.constant 64 : i32
      %mul3A_89 = arith.muli %scan3A_84, %mul3A_88 : i32
      %add3A_90 = arith.addi %mul3A_87, %mul3A_89 : i32
      "tpu.region"() ({
        %run_scoped3A = tpu.sem_alloc : memref<!tpu.dma_semaphore, #tpu.memory_space<semaphore_mem>>
        %dma_start3A_92 = arith.constant 0 : i32
        %dma_start3A_93 = tpu.memref_slice %arg10[%add3A_90, %dma_start3A_92] : memref<10240x64xbf16, #tpu.memory_space<vmem_shared>> -> memref<64x64xbf16, #tpu.memory_space<vmem_shared>>
        %dma_start3A_94 = arith.constant 0 : i32
        %dma_start3A_95 = tpu.memref_slice %arg10[%add3A_90, %dma_start3A_94] : memref<10240x64xbf16, #tpu.memory_space<vmem_shared>> -> memref<64x64xbf16, #tpu.memory_space<vmem_shared>>
        tpu.enqueue_dma source(%arg9 : memref<64x64xbf16, #tpu.memory_space<vmem>>) target(%dma_start3A_95 : memref<64x64xbf16, #tpu.memory_space<vmem_shared>>) target_semaphore(%run_scoped3A : memref<!tpu.dma_semaphore, #tpu.memory_space<semaphore_mem>>)
        %dma_wait3A_96 = arith.constant 0 : i32
        %dma_wait3A_97 = tpu.memref_slice %arg10[%add3A_90, %dma_wait3A_96] : memref<10240x64xbf16, #tpu.memory_space<vmem_shared>> -> memref<64x64xbf16, #tpu.memory_space<vmem_shared>>
        %dma_wait3A_98 = arith.constant 0 : i32
        %dma_wait3A_99 = tpu.memref_slice %arg10[%add3A_90, %dma_wait3A_98] : memref<10240x64xbf16, #tpu.memory_space<vmem_shared>> -> memref<64x64xbf16, #tpu.memory_space<vmem_shared>>
        tpu.wait_dma2 semaphore(%run_scoped3A : memref<!tpu.dma_semaphore, #tpu.memory_space<semaphore_mem>>) src(%arg9 : memref<64x64xbf16, #tpu.memory_space<vmem>>) dst(%dma_wait3A_99 : memref<64x64xbf16, #tpu.memory_space<vmem_shared>>)
        tpu.yield
      }) : () -> ()
      %scan3A_91 = arith.constant 0 : i32
      scf.yield %scan3A_91 : i32
    }
    %scan3A_13 = arith.constant 10 : i32
    %mul3A_14 = arith.constant 40 : i32
    %mul3A_15 = arith.muli %add3A, %mul3A_14 : i32
    "tpu.region"() ({
      %run_scoped3A = tpu.sem_alloc : memref<!tpu.dma_semaphore, #tpu.memory_space<semaphore_mem>>
      %dma_start3A_84 = arith.constant 0 : i32
      %dma_start3A_85 = tpu.memref_slice %arg4[%mul3A_15, %dma_start3A_84] : memref<1280x256xi32, #tpu.memory_space<hbm>> -> memref<40x256xi32, #tpu.memory_space<hbm>>
      %dma_start3A_86 = arith.constant 0 : i32
      %dma_start3A_87 = tpu.memref_slice %arg4[%mul3A_15, %dma_start3A_86] : memref<1280x256xi32, #tpu.memory_space<hbm>> -> memref<40x256xi32, #tpu.memory_space<hbm>>
      tpu.enqueue_dma source(%dma_start3A_87 : memref<40x256xi32, #tpu.memory_space<hbm>>) target(%arg7 : memref<40x256xi32, #tpu.memory_space<vmem>>) target_semaphore(%run_scoped3A : memref<!tpu.dma_semaphore, #tpu.memory_space<semaphore_mem>>)
      %dma_wait3A_88 = arith.constant 0 : i32
      %dma_wait3A_89 = tpu.memref_slice %arg4[%mul3A_15, %dma_wait3A_88] : memref<1280x256xi32, #tpu.memory_space<hbm>> -> memref<40x256xi32, #tpu.memory_space<hbm>>
      %dma_wait3A_90 = arith.constant 0 : i32
      %dma_wait3A_91 = tpu.memref_slice %arg4[%mul3A_15, %dma_wait3A_90] : memref<1280x256xi32, #tpu.memory_space<hbm>> -> memref<40x256xi32, #tpu.memory_space<hbm>>
      tpu.wait_dma2 semaphore(%run_scoped3A : memref<!tpu.dma_semaphore, #tpu.memory_space<semaphore_mem>>) src(%dma_wait3A_91 : memref<40x256xi32, #tpu.memory_space<hbm>>) dst(%arg7 : memref<40x256xi32, #tpu.memory_space<vmem>>)
      tpu.yield
    }) : () -> ()
    %mul3A_16 = arith.constant 40 : i32
    %mul3A_17 = arith.muli %add3A, %mul3A_16 : i32
    "tpu.region"() ({
      %run_scoped3A = tpu.sem_alloc : memref<!tpu.dma_semaphore, #tpu.memory_space<semaphore_mem>>
      %dma_start3A_84 = arith.constant 0 : i32
      %dma_start3A_85 = tpu.memref_slice %arg3[%mul3A_17, %dma_start3A_84] : memref<1280x256xi32, #tpu.memory_space<hbm>> -> memref<40x256xi32, #tpu.memory_space<hbm>>
      %dma_start3A_86 = arith.constant 0 : i32
      %dma_start3A_87 = tpu.memref_slice %arg3[%mul3A_17, %dma_start3A_86] : memref<1280x256xi32, #tpu.memory_space<hbm>> -> memref<40x256xi32, #tpu.memory_space<hbm>>
      tpu.enqueue_dma source(%dma_start3A_87 : memref<40x256xi32, #tpu.memory_space<hbm>>) target(%arg6 : memref<40x256xi32, #tpu.memory_space<vmem>>) target_semaphore(%run_scoped3A : memref<!tpu.dma_semaphore, #tpu.memory_space<semaphore_mem>>)
      %dma_wait3A_88 = arith.constant 0 : i32
      %dma_wait3A_89 = tpu.memref_slice %arg3[%mul3A_17, %dma_wait3A_88] : memref<1280x256xi32, #tpu.memory_space<hbm>> -> memref<40x256xi32, #tpu.memory_space<hbm>>
      %dma_wait3A_90 = arith.constant 0 : i32
      %dma_wait3A_91 = tpu.memref_slice %arg3[%mul3A_17, %dma_wait3A_90] : memref<1280x256xi32, #tpu.memory_space<hbm>> -> memref<40x256xi32, #tpu.memory_space<hbm>>
      tpu.wait_dma2 semaphore(%run_scoped3A : memref<!tpu.dma_semaphore, #tpu.memory_space<semaphore_mem>>) src(%dma_wait3A_91 : memref<40x256xi32, #tpu.memory_space<hbm>>) dst(%arg6 : memref<40x256xi32, #tpu.memory_space<vmem>>)
      tpu.yield
    }) : () -> ()
    %barrier3A = arith.constant 0 : index
    tpu.barrier barrier_id(%barrier3A)
    %dma_start3A = arith.constant 0 : i32
    %dma_start3A_18 = arith.constant 0 : i32
    %dma_start3A_19 = tpu.memref_slice %arg6[%dma_start3A, %dma_start3A_18] : memref<40x256xi32, #tpu.memory_space<vmem>> -> memref<1x256xi32, #tpu.memory_space<vmem>>
    %dma_start3A_20 = tpu.memref_squeeze %dma_start3A_19 : memref<1x256xi32, #tpu.memory_space<vmem>> -> memref<256xi32, #tpu.memory_space<vmem>>
    %dma_start3A_21 = arith.constant 0 : i32
    %dma_start3A_22 = arith.constant 0 : i32
    %dma_start3A_23 = tpu.memref_slice %arg2[%dma_start3A_21, %dma_start3A_22] : memref<10000x64xbf16, #tpu.memory_space<hbm>> -> memref<10000x64xbf16, #tpu.memory_space<hbm>>
    tpu.enqueue_indirect_dma source(%dma_start3A_23 : memref<10000x64xbf16, #tpu.memory_space<hbm>>) target(%arg8 : memref<256x64xbf16, #tpu.memory_space<vmem>>) offsets(%dma_start3A_20 : memref<256xi32, #tpu.memory_space<vmem>>) semaphore(%arg11 : memref<!tpu.dma_semaphore, #tpu.memory_space<semaphore_mem>>)
    %dma_start3A_24 = arith.constant 1 : i32
    %dma_start3A_25 = arith.constant 0 : i32
    %dma_start3A_26 = tpu.memref_slice %arg6[%dma_start3A_24, %dma_start3A_25] : memref<40x256xi32, #tpu.memory_space<vmem>> -> memref<1x256xi32, #tpu.memory_space<vmem>>
    %dma_start3A_27 = tpu.memref_squeeze %dma_start3A_26 : memref<1x256xi32, #tpu.memory_space<vmem>> -> memref<256xi32, #tpu.memory_space<vmem>>
    %dma_start3A_28 = arith.constant 0 : i32
    %dma_start3A_29 = arith.constant 0 : i32
    %dma_start3A_30 = tpu.memref_slice %arg2[%dma_start3A_28, %dma_start3A_29] : memref<10000x64xbf16, #tpu.memory_space<hbm>> -> memref<10000x64xbf16, #tpu.memory_space<hbm>>
    tpu.enqueue_indirect_dma source(%dma_start3A_30 : memref<10000x64xbf16, #tpu.memory_space<hbm>>) target(%arg12 : memref<256x64xbf16, #tpu.memory_space<vmem>>) offsets(%dma_start3A_27 : memref<256xi32, #tpu.memory_space<vmem>>) semaphore(%arg15 : memref<!tpu.dma_semaphore, #tpu.memory_space<semaphore_mem>>)
    %dma_start3A_31 = arith.constant 2 : i32
    %dma_start3A_32 = arith.constant 0 : i32
    %dma_start3A_33 = tpu.memref_slice %arg6[%dma_start3A_31, %dma_start3A_32] : memref<40x256xi32, #tpu.memory_space<vmem>> -> memref<1x256xi32, #tpu.memory_space<vmem>>
    %dma_start3A_34 = tpu.memref_squeeze %dma_start3A_33 : memref<1x256xi32, #tpu.memory_space<vmem>> -> memref<256xi32, #tpu.memory_space<vmem>>
    %dma_start3A_35 = arith.constant 0 : i32
    %dma_start3A_36 = arith.constant 0 : i32
    %dma_start3A_37 = tpu.memref_slice %arg2[%dma_start3A_35, %dma_start3A_36] : memref<10000x64xbf16, #tpu.memory_space<hbm>> -> memref<10000x64xbf16, #tpu.memory_space<hbm>>
    tpu.enqueue_indirect_dma source(%dma_start3A_37 : memref<10000x64xbf16, #tpu.memory_space<hbm>>) target(%arg13 : memref<256x64xbf16, #tpu.memory_space<vmem>>) offsets(%dma_start3A_34 : memref<256xi32, #tpu.memory_space<vmem>>) semaphore(%arg16 : memref<!tpu.dma_semaphore, #tpu.memory_space<semaphore_mem>>)
    %dma_start3A_38 = arith.constant 3 : i32
    %dma_start3A_39 = arith.constant 0 : i32
    %dma_start3A_40 = tpu.memref_slice %arg6[%dma_start3A_38, %dma_start3A_39] : memref<40x256xi32, #tpu.memory_space<vmem>> -> memref<1x256xi32, #tpu.memory_space<vmem>>
    %dma_start3A_41 = tpu.memref_squeeze %dma_start3A_40 : memref<1x256xi32, #tpu.memory_space<vmem>> -> memref<256xi32, #tpu.memory_space<vmem>>
    %dma_start3A_42 = arith.constant 0 : i32
    %dma_start3A_43 = arith.constant 0 : i32
    %dma_start3A_44 = tpu.memref_slice %arg2[%dma_start3A_42, %dma_start3A_43] : memref<10000x64xbf16, #tpu.memory_space<hbm>> -> memref<10000x64xbf16, #tpu.memory_space<hbm>>
    tpu.enqueue_indirect_dma source(%dma_start3A_44 : memref<10000x64xbf16, #tpu.memory_space<hbm>>) target(%arg14 : memref<256x64xbf16, #tpu.memory_space<vmem>>) offsets(%dma_start3A_41 : memref<256xi32, #tpu.memory_space<vmem>>) semaphore(%arg17 : memref<!tpu.dma_semaphore, #tpu.memory_space<semaphore_mem>>)
    %scan3A_45 = arith.constant 0 : i32
    %scan3A_46 = arith.constant 0 : i32
    %scan3A_47 = arith.constant 10 : i32
    %scan3A_48 = arith.addi %scan3A_46, %scan3A_47 : i32
    %scan3A_49 = arith.constant 1 : i32
    %scan3A_50 = scf.for %scan3A_84 = %scan3A_46 to %scan3A_48 step %scan3A_49 iter_args(%scan3A_85 = %scan3A_45) -> (i32)  : i32 {
      %mul3A_86 = arith.constant 4 : i32
      %mul3A_87 = arith.muli %scan3A_84, %mul3A_86 : i32
      %add3A_88 = arith.constant 0 : i32
      %add3A_89 = arith.addi %mul3A_87, %add3A_88 : i32
      %dma_wait3A_90 = arith.constant 0 : i32
      %dma_wait3A_91 = tpu.memref_slice %arg6[%add3A_89, %dma_wait3A_90] : memref<40x256xi32, #tpu.memory_space<vmem>> -> memref<1x256xi32, #tpu.memory_space<vmem>>
      %dma_wait3A_92 = tpu.memref_squeeze %dma_wait3A_91 : memref<1x256xi32, #tpu.memory_space<vmem>> -> memref<256xi32, #tpu.memory_space<vmem>>
      %dma_wait3A_93 = arith.constant 0 : i32
      %dma_wait3A_94 = arith.constant 0 : i32
      %dma_wait3A_95 = tpu.memref_slice %arg2[%dma_wait3A_93, %dma_wait3A_94] : memref<10000x64xbf16, #tpu.memory_space<hbm>> -> memref<10000x64xbf16, #tpu.memory_space<hbm>>
      tpu.wait_indirect_dma semaphore(%arg11 : memref<!tpu.dma_semaphore, #tpu.memory_space<semaphore_mem>>) src(%dma_wait3A_95 : memref<10000x64xbf16, #tpu.memory_space<hbm>>) dst(%arg8 : memref<256x64xbf16, #tpu.memory_space<vmem>>)
      %add3A_96 = arith.constant 0 : i32
      %add3A_97 = arith.addi %mul3A_87, %add3A_96 : i32
      %dma_start3A_98 = arith.constant 0 : i32
      %dma_start3A_99 = tpu.memref_slice %arg7[%add3A_97, %dma_start3A_98] : memref<40x256xi32, #tpu.memory_space<vmem>> -> memref<1x256xi32, #tpu.memory_space<vmem>>
      %dma_start3A_100 = tpu.memref_squeeze %dma_start3A_99 : memref<1x256xi32, #tpu.memory_space<vmem>> -> memref<256xi32, #tpu.memory_space<vmem>>
      %dma_start3A_101 = arith.constant 0 : i32
      %dma_start3A_102 = arith.constant 0 : i32
      %dma_start3A_103 = tpu.memref_slice %arg10[%dma_start3A_101, %dma_start3A_102] : memref<10240x64xbf16, #tpu.memory_space<vmem_shared>> -> memref<10240x64xbf16, #tpu.memory_space<vmem_shared>>
      tpu.enqueue_indirect_dma source(%arg8 : memref<256x64xbf16, #tpu.memory_space<vmem>>) target(%dma_start3A_103 : memref<10240x64xbf16, #tpu.memory_space<vmem_shared>>) offsets(%dma_start3A_100 : memref<256xi32, #tpu.memory_space<vmem>>) semaphore(%arg18 : memref<!tpu.dma_semaphore, #tpu.memory_space<semaphore_mem>>) {add = true}
      %add3A_104 = arith.constant 1 : i32
      %add3A_105 = arith.addi %mul3A_87, %add3A_104 : i32
      %dma_wait3A_106 = arith.constant 0 : i32
      %dma_wait3A_107 = tpu.memref_slice %arg6[%add3A_105, %dma_wait3A_106] : memref<40x256xi32, #tpu.memory_space<vmem>> -> memref<1x256xi32, #tpu.memory_space<vmem>>
      %dma_wait3A_108 = tpu.memref_squeeze %dma_wait3A_107 : memref<1x256xi32, #tpu.memory_space<vmem>> -> memref<256xi32, #tpu.memory_space<vmem>>
      %dma_wait3A_109 = arith.constant 0 : i32
      %dma_wait3A_110 = arith.constant 0 : i32
      %dma_wait3A_111 = tpu.memref_slice %arg2[%dma_wait3A_109, %dma_wait3A_110] : memref<10000x64xbf16, #tpu.memory_space<hbm>> -> memref<10000x64xbf16, #tpu.memory_space<hbm>>
      tpu.wait_indirect_dma semaphore(%arg15 : memref<!tpu.dma_semaphore, #tpu.memory_space<semaphore_mem>>) src(%dma_wait3A_111 : memref<10000x64xbf16, #tpu.memory_space<hbm>>) dst(%arg12 : memref<256x64xbf16, #tpu.memory_space<vmem>>)
      %add3A_112 = arith.constant 1 : i32
      %add3A_113 = arith.addi %mul3A_87, %add3A_112 : i32
      %dma_start3A_114 = arith.constant 0 : i32
      %dma_start3A_115 = tpu.memref_slice %arg7[%add3A_113, %dma_start3A_114] : memref<40x256xi32, #tpu.memory_space<vmem>> -> memref<1x256xi32, #tpu.memory_space<vmem>>
      %dma_start3A_116 = tpu.memref_squeeze %dma_start3A_115 : memref<1x256xi32, #tpu.memory_space<vmem>> -> memref<256xi32, #tpu.memory_space<vmem>>
      %dma_start3A_117 = arith.constant 0 : i32
      %dma_start3A_118 = arith.constant 0 : i32
      %dma_start3A_119 = tpu.memref_slice %arg10[%dma_start3A_117, %dma_start3A_118] : memref<10240x64xbf16, #tpu.memory_space<vmem_shared>> -> memref<10240x64xbf16, #tpu.memory_space<vmem_shared>>
      tpu.enqueue_indirect_dma source(%arg12 : memref<256x64xbf16, #tpu.memory_space<vmem>>) target(%dma_start3A_119 : memref<10240x64xbf16, #tpu.memory_space<vmem_shared>>) offsets(%dma_start3A_116 : memref<256xi32, #tpu.memory_space<vmem>>) semaphore(%arg19 : memref<!tpu.dma_semaphore, #tpu.memory_space<semaphore_mem>>) {add = true}
      %add3A_120 = arith.constant 2 : i32
      %add3A_121 = arith.addi %mul3A_87, %add3A_120 : i32
      %dma_wait3A_122 = arith.constant 0 : i32
      %dma_wait3A_123 = tpu.memref_slice %arg6[%add3A_121, %dma_wait3A_122] : memref<40x256xi32, #tpu.memory_space<vmem>> -> memref<1x256xi32, #tpu.memory_space<vmem>>
      %dma_wait3A_124 = tpu.memref_squeeze %dma_wait3A_123 : memref<1x256xi32, #tpu.memory_space<vmem>> -> memref<256xi32, #tpu.memory_space<vmem>>
      %dma_wait3A_125 = arith.constant 0 : i32
      %dma_wait3A_126 = arith.constant 0 : i32
      %dma_wait3A_127 = tpu.memref_slice %arg2[%dma_wait3A_125, %dma_wait3A_126] : memref<10000x64xbf16, #tpu.memory_space<hbm>> -> memref<10000x64xbf16, #tpu.memory_space<hbm>>
      tpu.wait_indirect_dma semaphore(%arg16 : memref<!tpu.dma_semaphore, #tpu.memory_space<semaphore_mem>>) src(%dma_wait3A_127 : memref<10000x64xbf16, #tpu.memory_space<hbm>>) dst(%arg13 : memref<256x64xbf16, #tpu.memory_space<vmem>>)
      %add3A_128 = arith.constant 2 : i32
      %add3A_129 = arith.addi %mul3A_87, %add3A_128 : i32
      %dma_start3A_130 = arith.constant 0 : i32
      %dma_start3A_131 = tpu.memref_slice %arg7[%add3A_129, %dma_start3A_130] : memref<40x256xi32, #tpu.memory_space<vmem>> -> memref<1x256xi32, #tpu.memory_space<vmem>>
      %dma_start3A_132 = tpu.memref_squeeze %dma_start3A_131 : memref<1x256xi32, #tpu.memory_space<vmem>> -> memref<256xi32, #tpu.memory_space<vmem>>
      %dma_start3A_133 = arith.constant 0 : i32
      %dma_start3A_134 = arith.constant 0 : i32
      %dma_start3A_135 = tpu.memref_slice %arg10[%dma_start3A_133, %dma_start3A_134] : memref<10240x64xbf16, #tpu.memory_space<vmem_shared>> -> memref<10240x64xbf16, #tpu.memory_space<vmem_shared>>
      tpu.enqueue_indirect_dma source(%arg13 : memref<256x64xbf16, #tpu.memory_space<vmem>>) target(%dma_start3A_135 : memref<10240x64xbf16, #tpu.memory_space<vmem_shared>>) offsets(%dma_start3A_132 : memref<256xi32, #tpu.memory_space<vmem>>) semaphore(%arg20 : memref<!tpu.dma_semaphore, #tpu.memory_space<semaphore_mem>>) {add = true}
      %add3A_136 = arith.constant 3 : i32
      %add3A_137 = arith.addi %mul3A_87, %add3A_136 : i32
      %dma_wait3A_138 = arith.constant 0 : i32
      %dma_wait3A_139 = tpu.memref_slice %arg6[%add3A_137, %dma_wait3A_138] : memref<40x256xi32, #tpu.memory_space<vmem>> -> memref<1x256xi32, #tpu.memory_space<vmem>>
      %dma_wait3A_140 = tpu.memref_squeeze %dma_wait3A_139 : memref<1x256xi32, #tpu.memory_space<vmem>> -> memref<256xi32, #tpu.memory_space<vmem>>
      %dma_wait3A_141 = arith.constant 0 : i32
      %dma_wait3A_142 = arith.constant 0 : i32
      %dma_wait3A_143 = tpu.memref_slice %arg2[%dma_wait3A_141, %dma_wait3A_142] : memref<10000x64xbf16, #tpu.memory_space<hbm>> -> memref<10000x64xbf16, #tpu.memory_space<hbm>>
      tpu.wait_indirect_dma semaphore(%arg17 : memref<!tpu.dma_semaphore, #tpu.memory_space<semaphore_mem>>) src(%dma_wait3A_143 : memref<10000x64xbf16, #tpu.memory_space<hbm>>) dst(%arg14 : memref<256x64xbf16, #tpu.memory_space<vmem>>)
      %add3A_144 = arith.constant 3 : i32
      %add3A_145 = arith.addi %mul3A_87, %add3A_144 : i32
      %dma_start3A_146 = arith.constant 0 : i32
      %dma_start3A_147 = tpu.memref_slice %arg7[%add3A_145, %dma_start3A_146] : memref<40x256xi32, #tpu.memory_space<vmem>> -> memref<1x256xi32, #tpu.memory_space<vmem>>
      %dma_start3A_148 = tpu.memref_squeeze %dma_start3A_147 : memref<1x256xi32, #tpu.memory_space<vmem>> -> memref<256xi32, #tpu.memory_space<vmem>>
      %dma_start3A_149 = arith.constant 0 : i32
      %dma_start3A_150 = arith.constant 0 : i32
      %dma_start3A_151 = tpu.memref_slice %arg10[%dma_start3A_149, %dma_start3A_150] : memref<10240x64xbf16, #tpu.memory_space<vmem_shared>> -> memref<10240x64xbf16, #tpu.memory_space<vmem_shared>>
      tpu.enqueue_indirect_dma source(%arg14 : memref<256x64xbf16, #tpu.memory_space<vmem>>) target(%dma_start3A_151 : memref<10240x64xbf16, #tpu.memory_space<vmem_shared>>) offsets(%dma_start3A_148 : memref<256xi32, #tpu.memory_space<vmem>>) semaphore(%arg21 : memref<!tpu.dma_semaphore, #tpu.memory_space<semaphore_mem>>) {add = true}
      %lt3A = arith.constant 9 : i32
      %lt3A_152 = arith.cmpi slt, %scan3A_84, %lt3A : i32
      %convert_element_type3A = arith.extui %lt3A_152 : i1 to i32
      %cond3A = arith.constant 0 : i32
      %cond3A_153 = arith.cmpi ne, %convert_element_type3A, %cond3A : i32
      scf.if %cond3A_153 {
        %add3A_155 = arith.constant 0 : i32
        %add3A_156 = arith.addi %mul3A_87, %add3A_155 : i32
        %dma_wait3A_157 = arith.constant 0 : i32
        %dma_wait3A_158 = tpu.memref_slice %arg7[%add3A_156, %dma_wait3A_157] : memref<40x256xi32, #tpu.memory_space<vmem>> -> memref<1x256xi32, #tpu.memory_space<vmem>>
        %dma_wait3A_159 = tpu.memref_squeeze %dma_wait3A_158 : memref<1x256xi32, #tpu.memory_space<vmem>> -> memref<256xi32, #tpu.memory_space<vmem>>
        %dma_wait3A_160 = arith.constant 0 : i32
        %dma_wait3A_161 = arith.constant 0 : i32
        %dma_wait3A_162 = tpu.memref_slice %arg10[%dma_wait3A_160, %dma_wait3A_161] : memref<10240x64xbf16, #tpu.memory_space<vmem_shared>> -> memref<10240x64xbf16, #tpu.memory_space<vmem_shared>>
        tpu.wait_indirect_dma semaphore(%arg18 : memref<!tpu.dma_semaphore, #tpu.memory_space<semaphore_mem>>) src(%arg8 : memref<256x64xbf16, #tpu.memory_space<vmem>>) dst(%dma_wait3A_162 : memref<10240x64xbf16, #tpu.memory_space<vmem_shared>>)
        %add3A_163 = arith.constant 4 : i32
        %add3A_164 = arith.addi %mul3A_87, %add3A_163 : i32
        %add3A_165 = arith.constant 0 : i32
        %add3A_166 = arith.addi %add3A_164, %add3A_165 : i32
        %dma_start3A_167 = arith.constant 0 : i32
        %dma_start3A_168 = tpu.memref_slice %arg6[%add3A_166, %dma_start3A_167] : memref<40x256xi32, #tpu.memory_space<vmem>> -> memref<1x256xi32, #tpu.memory_space<vmem>>
        %dma_start3A_169 = tpu.memref_squeeze %dma_start3A_168 : memref<1x256xi32, #tpu.memory_space<vmem>> -> memref<256xi32, #tpu.memory_space<vmem>>
        %dma_start3A_170 = arith.constant 0 : i32
        %dma_start3A_171 = arith.constant 0 : i32
        %dma_start3A_172 = tpu.memref_slice %arg2[%dma_start3A_170, %dma_start3A_171] : memref<10000x64xbf16, #tpu.memory_space<hbm>> -> memref<10000x64xbf16, #tpu.memory_space<hbm>>
        tpu.enqueue_indirect_dma source(%dma_start3A_172 : memref<10000x64xbf16, #tpu.memory_space<hbm>>) target(%arg8 : memref<256x64xbf16, #tpu.memory_space<vmem>>) offsets(%dma_start3A_169 : memref<256xi32, #tpu.memory_space<vmem>>) semaphore(%arg11 : memref<!tpu.dma_semaphore, #tpu.memory_space<semaphore_mem>>)
        %add3A_173 = arith.constant 1 : i32
        %add3A_174 = arith.addi %mul3A_87, %add3A_173 : i32
        %dma_wait3A_175 = arith.constant 0 : i32
        %dma_wait3A_176 = tpu.memref_slice %arg7[%add3A_174, %dma_wait3A_175] : memref<40x256xi32, #tpu.memory_space<vmem>> -> memref<1x256xi32, #tpu.memory_space<vmem>>
        %dma_wait3A_177 = tpu.memref_squeeze %dma_wait3A_176 : memref<1x256xi32, #tpu.memory_space<vmem>> -> memref<256xi32, #tpu.memory_space<vmem>>
        %dma_wait3A_178 = arith.constant 0 : i32
        %dma_wait3A_179 = arith.constant 0 : i32
        %dma_wait3A_180 = tpu.memref_slice %arg10[%dma_wait3A_178, %dma_wait3A_179] : memref<10240x64xbf16, #tpu.memory_space<vmem_shared>> -> memref<10240x64xbf16, #tpu.memory_space<vmem_shared>>
        tpu.wait_indirect_dma semaphore(%arg19 : memref<!tpu.dma_semaphore, #tpu.memory_space<semaphore_mem>>) src(%arg12 : memref<256x64xbf16, #tpu.memory_space<vmem>>) dst(%dma_wait3A_180 : memref<10240x64xbf16, #tpu.memory_space<vmem_shared>>)
        %add3A_181 = arith.constant 4 : i32
        %add3A_182 = arith.addi %mul3A_87, %add3A_181 : i32
        %add3A_183 = arith.constant 1 : i32
        %add3A_184 = arith.addi %add3A_182, %add3A_183 : i32
        %dma_start3A_185 = arith.constant 0 : i32
        %dma_start3A_186 = tpu.memref_slice %arg6[%add3A_184, %dma_start3A_185] : memref<40x256xi32, #tpu.memory_space<vmem>> -> memref<1x256xi32, #tpu.memory_space<vmem>>
        %dma_start3A_187 = tpu.memref_squeeze %dma_start3A_186 : memref<1x256xi32, #tpu.memory_space<vmem>> -> memref<256xi32, #tpu.memory_space<vmem>>
        %dma_start3A_188 = arith.constant 0 : i32
        %dma_start3A_189 = arith.constant 0 : i32
        %dma_start3A_190 = tpu.memref_slice %arg2[%dma_start3A_188, %dma_start3A_189] : memref<10000x64xbf16, #tpu.memory_space<hbm>> -> memref<10000x64xbf16, #tpu.memory_space<hbm>>
        tpu.enqueue_indirect_dma source(%dma_start3A_190 : memref<10000x64xbf16, #tpu.memory_space<hbm>>) target(%arg12 : memref<256x64xbf16, #tpu.memory_space<vmem>>) offsets(%dma_start3A_187 : memref<256xi32, #tpu.memory_space<vmem>>) semaphore(%arg15 : memref<!tpu.dma_semaphore, #tpu.memory_space<semaphore_mem>>)
        %add3A_191 = arith.constant 2 : i32
        %add3A_192 = arith.addi %mul3A_87, %add3A_191 : i32
        %dma_wait3A_193 = arith.constant 0 : i32
        %dma_wait3A_194 = tpu.memref_slice %arg7[%add3A_192, %dma_wait3A_193] : memref<40x256xi32, #tpu.memory_space<vmem>> -> memref<1x256xi32, #tpu.memory_space<vmem>>
        %dma_wait3A_195 = tpu.memref_squeeze %dma_wait3A_194 : memref<1x256xi32, #tpu.memory_space<vmem>> -> memref<256xi32, #tpu.memory_space<vmem>>
        %dma_wait3A_196 = arith.constant 0 : i32
        %dma_wait3A_197 = arith.constant 0 : i32
        %dma_wait3A_198 = tpu.memref_slice %arg10[%dma_wait3A_196, %dma_wait3A_197] : memref<10240x64xbf16, #tpu.memory_space<vmem_shared>> -> memref<10240x64xbf16, #tpu.memory_space<vmem_shared>>
        tpu.wait_indirect_dma semaphore(%arg20 : memref<!tpu.dma_semaphore, #tpu.memory_space<semaphore_mem>>) src(%arg13 : memref<256x64xbf16, #tpu.memory_space<vmem>>) dst(%dma_wait3A_198 : memref<10240x64xbf16, #tpu.memory_space<vmem_shared>>)
        %add3A_199 = arith.constant 4 : i32
        %add3A_200 = arith.addi %mul3A_87, %add3A_199 : i32
        %add3A_201 = arith.constant 2 : i32
        %add3A_202 = arith.addi %add3A_200, %add3A_201 : i32
        %dma_start3A_203 = arith.constant 0 : i32
        %dma_start3A_204 = tpu.memref_slice %arg6[%add3A_202, %dma_start3A_203] : memref<40x256xi32, #tpu.memory_space<vmem>> -> memref<1x256xi32, #tpu.memory_space<vmem>>
        %dma_start3A_205 = tpu.memref_squeeze %dma_start3A_204 : memref<1x256xi32, #tpu.memory_space<vmem>> -> memref<256xi32, #tpu.memory_space<vmem>>
        %dma_start3A_206 = arith.constant 0 : i32
        %dma_start3A_207 = arith.constant 0 : i32
        %dma_start3A_208 = tpu.memref_slice %arg2[%dma_start3A_206, %dma_start3A_207] : memref<10000x64xbf16, #tpu.memory_space<hbm>> -> memref<10000x64xbf16, #tpu.memory_space<hbm>>
        tpu.enqueue_indirect_dma source(%dma_start3A_208 : memref<10000x64xbf16, #tpu.memory_space<hbm>>) target(%arg13 : memref<256x64xbf16, #tpu.memory_space<vmem>>) offsets(%dma_start3A_205 : memref<256xi32, #tpu.memory_space<vmem>>) semaphore(%arg16 : memref<!tpu.dma_semaphore, #tpu.memory_space<semaphore_mem>>)
        %add3A_209 = arith.constant 3 : i32
        %add3A_210 = arith.addi %mul3A_87, %add3A_209 : i32
        %dma_wait3A_211 = arith.constant 0 : i32
        %dma_wait3A_212 = tpu.memref_slice %arg7[%add3A_210, %dma_wait3A_211] : memref<40x256xi32, #tpu.memory_space<vmem>> -> memref<1x256xi32, #tpu.memory_space<vmem>>
        %dma_wait3A_213 = tpu.memref_squeeze %dma_wait3A_212 : memref<1x256xi32, #tpu.memory_space<vmem>> -> memref<256xi32, #tpu.memory_space<vmem>>
        %dma_wait3A_214 = arith.constant 0 : i32
        %dma_wait3A_215 = arith.constant 0 : i32
        %dma_wait3A_216 = tpu.memref_slice %arg10[%dma_wait3A_214, %dma_wait3A_215] : memref<10240x64xbf16, #tpu.memory_space<vmem_shared>> -> memref<10240x64xbf16, #tpu.memory_space<vmem_shared>>
        tpu.wait_indirect_dma semaphore(%arg21 : memref<!tpu.dma_semaphore, #tpu.memory_space<semaphore_mem>>) src(%arg14 : memref<256x64xbf16, #tpu.memory_space<vmem>>) dst(%dma_wait3A_216 : memref<10240x64xbf16, #tpu.memory_space<vmem_shared>>)
        %add3A_217 = arith.constant 4 : i32
        %add3A_218 = arith.addi %mul3A_87, %add3A_217 : i32
        %add3A_219 = arith.constant 3 : i32
        %add3A_220 = arith.addi %add3A_218, %add3A_219 : i32
        %dma_start3A_221 = arith.constant 0 : i32
        %dma_start3A_222 = tpu.memref_slice %arg6[%add3A_220, %dma_start3A_221] : memref<40x256xi32, #tpu.memory_space<vmem>> -> memref<1x256xi32, #tpu.memory_space<vmem>>
        %dma_start3A_223 = tpu.memref_squeeze %dma_start3A_222 : memref<1x256xi32, #tpu.memory_space<vmem>> -> memref<256xi32, #tpu.memory_space<vmem>>
        %dma_start3A_224 = arith.constant 0 : i32
        %dma_start3A_225 = arith.constant 0 : i32
        %dma_start3A_226 = tpu.memref_slice %arg2[%dma_start3A_224, %dma_start3A_225] : memref<10000x64xbf16, #tpu.memory_space<hbm>> -> memref<10000x64xbf16, #tpu.memory_space<hbm>>
        tpu.enqueue_indirect_dma source(%dma_start3A_226 : memref<10000x64xbf16, #tpu.memory_space<hbm>>) target(%arg14 : memref<256x64xbf16, #tpu.memory_space<vmem>>) offsets(%dma_start3A_223 : memref<256xi32, #tpu.memory_space<vmem>>) semaphore(%arg17 : memref<!tpu.dma_semaphore, #tpu.memory_space<semaphore_mem>>)
      } else {
      }
      %scan3A_154 = arith.constant 0 : i32
      scf.yield %scan3A_154 : i32
    }
    %scan3A_51 = arith.constant 10 : i32
    %dma_wait3A = arith.constant 36 : i32
    %dma_wait3A_52 = arith.constant 0 : i32
    %dma_wait3A_53 = tpu.memref_slice %arg7[%dma_wait3A, %dma_wait3A_52] : memref<40x256xi32, #tpu.memory_space<vmem>> -> memref<1x256xi32, #tpu.memory_space<vmem>>
    %dma_wait3A_54 = tpu.memref_squeeze %dma_wait3A_53 : memref<1x256xi32, #tpu.memory_space<vmem>> -> memref<256xi32, #tpu.memory_space<vmem>>
    %dma_wait3A_55 = arith.constant 0 : i32
    %dma_wait3A_56 = arith.constant 0 : i32
    %dma_wait3A_57 = tpu.memref_slice %arg10[%dma_wait3A_55, %dma_wait3A_56] : memref<10240x64xbf16, #tpu.memory_space<vmem_shared>> -> memref<10240x64xbf16, #tpu.memory_space<vmem_shared>>
    tpu.wait_indirect_dma semaphore(%arg18 : memref<!tpu.dma_semaphore, #tpu.memory_space<semaphore_mem>>) src(%arg8 : memref<256x64xbf16, #tpu.memory_space<vmem>>) dst(%dma_wait3A_57 : memref<10240x64xbf16, #tpu.memory_space<vmem_shared>>)
    %dma_wait3A_58 = arith.constant 37 : i32
    %dma_wait3A_59 = arith.constant 0 : i32
    %dma_wait3A_60 = tpu.memref_slice %arg7[%dma_wait3A_58, %dma_wait3A_59] : memref<40x256xi32, #tpu.memory_space<vmem>> -> memref<1x256xi32, #tpu.memory_space<vmem>>
    %dma_wait3A_61 = tpu.memref_squeeze %dma_wait3A_60 : memref<1x256xi32, #tpu.memory_space<vmem>> -> memref<256xi32, #tpu.memory_space<vmem>>
    %dma_wait3A_62 = arith.constant 0 : i32
    %dma_wait3A_63 = arith.constant 0 : i32
    %dma_wait3A_64 = tpu.memref_slice %arg10[%dma_wait3A_62, %dma_wait3A_63] : memref<10240x64xbf16, #tpu.memory_space<vmem_shared>> -> memref<10240x64xbf16, #tpu.memory_space<vmem_shared>>
    tpu.wait_indirect_dma semaphore(%arg19 : memref<!tpu.dma_semaphore, #tpu.memory_space<semaphore_mem>>) src(%arg12 : memref<256x64xbf16, #tpu.memory_space<vmem>>) dst(%dma_wait3A_64 : memref<10240x64xbf16, #tpu.memory_space<vmem_shared>>)
    %dma_wait3A_65 = arith.constant 38 : i32
    %dma_wait3A_66 = arith.constant 0 : i32
    %dma_wait3A_67 = tpu.memref_slice %arg7[%dma_wait3A_65, %dma_wait3A_66] : memref<40x256xi32, #tpu.memory_space<vmem>> -> memref<1x256xi32, #tpu.memory_space<vmem>>
    %dma_wait3A_68 = tpu.memref_squeeze %dma_wait3A_67 : memref<1x256xi32, #tpu.memory_space<vmem>> -> memref<256xi32, #tpu.memory_space<vmem>>
    %dma_wait3A_69 = arith.constant 0 : i32
    %dma_wait3A_70 = arith.constant 0 : i32
    %dma_wait3A_71 = tpu.memref_slice %arg10[%dma_wait3A_69, %dma_wait3A_70] : memref<10240x64xbf16, #tpu.memory_space<vmem_shared>> -> memref<10240x64xbf16, #tpu.memory_space<vmem_shared>>
    tpu.wait_indirect_dma semaphore(%arg20 : memref<!tpu.dma_semaphore, #tpu.memory_space<semaphore_mem>>) src(%arg13 : memref<256x64xbf16, #tpu.memory_space<vmem>>) dst(%dma_wait3A_71 : memref<10240x64xbf16, #tpu.memory_space<vmem_shared>>)
    %dma_wait3A_72 = arith.constant 39 : i32
    %dma_wait3A_73 = arith.constant 0 : i32
    %dma_wait3A_74 = tpu.memref_slice %arg7[%dma_wait3A_72, %dma_wait3A_73] : memref<40x256xi32, #tpu.memory_space<vmem>> -> memref<1x256xi32, #tpu.memory_space<vmem>>
    %dma_wait3A_75 = tpu.memref_squeeze %dma_wait3A_74 : memref<1x256xi32, #tpu.memory_space<vmem>> -> memref<256xi32, #tpu.memory_space<vmem>>
    %dma_wait3A_76 = arith.constant 0 : i32
    %dma_wait3A_77 = arith.constant 0 : i32
    %dma_wait3A_78 = tpu.memref_slice %arg10[%dma_wait3A_76, %dma_wait3A_77] : memref<10240x64xbf16, #tpu.memory_space<vmem_shared>> -> memref<10240x64xbf16, #tpu.memory_space<vmem_shared>>
    tpu.wait_indirect_dma semaphore(%arg21 : memref<!tpu.dma_semaphore, #tpu.memory_space<semaphore_mem>>) src(%arg14 : memref<256x64xbf16, #tpu.memory_space<vmem>>) dst(%dma_wait3A_78 : memref<10240x64xbf16, #tpu.memory_space<vmem_shared>>)
    %barrier3A_79 = arith.constant 0 : index
    tpu.barrier barrier_id(%barrier3A_79)
    %mul3A_80 = arith.constant 640 : i32
    %mul3A_81 = arith.muli %arg1, %mul3A_80 : i32
    %mul3A_82 = arith.constant 640 : i32
    %mul3A_83 = arith.muli %arg1, %mul3A_82 : i32
    "tpu.region"() ({
      %run_scoped3A = tpu.sem_alloc : memref<!tpu.dma_semaphore, #tpu.memory_space<semaphore_mem>>
      %dma_start3A_84 = arith.constant 0 : i32
      %dma_start3A_85 = tpu.memref_slice %arg5[%arg0, %mul3A_83, %dma_start3A_84] : memref<2x10240x64xbf16, #tpu.memory_space<hbm>> -> memref<1x640x64xbf16, #tpu.memory_space<hbm>>
      %dma_start3A_86 = tpu.memref_squeeze %dma_start3A_85 : memref<1x640x64xbf16, #tpu.memory_space<hbm>> -> memref<640x64xbf16, #tpu.memory_space<hbm>>
      %dma_start3A_87 = arith.constant 0 : i32
      %dma_start3A_88 = tpu.memref_slice %arg10[%mul3A_81, %dma_start3A_87] : memref<10240x64xbf16, #tpu.memory_space<vmem_shared>> -> memref<640x64xbf16, #tpu.memory_space<vmem_shared>>
      tpu.enqueue_dma source(%dma_start3A_88 : memref<640x64xbf16, #tpu.memory_space<vmem_shared>>) target(%dma_start3A_86 : memref<640x64xbf16, #tpu.memory_space<hbm>>) target_semaphore(%run_scoped3A : memref<!tpu.dma_semaphore, #tpu.memory_space<semaphore_mem>>)
      %dma_wait3A_89 = arith.constant 0 : i32
      %dma_wait3A_90 = tpu.memref_slice %arg5[%arg0, %mul3A_83, %dma_wait3A_89] : memref<2x10240x64xbf16, #tpu.memory_space<hbm>> -> memref<1x640x64xbf16, #tpu.memory_space<hbm>>
      %dma_wait3A_91 = tpu.memref_squeeze %dma_wait3A_90 : memref<1x640x64xbf16, #tpu.memory_space<hbm>> -> memref<640x64xbf16, #tpu.memory_space<hbm>>
      %dma_wait3A_92 = arith.constant 0 : i32
      %dma_wait3A_93 = tpu.memref_slice %arg10[%mul3A_81, %dma_wait3A_92] : memref<10240x64xbf16, #tpu.memory_space<vmem_shared>> -> memref<640x64xbf16, #tpu.memory_space<vmem_shared>>
      tpu.wait_dma2 semaphore(%run_scoped3A : memref<!tpu.dma_semaphore, #tpu.memory_space<semaphore_mem>>) src(%dma_wait3A_93 : memref<640x64xbf16, #tpu.memory_space<vmem_shared>>) dst(%dma_wait3A_91 : memref<640x64xbf16, #tpu.memory_space<hbm>>)
      tpu.yield
    }) : () -> ()
    return
  }
}

#map = affine_map<(d0, d1) -> (0, 0)>
#map1 = affine_map<(d0, d1) -> (0, 0, 0)>
module attributes {stable_mosaic.version = 14 : i64} {
  func.func @body(%arg0: i32, %arg1: i32, %arg2: memref<10000x16xbf16, #tpu.memory_space<hbm>>, %arg3: memref<1280x256xi32, #tpu.memory_space<hbm>>, %arg4: memref<1280x256xi32, #tpu.memory_space<hbm>>, %arg5: memref<2x10240x16xbf16, #tpu.memory_space<hbm>>, %arg6: memref<40x256xi32, #tpu.memory_space<vmem>>, %arg7: memref<40x256xi32, #tpu.memory_space<vmem>>, %arg8: memref<256x16xbf16, #tpu.memory_space<vmem>>, %arg9: memref<64x16xbf16, #tpu.memory_space<vmem>>, %arg10: memref<10240x16xbf16, #tpu.memory_space<vmem_shared>>, %arg11: memref<!tpu.dma_semaphore, #tpu.memory_space<semaphore_mem>>, %arg12: memref<256x16xbf16, #tpu.memory_space<vmem>>, %arg13: memref<256x16xbf16, #tpu.memory_space<vmem>>, %arg14: memref<256x16xbf16, #tpu.memory_space<vmem>>, %arg15: memref<256x16xbf16, #tpu.memory_space<vmem>>, %arg16: memref<256x16xbf16, #tpu.memory_space<vmem>>, %arg17: memref<256x16xbf16, #tpu.memory_space<vmem>>, %arg18: memref<256x16xbf16, #tpu.memory_space<vmem>>, %arg19: memref<!tpu.dma_semaphore, #tpu.memory_space<semaphore_mem>>, %arg20: memref<!tpu.dma_semaphore, #tpu.memory_space<semaphore_mem>>, %arg21: memref<!tpu.dma_semaphore, #tpu.memory_space<semaphore_mem>>, %arg22: memref<!tpu.dma_semaphore, #tpu.memory_space<semaphore_mem>>, %arg23: memref<!tpu.dma_semaphore, #tpu.memory_space<semaphore_mem>>, %arg24: memref<!tpu.dma_semaphore, #tpu.memory_space<semaphore_mem>>, %arg25: memref<!tpu.dma_semaphore, #tpu.memory_space<semaphore_mem>>, %arg26: memref<!tpu.dma_semaphore, #tpu.memory_space<semaphore_mem>>, %arg27: memref<!tpu.dma_semaphore, #tpu.memory_space<semaphore_mem>>, %arg28: memref<!tpu.dma_semaphore, #tpu.memory_space<semaphore_mem>>, %arg29: memref<!tpu.dma_semaphore, #tpu.memory_space<semaphore_mem>>, %arg30: memref<!tpu.dma_semaphore, #tpu.memory_space<semaphore_mem>>, %arg31: memref<!tpu.dma_semaphore, #tpu.memory_space<semaphore_mem>>, %arg32: memref<!tpu.dma_semaphore, #tpu.memory_space<semaphore_mem>>, %arg33: memref<!tpu.dma_semaphore, #tpu.memory_space<semaphore_mem>>) attributes {dimension_semantics = [#tpu.dimension_semantics<core_parallel>, #tpu.dimension_semantics<subcore_parallel>], iteration_bounds = array<i64: 2, 16>, scalar_prefetch = 0 : i64, scratch_operands = 28 : i64, tpu.core_type = #tpu.core_type<sc_vector_subcore>, window_params = [{transform_indices = #map}, {transform_indices = #map}, {transform_indices = #map}, {transform_indices = #map1}]} {
    %mul3A = arith.constant 16 : i32
    %mul3A_0 = arith.muli %arg0, %mul3A : i32
    %add3A = arith.addi %mul3A_0, %arg1 : i32
    %scan3A = arith.constant 0 : i32
    %scan3A_1 = arith.constant 0 : i32
    %scan3A_2 = arith.constant 0 : i32
    %scan3A_3 = arith.addi %scan3A_1, %scan3A_2 : i32
    %scan3A_4 = arith.constant 0 : i32
    %scan3A_5 = arith.constant 0 : i32
    %scan3A_6 = arith.constant 0 : i32
    %scan3A_7 = arith.constant 10 : i32
    %scan3A_8 = arith.addi %scan3A_6, %scan3A_7 : i32
    %scan3A_9 = arith.constant 1 : i32
    %scan3A_10 = scf.for %scan3A_138 = %scan3A_6 to %scan3A_8 step %scan3A_9 iter_args(%scan3A_139 = %scan3A_5) -> (i32)  : i32 {
      %mul3A_140 = arith.constant 640 : i32
      %mul3A_141 = arith.muli %arg1, %mul3A_140 : i32
      %mul3A_142 = arith.constant 64 : i32
      %mul3A_143 = arith.muli %scan3A_138, %mul3A_142 : i32
      %add3A_144 = arith.addi %mul3A_141, %mul3A_143 : i32
      "tpu.region"() ({
        %run_scoped3A = tpu.sem_alloc : memref<!tpu.dma_semaphore, #tpu.memory_space<semaphore_mem>>
        %dma_start3A_146 = arith.constant 0 : i32
        %dma_start3A_147 = tpu.memref_slice %arg10[%add3A_144, %dma_start3A_146] : memref<10240x16xbf16, #tpu.memory_space<vmem_shared>> -> memref<64x16xbf16, #tpu.memory_space<vmem_shared>>
        %dma_start3A_148 = arith.constant 0 : i32
        %dma_start3A_149 = tpu.memref_slice %arg10[%add3A_144, %dma_start3A_148] : memref<10240x16xbf16, #tpu.memory_space<vmem_shared>> -> memref<64x16xbf16, #tpu.memory_space<vmem_shared>>
        tpu.enqueue_dma source(%arg9 : memref<64x16xbf16, #tpu.memory_space<vmem>>) target(%dma_start3A_149 : memref<64x16xbf16, #tpu.memory_space<vmem_shared>>) target_semaphore(%run_scoped3A : memref<!tpu.dma_semaphore, #tpu.memory_space<semaphore_mem>>)
        %dma_wait3A_150 = arith.constant 0 : i32
        %dma_wait3A_151 = tpu.memref_slice %arg10[%add3A_144, %dma_wait3A_150] : memref<10240x16xbf16, #tpu.memory_space<vmem_shared>> -> memref<64x16xbf16, #tpu.memory_space<vmem_shared>>
        %dma_wait3A_152 = arith.constant 0 : i32
        %dma_wait3A_153 = tpu.memref_slice %arg10[%add3A_144, %dma_wait3A_152] : memref<10240x16xbf16, #tpu.memory_space<vmem_shared>> -> memref<64x16xbf16, #tpu.memory_space<vmem_shared>>
        tpu.wait_dma2 semaphore(%run_scoped3A : memref<!tpu.dma_semaphore, #tpu.memory_space<semaphore_mem>>) src(%arg9 : memref<64x16xbf16, #tpu.memory_space<vmem>>) dst(%dma_wait3A_153 : memref<64x16xbf16, #tpu.memory_space<vmem_shared>>)
        tpu.yield
      }) : () -> ()
      %scan3A_145 = arith.constant 0 : i32
      scf.yield %scan3A_145 : i32
    }
    %scan3A_11 = arith.constant 10 : i32
    %mul3A_12 = arith.constant 40 : i32
    %mul3A_13 = arith.muli %add3A, %mul3A_12 : i32
    "tpu.region"() ({
      %run_scoped3A = tpu.sem_alloc : memref<!tpu.dma_semaphore, #tpu.memory_space<semaphore_mem>>
      %dma_start3A_138 = arith.constant 0 : i32
      %dma_start3A_139 = tpu.memref_slice %arg4[%mul3A_13, %dma_start3A_138] : memref<1280x256xi32, #tpu.memory_space<hbm>> -> memref<40x256xi32, #tpu.memory_space<hbm>>
      %dma_start3A_140 = arith.constant 0 : i32
      %dma_start3A_141 = tpu.memref_slice %arg4[%mul3A_13, %dma_start3A_140] : memref<1280x256xi32, #tpu.memory_space<hbm>> -> memref<40x256xi32, #tpu.memory_space<hbm>>
      tpu.enqueue_dma source(%dma_start3A_141 : memref<40x256xi32, #tpu.memory_space<hbm>>) target(%arg7 : memref<40x256xi32, #tpu.memory_space<vmem>>) target_semaphore(%run_scoped3A : memref<!tpu.dma_semaphore, #tpu.memory_space<semaphore_mem>>)
      %dma_wait3A_142 = arith.constant 0 : i32
      %dma_wait3A_143 = tpu.memref_slice %arg4[%mul3A_13, %dma_wait3A_142] : memref<1280x256xi32, #tpu.memory_space<hbm>> -> memref<40x256xi32, #tpu.memory_space<hbm>>
      %dma_wait3A_144 = arith.constant 0 : i32
      %dma_wait3A_145 = tpu.memref_slice %arg4[%mul3A_13, %dma_wait3A_144] : memref<1280x256xi32, #tpu.memory_space<hbm>> -> memref<40x256xi32, #tpu.memory_space<hbm>>
      tpu.wait_dma2 semaphore(%run_scoped3A : memref<!tpu.dma_semaphore, #tpu.memory_space<semaphore_mem>>) src(%dma_wait3A_145 : memref<40x256xi32, #tpu.memory_space<hbm>>) dst(%arg7 : memref<40x256xi32, #tpu.memory_space<vmem>>)
      tpu.yield
    }) : () -> ()
    %mul3A_14 = arith.constant 40 : i32
    %mul3A_15 = arith.muli %add3A, %mul3A_14 : i32
    "tpu.region"() ({
      %run_scoped3A = tpu.sem_alloc : memref<!tpu.dma_semaphore, #tpu.memory_space<semaphore_mem>>
      %dma_start3A_138 = arith.constant 0 : i32
      %dma_start3A_139 = tpu.memref_slice %arg3[%mul3A_15, %dma_start3A_138] : memref<1280x256xi32, #tpu.memory_space<hbm>> -> memref<40x256xi32, #tpu.memory_space<hbm>>
      %dma_start3A_140 = arith.constant 0 : i32
      %dma_start3A_141 = tpu.memref_slice %arg3[%mul3A_15, %dma_start3A_140] : memref<1280x256xi32, #tpu.memory_space<hbm>> -> memref<40x256xi32, #tpu.memory_space<hbm>>
      tpu.enqueue_dma source(%dma_start3A_141 : memref<40x256xi32, #tpu.memory_space<hbm>>) target(%arg6 : memref<40x256xi32, #tpu.memory_space<vmem>>) target_semaphore(%run_scoped3A : memref<!tpu.dma_semaphore, #tpu.memory_space<semaphore_mem>>)
      %dma_wait3A_142 = arith.constant 0 : i32
      %dma_wait3A_143 = tpu.memref_slice %arg3[%mul3A_15, %dma_wait3A_142] : memref<1280x256xi32, #tpu.memory_space<hbm>> -> memref<40x256xi32, #tpu.memory_space<hbm>>
      %dma_wait3A_144 = arith.constant 0 : i32
      %dma_wait3A_145 = tpu.memref_slice %arg3[%mul3A_15, %dma_wait3A_144] : memref<1280x256xi32, #tpu.memory_space<hbm>> -> memref<40x256xi32, #tpu.memory_space<hbm>>
      tpu.wait_dma2 semaphore(%run_scoped3A : memref<!tpu.dma_semaphore, #tpu.memory_space<semaphore_mem>>) src(%dma_wait3A_145 : memref<40x256xi32, #tpu.memory_space<hbm>>) dst(%arg6 : memref<40x256xi32, #tpu.memory_space<vmem>>)
      tpu.yield
    }) : () -> ()
    %barrier3A = arith.constant 0 : index
    tpu.barrier barrier_id(%barrier3A)
    %dma_start3A = arith.constant 0 : i32
    %dma_start3A_16 = arith.constant 0 : i32
    %dma_start3A_17 = tpu.memref_slice %arg6[%dma_start3A, %dma_start3A_16] : memref<40x256xi32, #tpu.memory_space<vmem>> -> memref<1x256xi32, #tpu.memory_space<vmem>>
    %dma_start3A_18 = tpu.memref_squeeze %dma_start3A_17 : memref<1x256xi32, #tpu.memory_space<vmem>> -> memref<256xi32, #tpu.memory_space<vmem>>
    %dma_start3A_19 = arith.constant 0 : i32
    %dma_start3A_20 = arith.constant 0 : i32
    %dma_start3A_21 = tpu.memref_slice %arg2[%dma_start3A_19, %dma_start3A_20] : memref<10000x16xbf16, #tpu.memory_space<hbm>> -> memref<10000x16xbf16, #tpu.memory_space<hbm>>
    tpu.enqueue_indirect_dma source(%dma_start3A_21 : memref<10000x16xbf16, #tpu.memory_space<hbm>>) target(%arg8 : memref<256x16xbf16, #tpu.memory_space<vmem>>) offsets(%dma_start3A_18 : memref<256xi32, #tpu.memory_space<vmem>>) semaphore(%arg11 : memref<!tpu.dma_semaphore, #tpu.memory_space<semaphore_mem>>)
    %dma_start3A_22 = arith.constant 1 : i32
    %dma_start3A_23 = arith.constant 0 : i32
    %dma_start3A_24 = tpu.memref_slice %arg6[%dma_start3A_22, %dma_start3A_23] : memref<40x256xi32, #tpu.memory_space<vmem>> -> memref<1x256xi32, #tpu.memory_space<vmem>>
    %dma_start3A_25 = tpu.memref_squeeze %dma_start3A_24 : memref<1x256xi32, #tpu.memory_space<vmem>> -> memref<256xi32, #tpu.memory_space<vmem>>
    %dma_start3A_26 = arith.constant 0 : i32
    %dma_start3A_27 = arith.constant 0 : i32
    %dma_start3A_28 = tpu.memref_slice %arg2[%dma_start3A_26, %dma_start3A_27] : memref<10000x16xbf16, #tpu.memory_space<hbm>> -> memref<10000x16xbf16, #tpu.memory_space<hbm>>
    tpu.enqueue_indirect_dma source(%dma_start3A_28 : memref<10000x16xbf16, #tpu.memory_space<hbm>>) target(%arg12 : memref<256x16xbf16, #tpu.memory_space<vmem>>) offsets(%dma_start3A_25 : memref<256xi32, #tpu.memory_space<vmem>>) semaphore(%arg19 : memref<!tpu.dma_semaphore, #tpu.memory_space<semaphore_mem>>)
    %dma_start3A_29 = arith.constant 2 : i32
    %dma_start3A_30 = arith.constant 0 : i32
    %dma_start3A_31 = tpu.memref_slice %arg6[%dma_start3A_29, %dma_start3A_30] : memref<40x256xi32, #tpu.memory_space<vmem>> -> memref<1x256xi32, #tpu.memory_space<vmem>>
    %dma_start3A_32 = tpu.memref_squeeze %dma_start3A_31 : memref<1x256xi32, #tpu.memory_space<vmem>> -> memref<256xi32, #tpu.memory_space<vmem>>
    %dma_start3A_33 = arith.constant 0 : i32
    %dma_start3A_34 = arith.constant 0 : i32
    %dma_start3A_35 = tpu.memref_slice %arg2[%dma_start3A_33, %dma_start3A_34] : memref<10000x16xbf16, #tpu.memory_space<hbm>> -> memref<10000x16xbf16, #tpu.memory_space<hbm>>
    tpu.enqueue_indirect_dma source(%dma_start3A_35 : memref<10000x16xbf16, #tpu.memory_space<hbm>>) target(%arg13 : memref<256x16xbf16, #tpu.memory_space<vmem>>) offsets(%dma_start3A_32 : memref<256xi32, #tpu.memory_space<vmem>>) semaphore(%arg20 : memref<!tpu.dma_semaphore, #tpu.memory_space<semaphore_mem>>)
    %dma_start3A_36 = arith.constant 3 : i32
    %dma_start3A_37 = arith.constant 0 : i32
    %dma_start3A_38 = tpu.memref_slice %arg6[%dma_start3A_36, %dma_start3A_37] : memref<40x256xi32, #tpu.memory_space<vmem>> -> memref<1x256xi32, #tpu.memory_space<vmem>>
    %dma_start3A_39 = tpu.memref_squeeze %dma_start3A_38 : memref<1x256xi32, #tpu.memory_space<vmem>> -> memref<256xi32, #tpu.memory_space<vmem>>
    %dma_start3A_40 = arith.constant 0 : i32
    %dma_start3A_41 = arith.constant 0 : i32
    %dma_start3A_42 = tpu.memref_slice %arg2[%dma_start3A_40, %dma_start3A_41] : memref<10000x16xbf16, #tpu.memory_space<hbm>> -> memref<10000x16xbf16, #tpu.memory_space<hbm>>
    tpu.enqueue_indirect_dma source(%dma_start3A_42 : memref<10000x16xbf16, #tpu.memory_space<hbm>>) target(%arg14 : memref<256x16xbf16, #tpu.memory_space<vmem>>) offsets(%dma_start3A_39 : memref<256xi32, #tpu.memory_space<vmem>>) semaphore(%arg21 : memref<!tpu.dma_semaphore, #tpu.memory_space<semaphore_mem>>)
    %dma_start3A_43 = arith.constant 4 : i32
    %dma_start3A_44 = arith.constant 0 : i32
    %dma_start3A_45 = tpu.memref_slice %arg6[%dma_start3A_43, %dma_start3A_44] : memref<40x256xi32, #tpu.memory_space<vmem>> -> memref<1x256xi32, #tpu.memory_space<vmem>>
    %dma_start3A_46 = tpu.memref_squeeze %dma_start3A_45 : memref<1x256xi32, #tpu.memory_space<vmem>> -> memref<256xi32, #tpu.memory_space<vmem>>
    %dma_start3A_47 = arith.constant 0 : i32
    %dma_start3A_48 = arith.constant 0 : i32
    %dma_start3A_49 = tpu.memref_slice %arg2[%dma_start3A_47, %dma_start3A_48] : memref<10000x16xbf16, #tpu.memory_space<hbm>> -> memref<10000x16xbf16, #tpu.memory_space<hbm>>
    tpu.enqueue_indirect_dma source(%dma_start3A_49 : memref<10000x16xbf16, #tpu.memory_space<hbm>>) target(%arg15 : memref<256x16xbf16, #tpu.memory_space<vmem>>) offsets(%dma_start3A_46 : memref<256xi32, #tpu.memory_space<vmem>>) semaphore(%arg22 : memref<!tpu.dma_semaphore, #tpu.memory_space<semaphore_mem>>)
    %dma_start3A_50 = arith.constant 5 : i32
    %dma_start3A_51 = arith.constant 0 : i32
    %dma_start3A_52 = tpu.memref_slice %arg6[%dma_start3A_50, %dma_start3A_51] : memref<40x256xi32, #tpu.memory_space<vmem>> -> memref<1x256xi32, #tpu.memory_space<vmem>>
    %dma_start3A_53 = tpu.memref_squeeze %dma_start3A_52 : memref<1x256xi32, #tpu.memory_space<vmem>> -> memref<256xi32, #tpu.memory_space<vmem>>
    %dma_start3A_54 = arith.constant 0 : i32
    %dma_start3A_55 = arith.constant 0 : i32
    %dma_start3A_56 = tpu.memref_slice %arg2[%dma_start3A_54, %dma_start3A_55] : memref<10000x16xbf16, #tpu.memory_space<hbm>> -> memref<10000x16xbf16, #tpu.memory_space<hbm>>
    tpu.enqueue_indirect_dma source(%dma_start3A_56 : memref<10000x16xbf16, #tpu.memory_space<hbm>>) target(%arg16 : memref<256x16xbf16, #tpu.memory_space<vmem>>) offsets(%dma_start3A_53 : memref<256xi32, #tpu.memory_space<vmem>>) semaphore(%arg23 : memref<!tpu.dma_semaphore, #tpu.memory_space<semaphore_mem>>)
    %dma_start3A_57 = arith.constant 6 : i32
    %dma_start3A_58 = arith.constant 0 : i32
    %dma_start3A_59 = tpu.memref_slice %arg6[%dma_start3A_57, %dma_start3A_58] : memref<40x256xi32, #tpu.memory_space<vmem>> -> memref<1x256xi32, #tpu.memory_space<vmem>>
    %dma_start3A_60 = tpu.memref_squeeze %dma_start3A_59 : memref<1x256xi32, #tpu.memory_space<vmem>> -> memref<256xi32, #tpu.memory_space<vmem>>
    %dma_start3A_61 = arith.constant 0 : i32
    %dma_start3A_62 = arith.constant 0 : i32
    %dma_start3A_63 = tpu.memref_slice %arg2[%dma_start3A_61, %dma_start3A_62] : memref<10000x16xbf16, #tpu.memory_space<hbm>> -> memref<10000x16xbf16, #tpu.memory_space<hbm>>
    tpu.enqueue_indirect_dma source(%dma_start3A_63 : memref<10000x16xbf16, #tpu.memory_space<hbm>>) target(%arg17 : memref<256x16xbf16, #tpu.memory_space<vmem>>) offsets(%dma_start3A_60 : memref<256xi32, #tpu.memory_space<vmem>>) semaphore(%arg24 : memref<!tpu.dma_semaphore, #tpu.memory_space<semaphore_mem>>)
    %dma_start3A_64 = arith.constant 7 : i32
    %dma_start3A_65 = arith.constant 0 : i32
    %dma_start3A_66 = tpu.memref_slice %arg6[%dma_start3A_64, %dma_start3A_65] : memref<40x256xi32, #tpu.memory_space<vmem>> -> memref<1x256xi32, #tpu.memory_space<vmem>>
    %dma_start3A_67 = tpu.memref_squeeze %dma_start3A_66 : memref<1x256xi32, #tpu.memory_space<vmem>> -> memref<256xi32, #tpu.memory_space<vmem>>
    %dma_start3A_68 = arith.constant 0 : i32
    %dma_start3A_69 = arith.constant 0 : i32
    %dma_start3A_70 = tpu.memref_slice %arg2[%dma_start3A_68, %dma_start3A_69] : memref<10000x16xbf16, #tpu.memory_space<hbm>> -> memref<10000x16xbf16, #tpu.memory_space<hbm>>
    tpu.enqueue_indirect_dma source(%dma_start3A_70 : memref<10000x16xbf16, #tpu.memory_space<hbm>>) target(%arg18 : memref<256x16xbf16, #tpu.memory_space<vmem>>) offsets(%dma_start3A_67 : memref<256xi32, #tpu.memory_space<vmem>>) semaphore(%arg25 : memref<!tpu.dma_semaphore, #tpu.memory_space<semaphore_mem>>)
    %scan3A_71 = arith.constant 0 : i32
    %scan3A_72 = arith.constant 0 : i32
    %scan3A_73 = arith.constant 5 : i32
    %scan3A_74 = arith.addi %scan3A_72, %scan3A_73 : i32
    %scan3A_75 = arith.constant 1 : i32
    %scan3A_76 = scf.for %scan3A_138 = %scan3A_72 to %scan3A_74 step %scan3A_75 iter_args(%scan3A_139 = %scan3A_71) -> (i32)  : i32 {
      %mul3A_140 = arith.constant 8 : i32
      %mul3A_141 = arith.muli %scan3A_138, %mul3A_140 : i32
      %add3A_142 = arith.constant 0 : i32
      %add3A_143 = arith.addi %mul3A_141, %add3A_142 : i32
      %dma_wait3A_144 = arith.constant 0 : i32
      %dma_wait3A_145 = tpu.memref_slice %arg6[%add3A_143, %dma_wait3A_144] : memref<40x256xi32, #tpu.memory_space<vmem>> -> memref<1x256xi32, #tpu.memory_space<vmem>>
      %dma_wait3A_146 = tpu.memref_squeeze %dma_wait3A_145 : memref<1x256xi32, #tpu.memory_space<vmem>> -> memref<256xi32, #tpu.memory_space<vmem>>
      %dma_wait3A_147 = arith.constant 0 : i32
      %dma_wait3A_148 = arith.constant 0 : i32
      %dma_wait3A_149 = tpu.memref_slice %arg2[%dma_wait3A_147, %dma_wait3A_148] : memref<10000x16xbf16, #tpu.memory_space<hbm>> -> memref<10000x16xbf16, #tpu.memory_space<hbm>>
      tpu.wait_indirect_dma semaphore(%arg11 : memref<!tpu.dma_semaphore, #tpu.memory_space<semaphore_mem>>) src(%dma_wait3A_149 : memref<10000x16xbf16, #tpu.memory_space<hbm>>) dst(%arg8 : memref<256x16xbf16, #tpu.memory_space<vmem>>)
      %add3A_150 = arith.constant 0 : i32
      %add3A_151 = arith.addi %mul3A_141, %add3A_150 : i32
      %dma_start3A_152 = arith.constant 0 : i32
      %dma_start3A_153 = tpu.memref_slice %arg7[%add3A_151, %dma_start3A_152] : memref<40x256xi32, #tpu.memory_space<vmem>> -> memref<1x256xi32, #tpu.memory_space<vmem>>
      %dma_start3A_154 = tpu.memref_squeeze %dma_start3A_153 : memref<1x256xi32, #tpu.memory_space<vmem>> -> memref<256xi32, #tpu.memory_space<vmem>>
      %dma_start3A_155 = arith.constant 0 : i32
      %dma_start3A_156 = arith.constant 0 : i32
      %dma_start3A_157 = tpu.memref_slice %arg10[%dma_start3A_155, %dma_start3A_156] : memref<10240x16xbf16, #tpu.memory_space<vmem_shared>> -> memref<10240x16xbf16, #tpu.memory_space<vmem_shared>>
      tpu.enqueue_indirect_dma source(%arg8 : memref<256x16xbf16, #tpu.memory_space<vmem>>) target(%dma_start3A_157 : memref<10240x16xbf16, #tpu.memory_space<vmem_shared>>) offsets(%dma_start3A_154 : memref<256xi32, #tpu.memory_space<vmem>>) semaphore(%arg26 : memref<!tpu.dma_semaphore, #tpu.memory_space<semaphore_mem>>) {add = true}
      %add3A_158 = arith.constant 1 : i32
      %add3A_159 = arith.addi %mul3A_141, %add3A_158 : i32
      %dma_wait3A_160 = arith.constant 0 : i32
      %dma_wait3A_161 = tpu.memref_slice %arg6[%add3A_159, %dma_wait3A_160] : memref<40x256xi32, #tpu.memory_space<vmem>> -> memref<1x256xi32, #tpu.memory_space<vmem>>
      %dma_wait3A_162 = tpu.memref_squeeze %dma_wait3A_161 : memref<1x256xi32, #tpu.memory_space<vmem>> -> memref<256xi32, #tpu.memory_space<vmem>>
      %dma_wait3A_163 = arith.constant 0 : i32
      %dma_wait3A_164 = arith.constant 0 : i32
      %dma_wait3A_165 = tpu.memref_slice %arg2[%dma_wait3A_163, %dma_wait3A_164] : memref<10000x16xbf16, #tpu.memory_space<hbm>> -> memref<10000x16xbf16, #tpu.memory_space<hbm>>
      tpu.wait_indirect_dma semaphore(%arg19 : memref<!tpu.dma_semaphore, #tpu.memory_space<semaphore_mem>>) src(%dma_wait3A_165 : memref<10000x16xbf16, #tpu.memory_space<hbm>>) dst(%arg12 : memref<256x16xbf16, #tpu.memory_space<vmem>>)
      %add3A_166 = arith.constant 1 : i32
      %add3A_167 = arith.addi %mul3A_141, %add3A_166 : i32
      %dma_start3A_168 = arith.constant 0 : i32
      %dma_start3A_169 = tpu.memref_slice %arg7[%add3A_167, %dma_start3A_168] : memref<40x256xi32, #tpu.memory_space<vmem>> -> memref<1x256xi32, #tpu.memory_space<vmem>>
      %dma_start3A_170 = tpu.memref_squeeze %dma_start3A_169 : memref<1x256xi32, #tpu.memory_space<vmem>> -> memref<256xi32, #tpu.memory_space<vmem>>
      %dma_start3A_171 = arith.constant 0 : i32
      %dma_start3A_172 = arith.constant 0 : i32
      %dma_start3A_173 = tpu.memref_slice %arg10[%dma_start3A_171, %dma_start3A_172] : memref<10240x16xbf16, #tpu.memory_space<vmem_shared>> -> memref<10240x16xbf16, #tpu.memory_space<vmem_shared>>
      tpu.enqueue_indirect_dma source(%arg12 : memref<256x16xbf16, #tpu.memory_space<vmem>>) target(%dma_start3A_173 : memref<10240x16xbf16, #tpu.memory_space<vmem_shared>>) offsets(%dma_start3A_170 : memref<256xi32, #tpu.memory_space<vmem>>) semaphore(%arg27 : memref<!tpu.dma_semaphore, #tpu.memory_space<semaphore_mem>>) {add = true}
      %add3A_174 = arith.constant 2 : i32
      %add3A_175 = arith.addi %mul3A_141, %add3A_174 : i32
      %dma_wait3A_176 = arith.constant 0 : i32
      %dma_wait3A_177 = tpu.memref_slice %arg6[%add3A_175, %dma_wait3A_176] : memref<40x256xi32, #tpu.memory_space<vmem>> -> memref<1x256xi32, #tpu.memory_space<vmem>>
      %dma_wait3A_178 = tpu.memref_squeeze %dma_wait3A_177 : memref<1x256xi32, #tpu.memory_space<vmem>> -> memref<256xi32, #tpu.memory_space<vmem>>
      %dma_wait3A_179 = arith.constant 0 : i32
      %dma_wait3A_180 = arith.constant 0 : i32
      %dma_wait3A_181 = tpu.memref_slice %arg2[%dma_wait3A_179, %dma_wait3A_180] : memref<10000x16xbf16, #tpu.memory_space<hbm>> -> memref<10000x16xbf16, #tpu.memory_space<hbm>>
      tpu.wait_indirect_dma semaphore(%arg20 : memref<!tpu.dma_semaphore, #tpu.memory_space<semaphore_mem>>) src(%dma_wait3A_181 : memref<10000x16xbf16, #tpu.memory_space<hbm>>) dst(%arg13 : memref<256x16xbf16, #tpu.memory_space<vmem>>)
      %add3A_182 = arith.constant 2 : i32
      %add3A_183 = arith.addi %mul3A_141, %add3A_182 : i32
      %dma_start3A_184 = arith.constant 0 : i32
      %dma_start3A_185 = tpu.memref_slice %arg7[%add3A_183, %dma_start3A_184] : memref<40x256xi32, #tpu.memory_space<vmem>> -> memref<1x256xi32, #tpu.memory_space<vmem>>
      %dma_start3A_186 = tpu.memref_squeeze %dma_start3A_185 : memref<1x256xi32, #tpu.memory_space<vmem>> -> memref<256xi32, #tpu.memory_space<vmem>>
      %dma_start3A_187 = arith.constant 0 : i32
      %dma_start3A_188 = arith.constant 0 : i32
      %dma_start3A_189 = tpu.memref_slice %arg10[%dma_start3A_187, %dma_start3A_188] : memref<10240x16xbf16, #tpu.memory_space<vmem_shared>> -> memref<10240x16xbf16, #tpu.memory_space<vmem_shared>>
      tpu.enqueue_indirect_dma source(%arg13 : memref<256x16xbf16, #tpu.memory_space<vmem>>) target(%dma_start3A_189 : memref<10240x16xbf16, #tpu.memory_space<vmem_shared>>) offsets(%dma_start3A_186 : memref<256xi32, #tpu.memory_space<vmem>>) semaphore(%arg28 : memref<!tpu.dma_semaphore, #tpu.memory_space<semaphore_mem>>) {add = true}
      %add3A_190 = arith.constant 3 : i32
      %add3A_191 = arith.addi %mul3A_141, %add3A_190 : i32
      %dma_wait3A_192 = arith.constant 0 : i32
      %dma_wait3A_193 = tpu.memref_slice %arg6[%add3A_191, %dma_wait3A_192] : memref<40x256xi32, #tpu.memory_space<vmem>> -> memref<1x256xi32, #tpu.memory_space<vmem>>
      %dma_wait3A_194 = tpu.memref_squeeze %dma_wait3A_193 : memref<1x256xi32, #tpu.memory_space<vmem>> -> memref<256xi32, #tpu.memory_space<vmem>>
      %dma_wait3A_195 = arith.constant 0 : i32
      %dma_wait3A_196 = arith.constant 0 : i32
      %dma_wait3A_197 = tpu.memref_slice %arg2[%dma_wait3A_195, %dma_wait3A_196] : memref<10000x16xbf16, #tpu.memory_space<hbm>> -> memref<10000x16xbf16, #tpu.memory_space<hbm>>
      tpu.wait_indirect_dma semaphore(%arg21 : memref<!tpu.dma_semaphore, #tpu.memory_space<semaphore_mem>>) src(%dma_wait3A_197 : memref<10000x16xbf16, #tpu.memory_space<hbm>>) dst(%arg14 : memref<256x16xbf16, #tpu.memory_space<vmem>>)
      %add3A_198 = arith.constant 3 : i32
      %add3A_199 = arith.addi %mul3A_141, %add3A_198 : i32
      %dma_start3A_200 = arith.constant 0 : i32
      %dma_start3A_201 = tpu.memref_slice %arg7[%add3A_199, %dma_start3A_200] : memref<40x256xi32, #tpu.memory_space<vmem>> -> memref<1x256xi32, #tpu.memory_space<vmem>>
      %dma_start3A_202 = tpu.memref_squeeze %dma_start3A_201 : memref<1x256xi32, #tpu.memory_space<vmem>> -> memref<256xi32, #tpu.memory_space<vmem>>
      %dma_start3A_203 = arith.constant 0 : i32
      %dma_start3A_204 = arith.constant 0 : i32
      %dma_start3A_205 = tpu.memref_slice %arg10[%dma_start3A_203, %dma_start3A_204] : memref<10240x16xbf16, #tpu.memory_space<vmem_shared>> -> memref<10240x16xbf16, #tpu.memory_space<vmem_shared>>
      tpu.enqueue_indirect_dma source(%arg14 : memref<256x16xbf16, #tpu.memory_space<vmem>>) target(%dma_start3A_205 : memref<10240x16xbf16, #tpu.memory_space<vmem_shared>>) offsets(%dma_start3A_202 : memref<256xi32, #tpu.memory_space<vmem>>) semaphore(%arg29 : memref<!tpu.dma_semaphore, #tpu.memory_space<semaphore_mem>>) {add = true}
      %add3A_206 = arith.constant 4 : i32
      %add3A_207 = arith.addi %mul3A_141, %add3A_206 : i32
      %dma_wait3A_208 = arith.constant 0 : i32
      %dma_wait3A_209 = tpu.memref_slice %arg6[%add3A_207, %dma_wait3A_208] : memref<40x256xi32, #tpu.memory_space<vmem>> -> memref<1x256xi32, #tpu.memory_space<vmem>>
      %dma_wait3A_210 = tpu.memref_squeeze %dma_wait3A_209 : memref<1x256xi32, #tpu.memory_space<vmem>> -> memref<256xi32, #tpu.memory_space<vmem>>
      %dma_wait3A_211 = arith.constant 0 : i32
      %dma_wait3A_212 = arith.constant 0 : i32
      %dma_wait3A_213 = tpu.memref_slice %arg2[%dma_wait3A_211, %dma_wait3A_212] : memref<10000x16xbf16, #tpu.memory_space<hbm>> -> memref<10000x16xbf16, #tpu.memory_space<hbm>>
      tpu.wait_indirect_dma semaphore(%arg22 : memref<!tpu.dma_semaphore, #tpu.memory_space<semaphore_mem>>) src(%dma_wait3A_213 : memref<10000x16xbf16, #tpu.memory_space<hbm>>) dst(%arg15 : memref<256x16xbf16, #tpu.memory_space<vmem>>)
      %add3A_214 = arith.constant 4 : i32
      %add3A_215 = arith.addi %mul3A_141, %add3A_214 : i32
      %dma_start3A_216 = arith.constant 0 : i32
      %dma_start3A_217 = tpu.memref_slice %arg7[%add3A_215, %dma_start3A_216] : memref<40x256xi32, #tpu.memory_space<vmem>> -> memref<1x256xi32, #tpu.memory_space<vmem>>
      %dma_start3A_218 = tpu.memref_squeeze %dma_start3A_217 : memref<1x256xi32, #tpu.memory_space<vmem>> -> memref<256xi32, #tpu.memory_space<vmem>>
      %dma_start3A_219 = arith.constant 0 : i32
      %dma_start3A_220 = arith.constant 0 : i32
      %dma_start3A_221 = tpu.memref_slice %arg10[%dma_start3A_219, %dma_start3A_220] : memref<10240x16xbf16, #tpu.memory_space<vmem_shared>> -> memref<10240x16xbf16, #tpu.memory_space<vmem_shared>>
      tpu.enqueue_indirect_dma source(%arg15 : memref<256x16xbf16, #tpu.memory_space<vmem>>) target(%dma_start3A_221 : memref<10240x16xbf16, #tpu.memory_space<vmem_shared>>) offsets(%dma_start3A_218 : memref<256xi32, #tpu.memory_space<vmem>>) semaphore(%arg30 : memref<!tpu.dma_semaphore, #tpu.memory_space<semaphore_mem>>) {add = true}
      %add3A_222 = arith.constant 5 : i32
      %add3A_223 = arith.addi %mul3A_141, %add3A_222 : i32
      %dma_wait3A_224 = arith.constant 0 : i32
      %dma_wait3A_225 = tpu.memref_slice %arg6[%add3A_223, %dma_wait3A_224] : memref<40x256xi32, #tpu.memory_space<vmem>> -> memref<1x256xi32, #tpu.memory_space<vmem>>
      %dma_wait3A_226 = tpu.memref_squeeze %dma_wait3A_225 : memref<1x256xi32, #tpu.memory_space<vmem>> -> memref<256xi32, #tpu.memory_space<vmem>>
      %dma_wait3A_227 = arith.constant 0 : i32
      %dma_wait3A_228 = arith.constant 0 : i32
      %dma_wait3A_229 = tpu.memref_slice %arg2[%dma_wait3A_227, %dma_wait3A_228] : memref<10000x16xbf16, #tpu.memory_space<hbm>> -> memref<10000x16xbf16, #tpu.memory_space<hbm>>
      tpu.wait_indirect_dma semaphore(%arg23 : memref<!tpu.dma_semaphore, #tpu.memory_space<semaphore_mem>>) src(%dma_wait3A_229 : memref<10000x16xbf16, #tpu.memory_space<hbm>>) dst(%arg16 : memref<256x16xbf16, #tpu.memory_space<vmem>>)
      %add3A_230 = arith.constant 5 : i32
      %add3A_231 = arith.addi %mul3A_141, %add3A_230 : i32
      %dma_start3A_232 = arith.constant 0 : i32
      %dma_start3A_233 = tpu.memref_slice %arg7[%add3A_231, %dma_start3A_232] : memref<40x256xi32, #tpu.memory_space<vmem>> -> memref<1x256xi32, #tpu.memory_space<vmem>>
      %dma_start3A_234 = tpu.memref_squeeze %dma_start3A_233 : memref<1x256xi32, #tpu.memory_space<vmem>> -> memref<256xi32, #tpu.memory_space<vmem>>
      %dma_start3A_235 = arith.constant 0 : i32
      %dma_start3A_236 = arith.constant 0 : i32
      %dma_start3A_237 = tpu.memref_slice %arg10[%dma_start3A_235, %dma_start3A_236] : memref<10240x16xbf16, #tpu.memory_space<vmem_shared>> -> memref<10240x16xbf16, #tpu.memory_space<vmem_shared>>
      tpu.enqueue_indirect_dma source(%arg16 : memref<256x16xbf16, #tpu.memory_space<vmem>>) target(%dma_start3A_237 : memref<10240x16xbf16, #tpu.memory_space<vmem_shared>>) offsets(%dma_start3A_234 : memref<256xi32, #tpu.memory_space<vmem>>) semaphore(%arg31 : memref<!tpu.dma_semaphore, #tpu.memory_space<semaphore_mem>>) {add = true}
      %add3A_238 = arith.constant 6 : i32
      %add3A_239 = arith.addi %mul3A_141, %add3A_238 : i32
      %dma_wait3A_240 = arith.constant 0 : i32
      %dma_wait3A_241 = tpu.memref_slice %arg6[%add3A_239, %dma_wait3A_240] : memref<40x256xi32, #tpu.memory_space<vmem>> -> memref<1x256xi32, #tpu.memory_space<vmem>>
      %dma_wait3A_242 = tpu.memref_squeeze %dma_wait3A_241 : memref<1x256xi32, #tpu.memory_space<vmem>> -> memref<256xi32, #tpu.memory_space<vmem>>
      %dma_wait3A_243 = arith.constant 0 : i32
      %dma_wait3A_244 = arith.constant 0 : i32
      %dma_wait3A_245 = tpu.memref_slice %arg2[%dma_wait3A_243, %dma_wait3A_244] : memref<10000x16xbf16, #tpu.memory_space<hbm>> -> memref<10000x16xbf16, #tpu.memory_space<hbm>>
      tpu.wait_indirect_dma semaphore(%arg24 : memref<!tpu.dma_semaphore, #tpu.memory_space<semaphore_mem>>) src(%dma_wait3A_245 : memref<10000x16xbf16, #tpu.memory_space<hbm>>) dst(%arg17 : memref<256x16xbf16, #tpu.memory_space<vmem>>)
      %add3A_246 = arith.constant 6 : i32
      %add3A_247 = arith.addi %mul3A_141, %add3A_246 : i32
      %dma_start3A_248 = arith.constant 0 : i32
      %dma_start3A_249 = tpu.memref_slice %arg7[%add3A_247, %dma_start3A_248] : memref<40x256xi32, #tpu.memory_space<vmem>> -> memref<1x256xi32, #tpu.memory_space<vmem>>
      %dma_start3A_250 = tpu.memref_squeeze %dma_start3A_249 : memref<1x256xi32, #tpu.memory_space<vmem>> -> memref<256xi32, #tpu.memory_space<vmem>>
      %dma_start3A_251 = arith.constant 0 : i32
      %dma_start3A_252 = arith.constant 0 : i32
      %dma_start3A_253 = tpu.memref_slice %arg10[%dma_start3A_251, %dma_start3A_252] : memref<10240x16xbf16, #tpu.memory_space<vmem_shared>> -> memref<10240x16xbf16, #tpu.memory_space<vmem_shared>>
      tpu.enqueue_indirect_dma source(%arg17 : memref<256x16xbf16, #tpu.memory_space<vmem>>) target(%dma_start3A_253 : memref<10240x16xbf16, #tpu.memory_space<vmem_shared>>) offsets(%dma_start3A_250 : memref<256xi32, #tpu.memory_space<vmem>>) semaphore(%arg32 : memref<!tpu.dma_semaphore, #tpu.memory_space<semaphore_mem>>) {add = true}
      %add3A_254 = arith.constant 7 : i32
      %add3A_255 = arith.addi %mul3A_141, %add3A_254 : i32
      %dma_wait3A_256 = arith.constant 0 : i32
      %dma_wait3A_257 = tpu.memref_slice %arg6[%add3A_255, %dma_wait3A_256] : memref<40x256xi32, #tpu.memory_space<vmem>> -> memref<1x256xi32, #tpu.memory_space<vmem>>
      %dma_wait3A_258 = tpu.memref_squeeze %dma_wait3A_257 : memref<1x256xi32, #tpu.memory_space<vmem>> -> memref<256xi32, #tpu.memory_space<vmem>>
      %dma_wait3A_259 = arith.constant 0 : i32
      %dma_wait3A_260 = arith.constant 0 : i32
      %dma_wait3A_261 = tpu.memref_slice %arg2[%dma_wait3A_259, %dma_wait3A_260] : memref<10000x16xbf16, #tpu.memory_space<hbm>> -> memref<10000x16xbf16, #tpu.memory_space<hbm>>
      tpu.wait_indirect_dma semaphore(%arg25 : memref<!tpu.dma_semaphore, #tpu.memory_space<semaphore_mem>>) src(%dma_wait3A_261 : memref<10000x16xbf16, #tpu.memory_space<hbm>>) dst(%arg18 : memref<256x16xbf16, #tpu.memory_space<vmem>>)
      %add3A_262 = arith.constant 7 : i32
      %add3A_263 = arith.addi %mul3A_141, %add3A_262 : i32
      %dma_start3A_264 = arith.constant 0 : i32
      %dma_start3A_265 = tpu.memref_slice %arg7[%add3A_263, %dma_start3A_264] : memref<40x256xi32, #tpu.memory_space<vmem>> -> memref<1x256xi32, #tpu.memory_space<vmem>>
      %dma_start3A_266 = tpu.memref_squeeze %dma_start3A_265 : memref<1x256xi32, #tpu.memory_space<vmem>> -> memref<256xi32, #tpu.memory_space<vmem>>
      %dma_start3A_267 = arith.constant 0 : i32
      %dma_start3A_268 = arith.constant 0 : i32
      %dma_start3A_269 = tpu.memref_slice %arg10[%dma_start3A_267, %dma_start3A_268] : memref<10240x16xbf16, #tpu.memory_space<vmem_shared>> -> memref<10240x16xbf16, #tpu.memory_space<vmem_shared>>
      tpu.enqueue_indirect_dma source(%arg18 : memref<256x16xbf16, #tpu.memory_space<vmem>>) target(%dma_start3A_269 : memref<10240x16xbf16, #tpu.memory_space<vmem_shared>>) offsets(%dma_start3A_266 : memref<256xi32, #tpu.memory_space<vmem>>) semaphore(%arg33 : memref<!tpu.dma_semaphore, #tpu.memory_space<semaphore_mem>>) {add = true}
      %lt3A = arith.constant 4 : i32
      %lt3A_270 = arith.cmpi slt, %scan3A_138, %lt3A : i32
      %convert_element_type3A = arith.extui %lt3A_270 : i1 to i32
      %cond3A = arith.constant 0 : i32
      %cond3A_271 = arith.cmpi ne, %convert_element_type3A, %cond3A : i32
      scf.if %cond3A_271 {
        %add3A_273 = arith.constant 0 : i32
        %add3A_274 = arith.addi %mul3A_141, %add3A_273 : i32
        %dma_wait3A_275 = arith.constant 0 : i32
        %dma_wait3A_276 = tpu.memref_slice %arg7[%add3A_274, %dma_wait3A_275] : memref<40x256xi32, #tpu.memory_space<vmem>> -> memref<1x256xi32, #tpu.memory_space<vmem>>
        %dma_wait3A_277 = tpu.memref_squeeze %dma_wait3A_276 : memref<1x256xi32, #tpu.memory_space<vmem>> -> memref<256xi32, #tpu.memory_space<vmem>>
        %dma_wait3A_278 = arith.constant 0 : i32
        %dma_wait3A_279 = arith.constant 0 : i32
        %dma_wait3A_280 = tpu.memref_slice %arg10[%dma_wait3A_278, %dma_wait3A_279] : memref<10240x16xbf16, #tpu.memory_space<vmem_shared>> -> memref<10240x16xbf16, #tpu.memory_space<vmem_shared>>
        tpu.wait_indirect_dma semaphore(%arg26 : memref<!tpu.dma_semaphore, #tpu.memory_space<semaphore_mem>>) src(%arg8 : memref<256x16xbf16, #tpu.memory_space<vmem>>) dst(%dma_wait3A_280 : memref<10240x16xbf16, #tpu.memory_space<vmem_shared>>)
        %add3A_281 = arith.constant 8 : i32
        %add3A_282 = arith.addi %mul3A_141, %add3A_281 : i32
        %add3A_283 = arith.constant 0 : i32
        %add3A_284 = arith.addi %add3A_282, %add3A_283 : i32
        %dma_start3A_285 = arith.constant 0 : i32
        %dma_start3A_286 = tpu.memref_slice %arg6[%add3A_284, %dma_start3A_285] : memref<40x256xi32, #tpu.memory_space<vmem>> -> memref<1x256xi32, #tpu.memory_space<vmem>>
        %dma_start3A_287 = tpu.memref_squeeze %dma_start3A_286 : memref<1x256xi32, #tpu.memory_space<vmem>> -> memref<256xi32, #tpu.memory_space<vmem>>
        %dma_start3A_288 = arith.constant 0 : i32
        %dma_start3A_289 = arith.constant 0 : i32
        %dma_start3A_290 = tpu.memref_slice %arg2[%dma_start3A_288, %dma_start3A_289] : memref<10000x16xbf16, #tpu.memory_space<hbm>> -> memref<10000x16xbf16, #tpu.memory_space<hbm>>
        tpu.enqueue_indirect_dma source(%dma_start3A_290 : memref<10000x16xbf16, #tpu.memory_space<hbm>>) target(%arg8 : memref<256x16xbf16, #tpu.memory_space<vmem>>) offsets(%dma_start3A_287 : memref<256xi32, #tpu.memory_space<vmem>>) semaphore(%arg11 : memref<!tpu.dma_semaphore, #tpu.memory_space<semaphore_mem>>)
        %add3A_291 = arith.constant 1 : i32
        %add3A_292 = arith.addi %mul3A_141, %add3A_291 : i32
        %dma_wait3A_293 = arith.constant 0 : i32
        %dma_wait3A_294 = tpu.memref_slice %arg7[%add3A_292, %dma_wait3A_293] : memref<40x256xi32, #tpu.memory_space<vmem>> -> memref<1x256xi32, #tpu.memory_space<vmem>>
        %dma_wait3A_295 = tpu.memref_squeeze %dma_wait3A_294 : memref<1x256xi32, #tpu.memory_space<vmem>> -> memref<256xi32, #tpu.memory_space<vmem>>
        %dma_wait3A_296 = arith.constant 0 : i32
        %dma_wait3A_297 = arith.constant 0 : i32
        %dma_wait3A_298 = tpu.memref_slice %arg10[%dma_wait3A_296, %dma_wait3A_297] : memref<10240x16xbf16, #tpu.memory_space<vmem_shared>> -> memref<10240x16xbf16, #tpu.memory_space<vmem_shared>>
        tpu.wait_indirect_dma semaphore(%arg27 : memref<!tpu.dma_semaphore, #tpu.memory_space<semaphore_mem>>) src(%arg12 : memref<256x16xbf16, #tpu.memory_space<vmem>>) dst(%dma_wait3A_298 : memref<10240x16xbf16, #tpu.memory_space<vmem_shared>>)
        %add3A_299 = arith.constant 8 : i32
        %add3A_300 = arith.addi %mul3A_141, %add3A_299 : i32
        %add3A_301 = arith.constant 1 : i32
        %add3A_302 = arith.addi %add3A_300, %add3A_301 : i32
        %dma_start3A_303 = arith.constant 0 : i32
        %dma_start3A_304 = tpu.memref_slice %arg6[%add3A_302, %dma_start3A_303] : memref<40x256xi32, #tpu.memory_space<vmem>> -> memref<1x256xi32, #tpu.memory_space<vmem>>
        %dma_start3A_305 = tpu.memref_squeeze %dma_start3A_304 : memref<1x256xi32, #tpu.memory_space<vmem>> -> memref<256xi32, #tpu.memory_space<vmem>>
        %dma_start3A_306 = arith.constant 0 : i32
        %dma_start3A_307 = arith.constant 0 : i32
        %dma_start3A_308 = tpu.memref_slice %arg2[%dma_start3A_306, %dma_start3A_307] : memref<10000x16xbf16, #tpu.memory_space<hbm>> -> memref<10000x16xbf16, #tpu.memory_space<hbm>>
        tpu.enqueue_indirect_dma source(%dma_start3A_308 : memref<10000x16xbf16, #tpu.memory_space<hbm>>) target(%arg12 : memref<256x16xbf16, #tpu.memory_space<vmem>>) offsets(%dma_start3A_305 : memref<256xi32, #tpu.memory_space<vmem>>) semaphore(%arg19 : memref<!tpu.dma_semaphore, #tpu.memory_space<semaphore_mem>>)
        %add3A_309 = arith.constant 2 : i32
        %add3A_310 = arith.addi %mul3A_141, %add3A_309 : i32
        %dma_wait3A_311 = arith.constant 0 : i32
        %dma_wait3A_312 = tpu.memref_slice %arg7[%add3A_310, %dma_wait3A_311] : memref<40x256xi32, #tpu.memory_space<vmem>> -> memref<1x256xi32, #tpu.memory_space<vmem>>
        %dma_wait3A_313 = tpu.memref_squeeze %dma_wait3A_312 : memref<1x256xi32, #tpu.memory_space<vmem>> -> memref<256xi32, #tpu.memory_space<vmem>>
        %dma_wait3A_314 = arith.constant 0 : i32
        %dma_wait3A_315 = arith.constant 0 : i32
        %dma_wait3A_316 = tpu.memref_slice %arg10[%dma_wait3A_314, %dma_wait3A_315] : memref<10240x16xbf16, #tpu.memory_space<vmem_shared>> -> memref<10240x16xbf16, #tpu.memory_space<vmem_shared>>
        tpu.wait_indirect_dma semaphore(%arg28 : memref<!tpu.dma_semaphore, #tpu.memory_space<semaphore_mem>>) src(%arg13 : memref<256x16xbf16, #tpu.memory_space<vmem>>) dst(%dma_wait3A_316 : memref<10240x16xbf16, #tpu.memory_space<vmem_shared>>)
        %add3A_317 = arith.constant 8 : i32
        %add3A_318 = arith.addi %mul3A_141, %add3A_317 : i32
        %add3A_319 = arith.constant 2 : i32
        %add3A_320 = arith.addi %add3A_318, %add3A_319 : i32
        %dma_start3A_321 = arith.constant 0 : i32
        %dma_start3A_322 = tpu.memref_slice %arg6[%add3A_320, %dma_start3A_321] : memref<40x256xi32, #tpu.memory_space<vmem>> -> memref<1x256xi32, #tpu.memory_space<vmem>>
        %dma_start3A_323 = tpu.memref_squeeze %dma_start3A_322 : memref<1x256xi32, #tpu.memory_space<vmem>> -> memref<256xi32, #tpu.memory_space<vmem>>
        %dma_start3A_324 = arith.constant 0 : i32
        %dma_start3A_325 = arith.constant 0 : i32
        %dma_start3A_326 = tpu.memref_slice %arg2[%dma_start3A_324, %dma_start3A_325] : memref<10000x16xbf16, #tpu.memory_space<hbm>> -> memref<10000x16xbf16, #tpu.memory_space<hbm>>
        tpu.enqueue_indirect_dma source(%dma_start3A_326 : memref<10000x16xbf16, #tpu.memory_space<hbm>>) target(%arg13 : memref<256x16xbf16, #tpu.memory_space<vmem>>) offsets(%dma_start3A_323 : memref<256xi32, #tpu.memory_space<vmem>>) semaphore(%arg20 : memref<!tpu.dma_semaphore, #tpu.memory_space<semaphore_mem>>)
        %add3A_327 = arith.constant 3 : i32
        %add3A_328 = arith.addi %mul3A_141, %add3A_327 : i32
        %dma_wait3A_329 = arith.constant 0 : i32
        %dma_wait3A_330 = tpu.memref_slice %arg7[%add3A_328, %dma_wait3A_329] : memref<40x256xi32, #tpu.memory_space<vmem>> -> memref<1x256xi32, #tpu.memory_space<vmem>>
        %dma_wait3A_331 = tpu.memref_squeeze %dma_wait3A_330 : memref<1x256xi32, #tpu.memory_space<vmem>> -> memref<256xi32, #tpu.memory_space<vmem>>
        %dma_wait3A_332 = arith.constant 0 : i32
        %dma_wait3A_333 = arith.constant 0 : i32
        %dma_wait3A_334 = tpu.memref_slice %arg10[%dma_wait3A_332, %dma_wait3A_333] : memref<10240x16xbf16, #tpu.memory_space<vmem_shared>> -> memref<10240x16xbf16, #tpu.memory_space<vmem_shared>>
        tpu.wait_indirect_dma semaphore(%arg29 : memref<!tpu.dma_semaphore, #tpu.memory_space<semaphore_mem>>) src(%arg14 : memref<256x16xbf16, #tpu.memory_space<vmem>>) dst(%dma_wait3A_334 : memref<10240x16xbf16, #tpu.memory_space<vmem_shared>>)
        %add3A_335 = arith.constant 8 : i32
        %add3A_336 = arith.addi %mul3A_141, %add3A_335 : i32
        %add3A_337 = arith.constant 3 : i32
        %add3A_338 = arith.addi %add3A_336, %add3A_337 : i32
        %dma_start3A_339 = arith.constant 0 : i32
        %dma_start3A_340 = tpu.memref_slice %arg6[%add3A_338, %dma_start3A_339] : memref<40x256xi32, #tpu.memory_space<vmem>> -> memref<1x256xi32, #tpu.memory_space<vmem>>
        %dma_start3A_341 = tpu.memref_squeeze %dma_start3A_340 : memref<1x256xi32, #tpu.memory_space<vmem>> -> memref<256xi32, #tpu.memory_space<vmem>>
        %dma_start3A_342 = arith.constant 0 : i32
        %dma_start3A_343 = arith.constant 0 : i32
        %dma_start3A_344 = tpu.memref_slice %arg2[%dma_start3A_342, %dma_start3A_343] : memref<10000x16xbf16, #tpu.memory_space<hbm>> -> memref<10000x16xbf16, #tpu.memory_space<hbm>>
        tpu.enqueue_indirect_dma source(%dma_start3A_344 : memref<10000x16xbf16, #tpu.memory_space<hbm>>) target(%arg14 : memref<256x16xbf16, #tpu.memory_space<vmem>>) offsets(%dma_start3A_341 : memref<256xi32, #tpu.memory_space<vmem>>) semaphore(%arg21 : memref<!tpu.dma_semaphore, #tpu.memory_space<semaphore_mem>>)
        %add3A_345 = arith.constant 4 : i32
        %add3A_346 = arith.addi %mul3A_141, %add3A_345 : i32
        %dma_wait3A_347 = arith.constant 0 : i32
        %dma_wait3A_348 = tpu.memref_slice %arg7[%add3A_346, %dma_wait3A_347] : memref<40x256xi32, #tpu.memory_space<vmem>> -> memref<1x256xi32, #tpu.memory_space<vmem>>
        %dma_wait3A_349 = tpu.memref_squeeze %dma_wait3A_348 : memref<1x256xi32, #tpu.memory_space<vmem>> -> memref<256xi32, #tpu.memory_space<vmem>>
        %dma_wait3A_350 = arith.constant 0 : i32
        %dma_wait3A_351 = arith.constant 0 : i32
        %dma_wait3A_352 = tpu.memref_slice %arg10[%dma_wait3A_350, %dma_wait3A_351] : memref<10240x16xbf16, #tpu.memory_space<vmem_shared>> -> memref<10240x16xbf16, #tpu.memory_space<vmem_shared>>
        tpu.wait_indirect_dma semaphore(%arg30 : memref<!tpu.dma_semaphore, #tpu.memory_space<semaphore_mem>>) src(%arg15 : memref<256x16xbf16, #tpu.memory_space<vmem>>) dst(%dma_wait3A_352 : memref<10240x16xbf16, #tpu.memory_space<vmem_shared>>)
        %add3A_353 = arith.constant 8 : i32
        %add3A_354 = arith.addi %mul3A_141, %add3A_353 : i32
        %add3A_355 = arith.constant 4 : i32
        %add3A_356 = arith.addi %add3A_354, %add3A_355 : i32
        %dma_start3A_357 = arith.constant 0 : i32
        %dma_start3A_358 = tpu.memref_slice %arg6[%add3A_356, %dma_start3A_357] : memref<40x256xi32, #tpu.memory_space<vmem>> -> memref<1x256xi32, #tpu.memory_space<vmem>>
        %dma_start3A_359 = tpu.memref_squeeze %dma_start3A_358 : memref<1x256xi32, #tpu.memory_space<vmem>> -> memref<256xi32, #tpu.memory_space<vmem>>
        %dma_start3A_360 = arith.constant 0 : i32
        %dma_start3A_361 = arith.constant 0 : i32
        %dma_start3A_362 = tpu.memref_slice %arg2[%dma_start3A_360, %dma_start3A_361] : memref<10000x16xbf16, #tpu.memory_space<hbm>> -> memref<10000x16xbf16, #tpu.memory_space<hbm>>
        tpu.enqueue_indirect_dma source(%dma_start3A_362 : memref<10000x16xbf16, #tpu.memory_space<hbm>>) target(%arg15 : memref<256x16xbf16, #tpu.memory_space<vmem>>) offsets(%dma_start3A_359 : memref<256xi32, #tpu.memory_space<vmem>>) semaphore(%arg22 : memref<!tpu.dma_semaphore, #tpu.memory_space<semaphore_mem>>)
        %add3A_363 = arith.constant 5 : i32
        %add3A_364 = arith.addi %mul3A_141, %add3A_363 : i32
        %dma_wait3A_365 = arith.constant 0 : i32
        %dma_wait3A_366 = tpu.memref_slice %arg7[%add3A_364, %dma_wait3A_365] : memref<40x256xi32, #tpu.memory_space<vmem>> -> memref<1x256xi32, #tpu.memory_space<vmem>>
        %dma_wait3A_367 = tpu.memref_squeeze %dma_wait3A_366 : memref<1x256xi32, #tpu.memory_space<vmem>> -> memref<256xi32, #tpu.memory_space<vmem>>
        %dma_wait3A_368 = arith.constant 0 : i32
        %dma_wait3A_369 = arith.constant 0 : i32
        %dma_wait3A_370 = tpu.memref_slice %arg10[%dma_wait3A_368, %dma_wait3A_369] : memref<10240x16xbf16, #tpu.memory_space<vmem_shared>> -> memref<10240x16xbf16, #tpu.memory_space<vmem_shared>>
        tpu.wait_indirect_dma semaphore(%arg31 : memref<!tpu.dma_semaphore, #tpu.memory_space<semaphore_mem>>) src(%arg16 : memref<256x16xbf16, #tpu.memory_space<vmem>>) dst(%dma_wait3A_370 : memref<10240x16xbf16, #tpu.memory_space<vmem_shared>>)
        %add3A_371 = arith.constant 8 : i32
        %add3A_372 = arith.addi %mul3A_141, %add3A_371 : i32
        %add3A_373 = arith.constant 5 : i32
        %add3A_374 = arith.addi %add3A_372, %add3A_373 : i32
        %dma_start3A_375 = arith.constant 0 : i32
        %dma_start3A_376 = tpu.memref_slice %arg6[%add3A_374, %dma_start3A_375] : memref<40x256xi32, #tpu.memory_space<vmem>> -> memref<1x256xi32, #tpu.memory_space<vmem>>
        %dma_start3A_377 = tpu.memref_squeeze %dma_start3A_376 : memref<1x256xi32, #tpu.memory_space<vmem>> -> memref<256xi32, #tpu.memory_space<vmem>>
        %dma_start3A_378 = arith.constant 0 : i32
        %dma_start3A_379 = arith.constant 0 : i32
        %dma_start3A_380 = tpu.memref_slice %arg2[%dma_start3A_378, %dma_start3A_379] : memref<10000x16xbf16, #tpu.memory_space<hbm>> -> memref<10000x16xbf16, #tpu.memory_space<hbm>>
        tpu.enqueue_indirect_dma source(%dma_start3A_380 : memref<10000x16xbf16, #tpu.memory_space<hbm>>) target(%arg16 : memref<256x16xbf16, #tpu.memory_space<vmem>>) offsets(%dma_start3A_377 : memref<256xi32, #tpu.memory_space<vmem>>) semaphore(%arg23 : memref<!tpu.dma_semaphore, #tpu.memory_space<semaphore_mem>>)
        %add3A_381 = arith.constant 6 : i32
        %add3A_382 = arith.addi %mul3A_141, %add3A_381 : i32
        %dma_wait3A_383 = arith.constant 0 : i32
        %dma_wait3A_384 = tpu.memref_slice %arg7[%add3A_382, %dma_wait3A_383] : memref<40x256xi32, #tpu.memory_space<vmem>> -> memref<1x256xi32, #tpu.memory_space<vmem>>
        %dma_wait3A_385 = tpu.memref_squeeze %dma_wait3A_384 : memref<1x256xi32, #tpu.memory_space<vmem>> -> memref<256xi32, #tpu.memory_space<vmem>>
        %dma_wait3A_386 = arith.constant 0 : i32
        %dma_wait3A_387 = arith.constant 0 : i32
        %dma_wait3A_388 = tpu.memref_slice %arg10[%dma_wait3A_386, %dma_wait3A_387] : memref<10240x16xbf16, #tpu.memory_space<vmem_shared>> -> memref<10240x16xbf16, #tpu.memory_space<vmem_shared>>
        tpu.wait_indirect_dma semaphore(%arg32 : memref<!tpu.dma_semaphore, #tpu.memory_space<semaphore_mem>>) src(%arg17 : memref<256x16xbf16, #tpu.memory_space<vmem>>) dst(%dma_wait3A_388 : memref<10240x16xbf16, #tpu.memory_space<vmem_shared>>)
        %add3A_389 = arith.constant 8 : i32
        %add3A_390 = arith.addi %mul3A_141, %add3A_389 : i32
        %add3A_391 = arith.constant 6 : i32
        %add3A_392 = arith.addi %add3A_390, %add3A_391 : i32
        %dma_start3A_393 = arith.constant 0 : i32
        %dma_start3A_394 = tpu.memref_slice %arg6[%add3A_392, %dma_start3A_393] : memref<40x256xi32, #tpu.memory_space<vmem>> -> memref<1x256xi32, #tpu.memory_space<vmem>>
        %dma_start3A_395 = tpu.memref_squeeze %dma_start3A_394 : memref<1x256xi32, #tpu.memory_space<vmem>> -> memref<256xi32, #tpu.memory_space<vmem>>
        %dma_start3A_396 = arith.constant 0 : i32
        %dma_start3A_397 = arith.constant 0 : i32
        %dma_start3A_398 = tpu.memref_slice %arg2[%dma_start3A_396, %dma_start3A_397] : memref<10000x16xbf16, #tpu.memory_space<hbm>> -> memref<10000x16xbf16, #tpu.memory_space<hbm>>
        tpu.enqueue_indirect_dma source(%dma_start3A_398 : memref<10000x16xbf16, #tpu.memory_space<hbm>>) target(%arg17 : memref<256x16xbf16, #tpu.memory_space<vmem>>) offsets(%dma_start3A_395 : memref<256xi32, #tpu.memory_space<vmem>>) semaphore(%arg24 : memref<!tpu.dma_semaphore, #tpu.memory_space<semaphore_mem>>)
        %add3A_399 = arith.constant 7 : i32
        %add3A_400 = arith.addi %mul3A_141, %add3A_399 : i32
        %dma_wait3A_401 = arith.constant 0 : i32
        %dma_wait3A_402 = tpu.memref_slice %arg7[%add3A_400, %dma_wait3A_401] : memref<40x256xi32, #tpu.memory_space<vmem>> -> memref<1x256xi32, #tpu.memory_space<vmem>>
        %dma_wait3A_403 = tpu.memref_squeeze %dma_wait3A_402 : memref<1x256xi32, #tpu.memory_space<vmem>> -> memref<256xi32, #tpu.memory_space<vmem>>
        %dma_wait3A_404 = arith.constant 0 : i32
        %dma_wait3A_405 = arith.constant 0 : i32
        %dma_wait3A_406 = tpu.memref_slice %arg10[%dma_wait3A_404, %dma_wait3A_405] : memref<10240x16xbf16, #tpu.memory_space<vmem_shared>> -> memref<10240x16xbf16, #tpu.memory_space<vmem_shared>>
        tpu.wait_indirect_dma semaphore(%arg33 : memref<!tpu.dma_semaphore, #tpu.memory_space<semaphore_mem>>) src(%arg18 : memref<256x16xbf16, #tpu.memory_space<vmem>>) dst(%dma_wait3A_406 : memref<10240x16xbf16, #tpu.memory_space<vmem_shared>>)
        %add3A_407 = arith.constant 8 : i32
        %add3A_408 = arith.addi %mul3A_141, %add3A_407 : i32
        %add3A_409 = arith.constant 7 : i32
        %add3A_410 = arith.addi %add3A_408, %add3A_409 : i32
        %dma_start3A_411 = arith.constant 0 : i32
        %dma_start3A_412 = tpu.memref_slice %arg6[%add3A_410, %dma_start3A_411] : memref<40x256xi32, #tpu.memory_space<vmem>> -> memref<1x256xi32, #tpu.memory_space<vmem>>
        %dma_start3A_413 = tpu.memref_squeeze %dma_start3A_412 : memref<1x256xi32, #tpu.memory_space<vmem>> -> memref<256xi32, #tpu.memory_space<vmem>>
        %dma_start3A_414 = arith.constant 0 : i32
        %dma_start3A_415 = arith.constant 0 : i32
        %dma_start3A_416 = tpu.memref_slice %arg2[%dma_start3A_414, %dma_start3A_415] : memref<10000x16xbf16, #tpu.memory_space<hbm>> -> memref<10000x16xbf16, #tpu.memory_space<hbm>>
        tpu.enqueue_indirect_dma source(%dma_start3A_416 : memref<10000x16xbf16, #tpu.memory_space<hbm>>) target(%arg18 : memref<256x16xbf16, #tpu.memory_space<vmem>>) offsets(%dma_start3A_413 : memref<256xi32, #tpu.memory_space<vmem>>) semaphore(%arg25 : memref<!tpu.dma_semaphore, #tpu.memory_space<semaphore_mem>>)
      } else {
      }
      %scan3A_272 = arith.constant 0 : i32
      scf.yield %scan3A_272 : i32
    }
    %scan3A_77 = arith.constant 5 : i32
    %dma_wait3A = arith.constant 32 : i32
    %dma_wait3A_78 = arith.constant 0 : i32
    %dma_wait3A_79 = tpu.memref_slice %arg7[%dma_wait3A, %dma_wait3A_78] : memref<40x256xi32, #tpu.memory_space<vmem>> -> memref<1x256xi32, #tpu.memory_space<vmem>>
    %dma_wait3A_80 = tpu.memref_squeeze %dma_wait3A_79 : memref<1x256xi32, #tpu.memory_space<vmem>> -> memref<256xi32, #tpu.memory_space<vmem>>
    %dma_wait3A_81 = arith.constant 0 : i32
    %dma_wait3A_82 = arith.constant 0 : i32
    %dma_wait3A_83 = tpu.memref_slice %arg10[%dma_wait3A_81, %dma_wait3A_82] : memref<10240x16xbf16, #tpu.memory_space<vmem_shared>> -> memref<10240x16xbf16, #tpu.memory_space<vmem_shared>>
    tpu.wait_indirect_dma semaphore(%arg26 : memref<!tpu.dma_semaphore, #tpu.memory_space<semaphore_mem>>) src(%arg8 : memref<256x16xbf16, #tpu.memory_space<vmem>>) dst(%dma_wait3A_83 : memref<10240x16xbf16, #tpu.memory_space<vmem_shared>>)
    %dma_wait3A_84 = arith.constant 33 : i32
    %dma_wait3A_85 = arith.constant 0 : i32
    %dma_wait3A_86 = tpu.memref_slice %arg7[%dma_wait3A_84, %dma_wait3A_85] : memref<40x256xi32, #tpu.memory_space<vmem>> -> memref<1x256xi32, #tpu.memory_space<vmem>>
    %dma_wait3A_87 = tpu.memref_squeeze %dma_wait3A_86 : memref<1x256xi32, #tpu.memory_space<vmem>> -> memref<256xi32, #tpu.memory_space<vmem>>
    %dma_wait3A_88 = arith.constant 0 : i32
    %dma_wait3A_89 = arith.constant 0 : i32
    %dma_wait3A_90 = tpu.memref_slice %arg10[%dma_wait3A_88, %dma_wait3A_89] : memref<10240x16xbf16, #tpu.memory_space<vmem_shared>> -> memref<10240x16xbf16, #tpu.memory_space<vmem_shared>>
    tpu.wait_indirect_dma semaphore(%arg27 : memref<!tpu.dma_semaphore, #tpu.memory_space<semaphore_mem>>) src(%arg12 : memref<256x16xbf16, #tpu.memory_space<vmem>>) dst(%dma_wait3A_90 : memref<10240x16xbf16, #tpu.memory_space<vmem_shared>>)
    %dma_wait3A_91 = arith.constant 34 : i32
    %dma_wait3A_92 = arith.constant 0 : i32
    %dma_wait3A_93 = tpu.memref_slice %arg7[%dma_wait3A_91, %dma_wait3A_92] : memref<40x256xi32, #tpu.memory_space<vmem>> -> memref<1x256xi32, #tpu.memory_space<vmem>>
    %dma_wait3A_94 = tpu.memref_squeeze %dma_wait3A_93 : memref<1x256xi32, #tpu.memory_space<vmem>> -> memref<256xi32, #tpu.memory_space<vmem>>
    %dma_wait3A_95 = arith.constant 0 : i32
    %dma_wait3A_96 = arith.constant 0 : i32
    %dma_wait3A_97 = tpu.memref_slice %arg10[%dma_wait3A_95, %dma_wait3A_96] : memref<10240x16xbf16, #tpu.memory_space<vmem_shared>> -> memref<10240x16xbf16, #tpu.memory_space<vmem_shared>>
    tpu.wait_indirect_dma semaphore(%arg28 : memref<!tpu.dma_semaphore, #tpu.memory_space<semaphore_mem>>) src(%arg13 : memref<256x16xbf16, #tpu.memory_space<vmem>>) dst(%dma_wait3A_97 : memref<10240x16xbf16, #tpu.memory_space<vmem_shared>>)
    %dma_wait3A_98 = arith.constant 35 : i32
    %dma_wait3A_99 = arith.constant 0 : i32
    %dma_wait3A_100 = tpu.memref_slice %arg7[%dma_wait3A_98, %dma_wait3A_99] : memref<40x256xi32, #tpu.memory_space<vmem>> -> memref<1x256xi32, #tpu.memory_space<vmem>>
    %dma_wait3A_101 = tpu.memref_squeeze %dma_wait3A_100 : memref<1x256xi32, #tpu.memory_space<vmem>> -> memref<256xi32, #tpu.memory_space<vmem>>
    %dma_wait3A_102 = arith.constant 0 : i32
    %dma_wait3A_103 = arith.constant 0 : i32
    %dma_wait3A_104 = tpu.memref_slice %arg10[%dma_wait3A_102, %dma_wait3A_103] : memref<10240x16xbf16, #tpu.memory_space<vmem_shared>> -> memref<10240x16xbf16, #tpu.memory_space<vmem_shared>>
    tpu.wait_indirect_dma semaphore(%arg29 : memref<!tpu.dma_semaphore, #tpu.memory_space<semaphore_mem>>) src(%arg14 : memref<256x16xbf16, #tpu.memory_space<vmem>>) dst(%dma_wait3A_104 : memref<10240x16xbf16, #tpu.memory_space<vmem_shared>>)
    %dma_wait3A_105 = arith.constant 36 : i32
    %dma_wait3A_106 = arith.constant 0 : i32
    %dma_wait3A_107 = tpu.memref_slice %arg7[%dma_wait3A_105, %dma_wait3A_106] : memref<40x256xi32, #tpu.memory_space<vmem>> -> memref<1x256xi32, #tpu.memory_space<vmem>>
    %dma_wait3A_108 = tpu.memref_squeeze %dma_wait3A_107 : memref<1x256xi32, #tpu.memory_space<vmem>> -> memref<256xi32, #tpu.memory_space<vmem>>
    %dma_wait3A_109 = arith.constant 0 : i32
    %dma_wait3A_110 = arith.constant 0 : i32
    %dma_wait3A_111 = tpu.memref_slice %arg10[%dma_wait3A_109, %dma_wait3A_110] : memref<10240x16xbf16, #tpu.memory_space<vmem_shared>> -> memref<10240x16xbf16, #tpu.memory_space<vmem_shared>>
    tpu.wait_indirect_dma semaphore(%arg30 : memref<!tpu.dma_semaphore, #tpu.memory_space<semaphore_mem>>) src(%arg15 : memref<256x16xbf16, #tpu.memory_space<vmem>>) dst(%dma_wait3A_111 : memref<10240x16xbf16, #tpu.memory_space<vmem_shared>>)
    %dma_wait3A_112 = arith.constant 37 : i32
    %dma_wait3A_113 = arith.constant 0 : i32
    %dma_wait3A_114 = tpu.memref_slice %arg7[%dma_wait3A_112, %dma_wait3A_113] : memref<40x256xi32, #tpu.memory_space<vmem>> -> memref<1x256xi32, #tpu.memory_space<vmem>>
    %dma_wait3A_115 = tpu.memref_squeeze %dma_wait3A_114 : memref<1x256xi32, #tpu.memory_space<vmem>> -> memref<256xi32, #tpu.memory_space<vmem>>
    %dma_wait3A_116 = arith.constant 0 : i32
    %dma_wait3A_117 = arith.constant 0 : i32
    %dma_wait3A_118 = tpu.memref_slice %arg10[%dma_wait3A_116, %dma_wait3A_117] : memref<10240x16xbf16, #tpu.memory_space<vmem_shared>> -> memref<10240x16xbf16, #tpu.memory_space<vmem_shared>>
    tpu.wait_indirect_dma semaphore(%arg31 : memref<!tpu.dma_semaphore, #tpu.memory_space<semaphore_mem>>) src(%arg16 : memref<256x16xbf16, #tpu.memory_space<vmem>>) dst(%dma_wait3A_118 : memref<10240x16xbf16, #tpu.memory_space<vmem_shared>>)
    %dma_wait3A_119 = arith.constant 38 : i32
    %dma_wait3A_120 = arith.constant 0 : i32
    %dma_wait3A_121 = tpu.memref_slice %arg7[%dma_wait3A_119, %dma_wait3A_120] : memref<40x256xi32, #tpu.memory_space<vmem>> -> memref<1x256xi32, #tpu.memory_space<vmem>>
    %dma_wait3A_122 = tpu.memref_squeeze %dma_wait3A_121 : memref<1x256xi32, #tpu.memory_space<vmem>> -> memref<256xi32, #tpu.memory_space<vmem>>
    %dma_wait3A_123 = arith.constant 0 : i32
    %dma_wait3A_124 = arith.constant 0 : i32
    %dma_wait3A_125 = tpu.memref_slice %arg10[%dma_wait3A_123, %dma_wait3A_124] : memref<10240x16xbf16, #tpu.memory_space<vmem_shared>> -> memref<10240x16xbf16, #tpu.memory_space<vmem_shared>>
    tpu.wait_indirect_dma semaphore(%arg32 : memref<!tpu.dma_semaphore, #tpu.memory_space<semaphore_mem>>) src(%arg17 : memref<256x16xbf16, #tpu.memory_space<vmem>>) dst(%dma_wait3A_125 : memref<10240x16xbf16, #tpu.memory_space<vmem_shared>>)
    %dma_wait3A_126 = arith.constant 39 : i32
    %dma_wait3A_127 = arith.constant 0 : i32
    %dma_wait3A_128 = tpu.memref_slice %arg7[%dma_wait3A_126, %dma_wait3A_127] : memref<40x256xi32, #tpu.memory_space<vmem>> -> memref<1x256xi32, #tpu.memory_space<vmem>>
    %dma_wait3A_129 = tpu.memref_squeeze %dma_wait3A_128 : memref<1x256xi32, #tpu.memory_space<vmem>> -> memref<256xi32, #tpu.memory_space<vmem>>
    %dma_wait3A_130 = arith.constant 0 : i32
    %dma_wait3A_131 = arith.constant 0 : i32
    %dma_wait3A_132 = tpu.memref_slice %arg10[%dma_wait3A_130, %dma_wait3A_131] : memref<10240x16xbf16, #tpu.memory_space<vmem_shared>> -> memref<10240x16xbf16, #tpu.memory_space<vmem_shared>>
    tpu.wait_indirect_dma semaphore(%arg33 : memref<!tpu.dma_semaphore, #tpu.memory_space<semaphore_mem>>) src(%arg18 : memref<256x16xbf16, #tpu.memory_space<vmem>>) dst(%dma_wait3A_132 : memref<10240x16xbf16, #tpu.memory_space<vmem_shared>>)
    %barrier3A_133 = arith.constant 0 : index
    tpu.barrier barrier_id(%barrier3A_133)
    %mul3A_134 = arith.constant 640 : i32
    %mul3A_135 = arith.muli %arg1, %mul3A_134 : i32
    %mul3A_136 = arith.constant 640 : i32
    %mul3A_137 = arith.muli %arg1, %mul3A_136 : i32
    "tpu.region"() ({
      %run_scoped3A = tpu.sem_alloc : memref<!tpu.dma_semaphore, #tpu.memory_space<semaphore_mem>>
      %dma_start3A_138 = arith.constant 0 : i32
      %dma_start3A_139 = tpu.memref_slice %arg5[%arg0, %mul3A_137, %dma_start3A_138] : memref<2x10240x16xbf16, #tpu.memory_space<hbm>> -> memref<1x640x16xbf16, #tpu.memory_space<hbm>>
      %dma_start3A_140 = tpu.memref_squeeze %dma_start3A_139 : memref<1x640x16xbf16, #tpu.memory_space<hbm>> -> memref<640x16xbf16, #tpu.memory_space<hbm>>
      %dma_start3A_141 = arith.constant 0 : i32
      %dma_start3A_142 = tpu.memref_slice %arg10[%mul3A_135, %dma_start3A_141] : memref<10240x16xbf16, #tpu.memory_space<vmem_shared>> -> memref<640x16xbf16, #tpu.memory_space<vmem_shared>>
      tpu.enqueue_dma source(%dma_start3A_142 : memref<640x16xbf16, #tpu.memory_space<vmem_shared>>) target(%dma_start3A_140 : memref<640x16xbf16, #tpu.memory_space<hbm>>) target_semaphore(%run_scoped3A : memref<!tpu.dma_semaphore, #tpu.memory_space<semaphore_mem>>)
      %dma_wait3A_143 = arith.constant 0 : i32
      %dma_wait3A_144 = tpu.memref_slice %arg5[%arg0, %mul3A_137, %dma_wait3A_143] : memref<2x10240x16xbf16, #tpu.memory_space<hbm>> -> memref<1x640x16xbf16, #tpu.memory_space<hbm>>
      %dma_wait3A_145 = tpu.memref_squeeze %dma_wait3A_144 : memref<1x640x16xbf16, #tpu.memory_space<hbm>> -> memref<640x16xbf16, #tpu.memory_space<hbm>>
      %dma_wait3A_146 = arith.constant 0 : i32
      %dma_wait3A_147 = tpu.memref_slice %arg10[%mul3A_135, %dma_wait3A_146] : memref<10240x16xbf16, #tpu.memory_space<vmem_shared>> -> memref<640x16xbf16, #tpu.memory_space<vmem_shared>>
      tpu.wait_dma2 semaphore(%run_scoped3A : memref<!tpu.dma_semaphore, #tpu.memory_space<semaphore_mem>>) src(%dma_wait3A_147 : memref<640x16xbf16, #tpu.memory_space<vmem_shared>>) dst(%dma_wait3A_145 : memref<640x16xbf16, #tpu.memory_space<hbm>>)
      tpu.yield
    }) : () -> ()
    return
  }
}

module attributes {stable_mosaic.version = 14 : i64} {
  func.func @_mm_body(%arg0: memref<10000x128xf32, #tpu.memory_space<vmem>>, %arg1: memref<128x64xf32, #tpu.memory_space<vmem>>, %arg2: memref<10000x64xf32, #tpu.memory_space<vmem>>) attributes {dimension_semantics = [], scalar_prefetch = 0 : i64, scratch_operands = 0 : i64, tpu.core_type = #tpu.core_type<tc>} {
    %get3A = arith.constant 0 : index
    %get3A_0 = arith.constant 0 : index
    %get3A_1 = vector.load %arg0[%get3A, %get3A_0] : memref<10000x128xf32, #tpu.memory_space<vmem>>, vector<10000x128xf32>
    %get3A_2 = arith.constant 0 : index
    %get3A_3 = arith.constant 0 : index
    %get3A_4 = vector.load %arg1[%get3A_2, %get3A_3] : memref<128x64xf32, #tpu.memory_space<vmem>>, vector<128x64xf32>
    %dot_general3A = arith.constant dense<0.000000e+00> : vector<10000x64xf32>
    %dot_general3A_5 = tpu.matmul %get3A_1, %get3A_4, %dot_general3A {dimension_numbers = #tpu.dot_dimension_numbers<[1], [0], [0], [1], [0, 0, 1, 1], [], []>, transpose_lhs_hint = false} : vector<10000x128xf32>, vector<128x64xf32>, vector<10000x64xf32> -> vector<10000x64xf32>
    %swap3A = arith.constant 0 : index
    %swap3A_6 = arith.constant 0 : index
    %swap3A_7 = vector.load %arg2[%swap3A, %swap3A_6] : memref<10000x64xf32, #tpu.memory_space<vmem>>, vector<10000x64xf32>
    tpu.vector_store %arg2[%swap3A, %swap3A_6], %dot_general3A_5 {strides = array<i32>} : memref<10000x64xf32, #tpu.memory_space<vmem>>, vector<10000x64xf32>,
    return
  }
}

module attributes {stable_mosaic.version = 14 : i64} {
  func.func @_prep_body(%arg0: memref<2x10240x16xf32, #tpu.memory_space<vmem>>, %arg1: memref<10000x64xf32, #tpu.memory_space<vmem>>, %arg2: memref<10000x1xf32, #tpu.memory_space<vmem>>, %arg3: memref<10000x64xf32, #tpu.memory_space<vmem>>) attributes {dimension_semantics = [], scalar_prefetch = 0 : i64, scratch_operands = 0 : i64, tpu.core_type = #tpu.core_type<tc>} {
    %get3A = arith.constant 0 : index
    %get3A_0 = arith.constant 0 : index
    %get3A_1 = arith.constant 0 : index
    %get3A_2 = vector.load %arg0[%get3A, %get3A_0, %get3A_1] : memref<2x10240x16xf32, #tpu.memory_space<vmem>>, vector<1x10000x16xf32>
    %get3A_3 = vector.shape_cast %get3A_2 : vector<1x10000x16xf32> to vector<10000x16xf32>
    %reduce_max3A = arith.constant dense<0xFF800000> : vector<10000xf32>
    %reduce_max3A_4 = vector.multi_reduction <maximumf>, %get3A_3, %reduce_max3A [1] : vector<10000x16xf32> to vector<10000xf32>
    %broadcast_in_dim3A = vector.shape_cast %reduce_max3A_4 : vector<10000xf32> to vector<10000x1xf32>
    %get3A_5 = arith.constant 1 : index
    %get3A_6 = arith.constant 0 : index
    %get3A_7 = arith.constant 0 : index
    %get3A_8 = vector.load %arg0[%get3A_5, %get3A_6, %get3A_7] : memref<2x10240x16xf32, #tpu.memory_space<vmem>>, vector<1x10000x16xf32>
    %get3A_9 = vector.shape_cast %get3A_8 : vector<1x10000x16xf32> to vector<10000x16xf32>
    %reduce_max3A_10 = arith.constant dense<0xFF800000> : vector<10000xf32>
    %reduce_max3A_11 = vector.multi_reduction <maximumf>, %get3A_9, %reduce_max3A_10 [1] : vector<10000x16xf32> to vector<10000xf32>
    %broadcast_in_dim3A_12 = vector.shape_cast %reduce_max3A_11 : vector<10000xf32> to vector<10000x1xf32>
    %add3A = arith.addf %broadcast_in_dim3A, %broadcast_in_dim3A_12 : vector<10000x1xf32>
    %add3A_13 = arith.constant 1.000000e+00 : f32
    %add3A_14 = vector.broadcast %add3A_13 : f32 to vector<10000x1xf32>
    %add3A_15 = arith.addf %add3A, %add3A_14 : vector<10000x1xf32>
    %max3A = arith.constant 9.99999996E-13 : f32
    %max3A_16 = vector.broadcast %max3A : f32 to vector<10000x1xf32>
    %max3A_17 = arith.maximumf %add3A_15, %max3A_16 : vector<10000x1xf32>
    %rsqrt3A = math.rsqrt %max3A_17 : vector<10000x1xf32>
    %swap3A = arith.constant 0 : index
    %swap3A_18 = arith.constant 0 : index
    %swap3A_19 = vector.load %arg2[%swap3A, %swap3A_18] : memref<10000x1xf32, #tpu.memory_space<vmem>>, vector<10000x1xf32>
    tpu.vector_store %arg2[%swap3A, %swap3A_18], %rsqrt3A {strides = array<i32>} : memref<10000x1xf32, #tpu.memory_space<vmem>>, vector<10000x1xf32>,
    %get3A_20 = arith.constant 0 : index
    %get3A_21 = arith.constant 0 : index
    %get3A_22 = vector.load %arg1[%get3A_20, %get3A_21] : memref<10000x64xf32, #tpu.memory_space<vmem>>, vector<10000x64xf32>
    %mul3A = vector.broadcast %rsqrt3A : vector<10000x1xf32> to vector<10000x64xf32>
    %mul3A_23 = arith.mulf %get3A_22, %mul3A : vector<10000x64xf32>
    %swap3A_24 = arith.constant 0 : index
    %swap3A_25 = arith.constant 0 : index
    %swap3A_26 = vector.load %arg3[%swap3A_24, %swap3A_25] : memref<10000x64xf32, #tpu.memory_space<vmem>>, vector<10000x64xf32>
    tpu.vector_store %arg3[%swap3A_24, %swap3A_25], %mul3A_23 {strides = array<i32>} : memref<10000x64xf32, #tpu.memory_space<vmem>>, vector<10000x64xf32>,
    return
  }
}

module attributes {stable_mosaic.version = 14 : i64} {
  func.func @_l1_body(%arg0: memref<2x10240x64xbf16, #tpu.memory_space<vmem>>, %arg1: memref<10000x64xf32, #tpu.memory_space<vmem>>, %arg2: memref<10000x1xf32, #tpu.memory_space<vmem>>, %arg3: memref<1x64xf32, #tpu.memory_space<vmem>>, %arg4: memref<1x64xf32, #tpu.memory_space<vmem>>, %arg5: memref<1x64xf32, #tpu.memory_space<vmem>>, %arg6: memref<10000x64xf32, #tpu.memory_space<vmem>>) attributes {dimension_semantics = [], scalar_prefetch = 0 : i64, scratch_operands = 0 : i64, tpu.core_type = #tpu.core_type<tc>} {
    %get3A = arith.constant 0 : index
    %get3A_0 = arith.constant 0 : index
    %get3A_1 = vector.load %arg2[%get3A, %get3A_0] : memref<10000x1xf32, #tpu.memory_space<vmem>>, vector<10000x1xf32>
    %get3A_2 = arith.constant 0 : index
    %get3A_3 = arith.constant 0 : index
    %get3A_4 = arith.constant 0 : index
    %get3A_5 = vector.load %arg0[%get3A_2, %get3A_3, %get3A_4] : memref<2x10240x64xbf16, #tpu.memory_space<vmem>>, vector<1x10000x64xbf16>
    %get3A_6 = vector.shape_cast %get3A_5 : vector<1x10000x64xbf16> to vector<10000x64xbf16>
    %convert_element_type3A = arith.extf %get3A_6 : vector<10000x64xbf16> to vector<10000x64xf32>
    %get3A_7 = arith.constant 1 : index
    %get3A_8 = arith.constant 0 : index
    %get3A_9 = arith.constant 0 : index
    %get3A_10 = vector.load %arg0[%get3A_7, %get3A_8, %get3A_9] : memref<2x10240x64xbf16, #tpu.memory_space<vmem>>, vector<1x10000x64xbf16>
    %get3A_11 = vector.shape_cast %get3A_10 : vector<1x10000x64xbf16> to vector<10000x64xbf16>
    %convert_element_type3A_12 = arith.extf %get3A_11 : vector<10000x64xbf16> to vector<10000x64xf32>
    %add3A = arith.addf %convert_element_type3A, %convert_element_type3A_12 : vector<10000x64xf32>
    %get3A_13 = arith.constant 0 : index
    %get3A_14 = arith.constant 0 : index
    %get3A_15 = vector.load %arg1[%get3A_13, %get3A_14] : memref<10000x64xf32, #tpu.memory_space<vmem>>, vector<10000x64xf32>
    %add3A_16 = arith.addf %add3A, %get3A_15 : vector<10000x64xf32>
    %mul3A = vector.broadcast %get3A_1 : vector<10000x1xf32> to vector<10000x64xf32>
    %mul3A_17 = arith.mulf %mul3A, %add3A_16 : vector<10000x64xf32>
    %get3A_18 = arith.constant 0 : index
    %get3A_19 = arith.constant 0 : index
    %get3A_20 = vector.load %arg3[%get3A_18, %get3A_19] : memref<1x64xf32, #tpu.memory_space<vmem>>, vector<1x64xf32>
    %add3A_21 = vector.broadcast %get3A_20 : vector<1x64xf32> to vector<10000x64xf32>
    %add3A_22 = arith.addf %mul3A_17, %add3A_21 : vector<10000x64xf32>
    %get3A_23 = arith.constant 0 : index
    %get3A_24 = arith.constant 0 : index
    %get3A_25 = vector.load %arg4[%get3A_23, %get3A_24] : memref<1x64xf32, #tpu.memory_space<vmem>>, vector<1x64xf32>
    %get3A_26 = arith.constant 0 : index
    %get3A_27 = arith.constant 0 : index
    %get3A_28 = vector.load %arg5[%get3A_26, %get3A_27] : memref<1x64xf32, #tpu.memory_space<vmem>>, vector<1x64xf32>
    %reduce_sum3A = arith.constant dense<0.000000e+00> : vector<64xf32>
    %reduce_sum3A_29 = vector.multi_reduction <add>, %add3A_22, %reduce_sum3A [0] : vector<10000x64xf32> to vector<64xf32>
    %broadcast_in_dim3A = vector.shape_cast %reduce_sum3A_29 : vector<64xf32> to vector<1x64xf32>
    %div3A = arith.constant 1.000000e+04 : f32
    %div3A_30 = vector.broadcast %div3A : f32 to vector<1x64xf32>
    %div3A_31 = arith.divf %broadcast_in_dim3A, %div3A_30 : vector<1x64xf32>
    %sub3A = vector.broadcast %div3A_31 : vector<1x64xf32> to vector<10000x64xf32>
    %sub3A_32 = arith.subf %add3A_22, %sub3A : vector<10000x64xf32>
    %mul3A_33 = arith.mulf %sub3A_32, %sub3A_32 : vector<10000x64xf32>
    %reduce_sum3A_34 = arith.constant dense<0.000000e+00> : vector<64xf32>
    %reduce_sum3A_35 = vector.multi_reduction <add>, %mul3A_33, %reduce_sum3A_34 [0] : vector<10000x64xf32> to vector<64xf32>
    %broadcast_in_dim3A_36 = vector.shape_cast %reduce_sum3A_35 : vector<64xf32> to vector<1x64xf32>
    %div3A_37 = arith.constant 1.000000e+04 : f32
    %div3A_38 = vector.broadcast %div3A_37 : f32 to vector<1x64xf32>
    %div3A_39 = arith.divf %broadcast_in_dim3A_36, %div3A_38 : vector<1x64xf32>
    %add3A_40 = arith.constant 9.99999974E-6 : f32
    %add3A_41 = vector.broadcast %add3A_40 : f32 to vector<1x64xf32>
    %add3A_42 = arith.addf %div3A_39, %add3A_41 : vector<1x64xf32>
    %rsqrt3A = math.rsqrt %add3A_42 : vector<1x64xf32>
    %mul3A_43 = vector.broadcast %rsqrt3A : vector<1x64xf32> to vector<10000x64xf32>
    %mul3A_44 = arith.mulf %sub3A_32, %mul3A_43 : vector<10000x64xf32>
    %mul3A_45 = vector.broadcast %get3A_25 : vector<1x64xf32> to vector<10000x64xf32>
    %mul3A_46 = arith.mulf %mul3A_44, %mul3A_45 : vector<10000x64xf32>
    %add3A_47 = vector.broadcast %get3A_28 : vector<1x64xf32> to vector<10000x64xf32>
    %add3A_48 = arith.addf %mul3A_46, %add3A_47 : vector<10000x64xf32>
    %max3A = arith.constant 0.000000e+00 : f32
    %max3A_49 = vector.broadcast %max3A : f32 to vector<10000x64xf32>
    %max3A_50 = arith.maximumf %add3A_48, %max3A_49 : vector<10000x64xf32>
    %mul3A_51 = vector.broadcast %get3A_1 : vector<10000x1xf32> to vector<10000x64xf32>
    %mul3A_52 = arith.mulf %max3A_50, %mul3A_51 : vector<10000x64xf32>
    %swap3A = arith.constant 0 : index
    %swap3A_53 = arith.constant 0 : index
    %swap3A_54 = vector.load %arg6[%swap3A, %swap3A_53] : memref<10000x64xf32, #tpu.memory_space<vmem>>, vector<10000x64xf32>
    tpu.vector_store %arg6[%swap3A, %swap3A_53], %mul3A_52 {strides = array<i32>} : memref<10000x64xf32, #tpu.memory_space<vmem>>, vector<10000x64xf32>,
    return
  }
}

module attributes {stable_mosaic.version = 14 : i64} {
  func.func @_l2_body(%arg0: memref<2x10240x64xbf16, #tpu.memory_space<vmem>>, %arg1: memref<10000x64xf32, #tpu.memory_space<vmem>>, %arg2: memref<10000x1xf32, #tpu.memory_space<vmem>>, %arg3: memref<64x128xf32, #tpu.memory_space<vmem>>, %arg4: memref<1x128xf32, #tpu.memory_space<vmem>>, %arg5: memref<1x128xf32, #tpu.memory_space<vmem>>, %arg6: memref<1x128xf32, #tpu.memory_space<vmem>>, %arg7: memref<128x16xf32, #tpu.memory_space<vmem>>, %arg8: memref<10000x16xf32, #tpu.memory_space<vmem>>) attributes {dimension_semantics = [], scalar_prefetch = 0 : i64, scratch_operands = 0 : i64, tpu.core_type = #tpu.core_type<tc>} {
    %get3A = arith.constant 0 : index
    %get3A_0 = arith.constant 0 : index
    %get3A_1 = vector.load %arg2[%get3A, %get3A_0] : memref<10000x1xf32, #tpu.memory_space<vmem>>, vector<10000x1xf32>
    %get3A_2 = arith.constant 0 : index
    %get3A_3 = arith.constant 0 : index
    %get3A_4 = arith.constant 0 : index
    %get3A_5 = vector.load %arg0[%get3A_2, %get3A_3, %get3A_4] : memref<2x10240x64xbf16, #tpu.memory_space<vmem>>, vector<1x10000x64xbf16>
    %get3A_6 = vector.shape_cast %get3A_5 : vector<1x10000x64xbf16> to vector<10000x64xbf16>
    %convert_element_type3A = arith.extf %get3A_6 : vector<10000x64xbf16> to vector<10000x64xf32>
    %get3A_7 = arith.constant 1 : index
    %get3A_8 = arith.constant 0 : index
    %get3A_9 = arith.constant 0 : index
    %get3A_10 = vector.load %arg0[%get3A_7, %get3A_8, %get3A_9] : memref<2x10240x64xbf16, #tpu.memory_space<vmem>>, vector<1x10000x64xbf16>
    %get3A_11 = vector.shape_cast %get3A_10 : vector<1x10000x64xbf16> to vector<10000x64xbf16>
    %convert_element_type3A_12 = arith.extf %get3A_11 : vector<10000x64xbf16> to vector<10000x64xf32>
    %add3A = arith.addf %convert_element_type3A, %convert_element_type3A_12 : vector<10000x64xf32>
    %get3A_13 = arith.constant 0 : index
    %get3A_14 = arith.constant 0 : index
    %get3A_15 = vector.load %arg1[%get3A_13, %get3A_14] : memref<10000x64xf32, #tpu.memory_space<vmem>>, vector<10000x64xf32>
    %add3A_16 = arith.addf %add3A, %get3A_15 : vector<10000x64xf32>
    %mul3A = vector.broadcast %get3A_1 : vector<10000x1xf32> to vector<10000x64xf32>
    %mul3A_17 = arith.mulf %mul3A, %add3A_16 : vector<10000x64xf32>
    %get3A_18 = arith.constant 0 : index
    %get3A_19 = arith.constant 0 : index
    %get3A_20 = vector.load %arg3[%get3A_18, %get3A_19] : memref<64x128xf32, #tpu.memory_space<vmem>>, vector<64x128xf32>
    %dot_general3A = arith.constant dense<0.000000e+00> : vector<10000x128xf32>
    %dot_general3A_21 = tpu.matmul %mul3A_17, %get3A_20, %dot_general3A {dimension_numbers = #tpu.dot_dimension_numbers<[1], [0], [0], [1], [0, 0, 1, 1], [], []>, transpose_lhs_hint = false} : vector<10000x64xf32>, vector<64x128xf32>, vector<10000x128xf32> -> vector<10000x128xf32>
    %get3A_22 = arith.constant 0 : index
    %get3A_23 = arith.constant 0 : index
    %get3A_24 = vector.load %arg4[%get3A_22, %get3A_23] : memref<1x128xf32, #tpu.memory_space<vmem>>, vector<1x128xf32>
    %add3A_25 = vector.broadcast %get3A_24 : vector<1x128xf32> to vector<10000x128xf32>
    %add3A_26 = arith.addf %dot_general3A_21, %add3A_25 : vector<10000x128xf32>
    %get3A_27 = arith.constant 0 : index
    %get3A_28 = arith.constant 0 : index
    %get3A_29 = vector.load %arg5[%get3A_27, %get3A_28] : memref<1x128xf32, #tpu.memory_space<vmem>>, vector<1x128xf32>
    %get3A_30 = arith.constant 0 : index
    %get3A_31 = arith.constant 0 : index
    %get3A_32 = vector.load %arg6[%get3A_30, %get3A_31] : memref<1x128xf32, #tpu.memory_space<vmem>>, vector<1x128xf32>
    %reduce_sum3A = arith.constant dense<0.000000e+00> : vector<128xf32>
    %reduce_sum3A_33 = vector.multi_reduction <add>, %add3A_26, %reduce_sum3A [0] : vector<10000x128xf32> to vector<128xf32>
    %broadcast_in_dim3A = vector.shape_cast %reduce_sum3A_33 : vector<128xf32> to vector<1x128xf32>
    %div3A = arith.constant 1.000000e+04 : f32
    %div3A_34 = vector.broadcast %div3A : f32 to vector<1x128xf32>
    %div3A_35 = arith.divf %broadcast_in_dim3A, %div3A_34 : vector<1x128xf32>
    %sub3A = vector.broadcast %div3A_35 : vector<1x128xf32> to vector<10000x128xf32>
    %sub3A_36 = arith.subf %add3A_26, %sub3A : vector<10000x128xf32>
    %mul3A_37 = arith.mulf %sub3A_36, %sub3A_36 : vector<10000x128xf32>
    %reduce_sum3A_38 = arith.constant dense<0.000000e+00> : vector<128xf32>
    %reduce_sum3A_39 = vector.multi_reduction <add>, %mul3A_37, %reduce_sum3A_38 [0] : vector<10000x128xf32> to vector<128xf32>
    %broadcast_in_dim3A_40 = vector.shape_cast %reduce_sum3A_39 : vector<128xf32> to vector<1x128xf32>
    %div3A_41 = arith.constant 1.000000e+04 : f32
    %div3A_42 = vector.broadcast %div3A_41 : f32 to vector<1x128xf32>
    %div3A_43 = arith.divf %broadcast_in_dim3A_40, %div3A_42 : vector<1x128xf32>
    %add3A_44 = arith.constant 9.99999974E-6 : f32
    %add3A_45 = vector.broadcast %add3A_44 : f32 to vector<1x128xf32>
    %add3A_46 = arith.addf %div3A_43, %add3A_45 : vector<1x128xf32>
    %rsqrt3A = math.rsqrt %add3A_46 : vector<1x128xf32>
    %mul3A_47 = vector.broadcast %rsqrt3A : vector<1x128xf32> to vector<10000x128xf32>
    %mul3A_48 = arith.mulf %sub3A_36, %mul3A_47 : vector<10000x128xf32>
    %mul3A_49 = vector.broadcast %get3A_29 : vector<1x128xf32> to vector<10000x128xf32>
    %mul3A_50 = arith.mulf %mul3A_48, %mul3A_49 : vector<10000x128xf32>
    %add3A_51 = vector.broadcast %get3A_32 : vector<1x128xf32> to vector<10000x128xf32>
    %add3A_52 = arith.addf %mul3A_50, %add3A_51 : vector<10000x128xf32>
    %max3A = arith.constant 0.000000e+00 : f32
    %max3A_53 = vector.broadcast %max3A : f32 to vector<10000x128xf32>
    %max3A_54 = arith.maximumf %add3A_52, %max3A_53 : vector<10000x128xf32>
    %get3A_55 = arith.constant 0 : index
    %get3A_56 = arith.constant 0 : index
    %get3A_57 = vector.load %arg7[%get3A_55, %get3A_56] : memref<128x16xf32, #tpu.memory_space<vmem>>, vector<128x16xf32>
    %dot_general3A_58 = arith.constant dense<0.000000e+00> : vector<10000x16xf32>
    %dot_general3A_59 = tpu.matmul %max3A_54, %get3A_57, %dot_general3A_58 {dimension_numbers = #tpu.dot_dimension_numbers<[1], [0], [0], [1], [0, 0, 1, 1], [], []>, transpose_lhs_hint = false} : vector<10000x128xf32>, vector<128x16xf32>, vector<10000x16xf32> -> vector<10000x16xf32>
    %mul3A_60 = vector.broadcast %get3A_1 : vector<10000x1xf32> to vector<10000x16xf32>
    %mul3A_61 = arith.mulf %dot_general3A_59, %mul3A_60 : vector<10000x16xf32>
    %swap3A = arith.constant 0 : index
    %swap3A_62 = arith.constant 0 : index
    %swap3A_63 = vector.load %arg8[%swap3A, %swap3A_62] : memref<10000x16xf32, #tpu.memory_space<vmem>>, vector<10000x16xf32>
    tpu.vector_store %arg8[%swap3A, %swap3A_62], %mul3A_61 {strides = array<i32>} : memref<10000x16xf32, #tpu.memory_space<vmem>>, vector<10000x16xf32>,
    return
  }
}

module attributes {stable_mosaic.version = 14 : i64} {
  func.func @_fin_body(%arg0: memref<2x10240x16xbf16, #tpu.memory_space<vmem>>, %arg1: memref<10000x16xf32, #tpu.memory_space<vmem>>, %arg2: memref<10000x1xf32, #tpu.memory_space<vmem>>, %arg3: memref<1x16xf32, #tpu.memory_space<vmem>>, %arg4: memref<10000x1xi32, #tpu.memory_space<vmem>>, %arg5: memref<64x16xf32, #tpu.memory_space<vmem>>) attributes {dimension_semantics = [], scalar_prefetch = 0 : i64, scratch_operands = 0 : i64, tpu.core_type = #tpu.core_type<tc>} {
    %get3A = arith.constant 0 : index
    %get3A_0 = arith.constant 0 : index
    %get3A_1 = vector.load %arg2[%get3A, %get3A_0] : memref<10000x1xf32, #tpu.memory_space<vmem>>, vector<10000x1xf32>
    %get3A_2 = arith.constant 0 : index
    %get3A_3 = arith.constant 0 : index
    %get3A_4 = arith.constant 0 : index
    %get3A_5 = vector.load %arg0[%get3A_2, %get3A_3, %get3A_4] : memref<2x10240x16xbf16, #tpu.memory_space<vmem>>, vector<1x10000x16xbf16>
    %get3A_6 = vector.shape_cast %get3A_5 : vector<1x10000x16xbf16> to vector<10000x16xbf16>
    %convert_element_type3A = arith.extf %get3A_6 : vector<10000x16xbf16> to vector<10000x16xf32>
    %get3A_7 = arith.constant 1 : index
    %get3A_8 = arith.constant 0 : index
    %get3A_9 = arith.constant 0 : index
    %get3A_10 = vector.load %arg0[%get3A_7, %get3A_8, %get3A_9] : memref<2x10240x16xbf16, #tpu.memory_space<vmem>>, vector<1x10000x16xbf16>
    %get3A_11 = vector.shape_cast %get3A_10 : vector<1x10000x16xbf16> to vector<10000x16xbf16>
    %convert_element_type3A_12 = arith.extf %get3A_11 : vector<10000x16xbf16> to vector<10000x16xf32>
    %add3A = arith.addf %convert_element_type3A, %convert_element_type3A_12 : vector<10000x16xf32>
    %get3A_13 = arith.constant 0 : index
    %get3A_14 = arith.constant 0 : index
    %get3A_15 = vector.load %arg1[%get3A_13, %get3A_14] : memref<10000x16xf32, #tpu.memory_space<vmem>>, vector<10000x16xf32>
    %add3A_16 = arith.addf %add3A, %get3A_15 : vector<10000x16xf32>
    %mul3A = vector.broadcast %get3A_1 : vector<10000x1xf32> to vector<10000x16xf32>
    %mul3A_17 = arith.mulf %mul3A, %add3A_16 : vector<10000x16xf32>
    %get3A_18 = arith.constant 0 : index
    %get3A_19 = arith.constant 0 : index
    %get3A_20 = vector.load %arg3[%get3A_18, %get3A_19] : memref<1x16xf32, #tpu.memory_space<vmem>>, vector<1x16xf32>
    %add3A_21 = vector.broadcast %get3A_20 : vector<1x16xf32> to vector<10000x16xf32>
    %add3A_22 = arith.addf %mul3A_17, %add3A_21 : vector<10000x16xf32>
    %iota3A = tpu.iota {dimensions = array<i32: 1>} : vector<10000x64xi32>
    %get3A_23 = arith.constant 0 : index
    %get3A_24 = arith.constant 0 : index
    %get3A_25 = vector.load %arg4[%get3A_23, %get3A_24] : memref<10000x1xi32, #tpu.memory_space<vmem>>, vector<10000x1xi32>
    %eq3A = vector.broadcast %get3A_25 : vector<10000x1xi32> to vector<10000x64xi32>
    %eq3A_26 = arith.cmpi eq, %iota3A, %eq3A : vector<10000x64xi32>
    %convert_element_type3A_27 = arith.extui %eq3A_26 : vector<10000x64xi1> to vector<10000x64xi32>
    %convert_element_type3A_28 = arith.sitofp %convert_element_type3A_27 : vector<10000x64xi32> to vector<10000x64xf32>
    %dot_general3A = arith.constant dense<0.000000e+00> : vector<64x16xf32>
    %dot_general3A_29 = tpu.matmul %convert_element_type3A_28, %add3A_22, %dot_general3A {dimension_numbers = #tpu.dot_dimension_numbers<[0], [0], [1], [1], [0, 1, 1, 1], [], []>, transpose_lhs_hint = false} : vector<10000x64xf32>, vector<10000x16xf32>, vector<64x16xf32> -> vector<64x16xf32>
    %broadcast_in_dim3A = arith.constant 1.000000e+00 : f32
    %broadcast_in_dim3A_30 = vector.broadcast %broadcast_in_dim3A : f32 to vector<10000x1xf32>
    %dot_general3A_31 = arith.constant dense<0.000000e+00> : vector<64x1xf32>
    %dot_general3A_32 = tpu.matmul %convert_element_type3A_28, %broadcast_in_dim3A_30, %dot_general3A_31 {dimension_numbers = #tpu.dot_dimension_numbers<[0], [0], [1], [1], [0, 1, 1, 1], [], []>, transpose_lhs_hint = false} : vector<10000x64xf32>, vector<10000x1xf32>, vector<64x1xf32> -> vector<64x1xf32>
    %max3A = arith.constant 1.000000e+00 : f32
    %max3A_33 = vector.broadcast %max3A : f32 to vector<64x1xf32>
    %max3A_34 = arith.maximumf %dot_general3A_32, %max3A_33 : vector<64x1xf32>
    %div3A = vector.broadcast %max3A_34 : vector<64x1xf32> to vector<64x16xf32>
    %div3A_35 = arith.divf %dot_general3A_29, %div3A : vector<64x16xf32>
    %iota3A_36 = tpu.iota {dimensions = array<i32: 1>} : vector<64x16xi32>
    %lt3A = arith.constant 10 : i32
    %lt3A_37 = vector.broadcast %lt3A : i32 to vector<64x16xi32>
    %lt3A_38 = arith.cmpi slt, %iota3A_36, %lt3A_37 : vector<64x16xi32>
    %jit3A = arith.constant -1.000000e+30 : f32
    %broadcast_in_dim3A_39 = vector.broadcast %jit3A : f32 to vector<64x16xf32>
    %select_n3A = arith.select %lt3A_38, %div3A_35, %broadcast_in_dim3A_39 : vector<64x16xi1>, vector<64x16xf32>
    %reduce_max3A = arith.constant dense<0xFF800000> : vector<64xf32>
    %reduce_max3A_40 = vector.multi_reduction <maximumf>, %select_n3A, %reduce_max3A [1] : vector<64x16xf32> to vector<64xf32>
    %broadcast_in_dim3A_41 = vector.shape_cast %reduce_max3A_40 : vector<64xf32> to vector<64x1xf32>
    %sub3A = vector.broadcast %broadcast_in_dim3A_41 : vector<64x1xf32> to vector<64x16xf32>
    %sub3A_42 = arith.subf %select_n3A, %sub3A : vector<64x16xf32>
    %exp3A = math.exp %sub3A_42 : vector<64x16xf32>
    %jit3A_43 = arith.constant 0.000000e+00 : f32
    %broadcast_in_dim3A_44 = vector.broadcast %jit3A_43 : f32 to vector<64x16xf32>
    %select_n3A_45 = arith.select %lt3A_38, %exp3A, %broadcast_in_dim3A_44 : vector<64x16xi1>, vector<64x16xf32>
    %reduce_sum3A = arith.constant dense<0.000000e+00> : vector<64xf32>
    %reduce_sum3A_46 = vector.multi_reduction <add>, %select_n3A_45, %reduce_sum3A [1] : vector<64x16xf32> to vector<64xf32>
    %broadcast_in_dim3A_47 = vector.shape_cast %reduce_sum3A_46 : vector<64xf32> to vector<64x1xf32>
    %log3A = math.log %broadcast_in_dim3A_47 : vector<64x1xf32>
    %sub3A_48 = vector.broadcast %broadcast_in_dim3A_41 : vector<64x1xf32> to vector<64x16xf32>
    %sub3A_49 = arith.subf %select_n3A, %sub3A_48 : vector<64x16xf32>
    %sub3A_50 = vector.broadcast %log3A : vector<64x1xf32> to vector<64x16xf32>
    %sub3A_51 = arith.subf %sub3A_49, %sub3A_50 : vector<64x16xf32>
    %swap3A = arith.constant 0 : index
    %swap3A_52 = arith.constant 0 : index
    %swap3A_53 = vector.load %arg5[%swap3A, %swap3A_52] : memref<64x16xf32, #tpu.memory_space<vmem>>, vector<64x16xf32>
    tpu.vector_store %arg5[%swap3A, %swap3A_52], %sub3A_51 {strides = array<i32>} : memref<64x16xf32, #tpu.memory_space<vmem>>, vector<64x16xf32>,
    return
  }
}

</mosaic_0001>

<sc_bundles>
// kernel: kernel.11.cloned.1.call-start
scs
__scs_entry_jumppad:
0x0: {  	(pc) =	sbr.rel $0x88, $3  }
0x1: {  	(tag) =	ssettag $0x0;
	lr =	simm.s32 $0x1  }
0x2: {  	[smem:$0x3F94] =	sst lr;
	_ =	strace $0xD0000000  }
0x3: {  	_ = 	snop  }
0x4: {  	_ = 	snop  }
0x5: {  	_ = 	snop  }
0x6: {  	_ = 	snop  }
0x7: {  	_ = 	snop  }
__scs_overlays_trampoline_lowered:
0x8: {  	[smem:$0x3FA3] =	sst s0  }
0x9: {  	[smem:$0x3FA4] =	sst s1  }
0xa: {  	[smem:$0x3FA5] =	sst s2  }
0xb: {  	[smem:$0x3FA6] =	sst s3  }
0xc: {  	[smem:$0x3FA7] =	sst s4  }
0xd: {  	[smem:$0x3FA8] =	sst s5  }
0xe: {  	[smem:$0x3FA9] =	sst s6  }
0xf: {  	[smem:$0x3FAA] =	sst s7  }
0x10: {  	[smem:$0x3FAB] =	sst s8  }
0x11: {  	[smem:$0x3FAC] =	sst s9;
	s0 =	simm.s32 @!p0 $0x0  }
0x12: {  	s1 =	sld [smem:$0x3F92];
	s0 =	simm.s32 @p0 $0x1  }
0x13: {  	[smem:$0x3FAD] =	sst s0;
	s0 =	simm.s32 @!p1 $0x0  }
0x14: {  	s2 =	sld [smem:$0x3F91];
	s0 =	simm.s32 @p1 $0x1  }
0x15: {  	[smem:$0x3FAE] =	sst s0;
	s0 =	simm.s32 @!p2 $0x0  }
0x16: {  	s3 =	sld [smem:$0x3FDB];
	s0 =	simm.s32 @p2 $0x1  }
0x17: {  	s4 =	simm.s32 $0x1BF5;
	[smem:$0x3FB0] =	sst s0  }
0x18: {  	s0 =	sld [smem:$0x3F93];
	_ =	swait.ge [sflag:s4], $0x0  }
0x19: {  	s7 =	sld [smem:$0x3F94]  }
0x1a: {  	s8 =	sadd.s32 $0xFFFFE003, lr  }
0x1b: {  	s9 =	sadd.s32 $0xFFFFFEF7, lr;
	s5 =	simm.s32 $0xFFFFFFFF;
	p2 =	slt.u32 s8, $0xFFFFF086  }
0x1c: {  	p1 =	slt.u32 s9, $0xF7A;
	s5 =	simm.s32 @!p2 $0x0  }
0x1d: {  	s5 =	simm.s32 @p1 $0x1;
	p0 =	seq.s32 s7, s2  }
0x1e: {  	s7 =	smul.u32 @!p0 $0xF7A, s2;
	p2 =	seq.s32 @!p0 s5, $0x0  }
0x1f: {  	s9 =	smul.u32 $0xF7A, s1;
	s8 =	simm.s32 @!p0 $0x1BF5;
	p2 =	por !p2, p0  }
0x20: {  	[sflag:s8] =	ssyncset.s32 @!p0 $0xFFFFF086;
	s6 =	sadd.s32 @!p0 s3, s7;
	s7 =	simm.s32 @!p0 $0x108  }
0x21: {  	s3 =	sadd.s32 s3, s9;
	s6 =	sadd.s32 @!p0 $0x88, s6;
	s7 =	simm.s32 @p2 $0x1082  }
0x22: {  	[simem:s7], [sflag:s8] =	dma.local @!p0 [hbm:s6], $0xF7A  }
0x23: {  	s9 =	sor.u32 $0xD0000000, s2;
	s6 =	simm.s32 $0x108;
	_ =	swait.ge @!p0 [sflag:s8], $0x0  }
0x24: {  	s3 =	sadd.s32 $0x88, s3;
	s6 =	simm.s32 @!p1 $0x1082;
	[sflag:s4] =	ssyncset.s32 $0xFFFFF086  }
0x25: {  	[simem:s6], [sflag:s4] =	dma.local [hbm:s3], $0xF7A  }
0x26: {  	[smem:$0x3F94] =	sst s1;
	(tag) =	ssettag s2;
	_ =	strace s9  }
0x27: {  	s1 =	sld [smem:$0x3FA4]  }
0x28: {  	s2 =	sld [smem:$0x3FA5]  }
0x29: {  	s4 =	sld [smem:$0x3FA7]  }
0x2a: {  	p0 =	seq.s32 s5, $0x0;
	s5 =	sld [smem:$0x3FA8]  }
0x2b: {  	s6 =	sld [smem:$0x3FA9]  }
0x2c: {  	s7 =	sld [smem:$0x3FAA]  }
0x2d: {  	s3 =	simm.s32 $0x108;
	s8 =	sld [smem:$0x3FAB]  }
0x2e: {  	s3 =	simm.s32 @!p0 $0x1082;
	s9 =	sld [smem:$0x3FAC]  }
0x2f: {  	lr =	sadd.s32 s0, s3;
	s0 =	sld [smem:$0x3FA3]  }
0x30: {  	s3 =	sld [smem:$0x3FA6]  }
0x31: {  	[smem:$0x3FAF] =	sst s10  }
0x32: {  	s10 =	sld [smem:$0x3FAD];
	_ =	sdelay $0x3  }
0x33: {  	p0 =	seq.s32 s10, $0x1;
	s10 =	sld [smem:$0x3FAF];
	_ =	sdelay $0x3  }
0x34: {  	[smem:$0x3FAF] =	sst s10  }
0x35: {  	s10 =	sld [smem:$0x3FAE];
	_ =	sdelay $0x3  }
0x36: {  	p1 =	seq.s32 s10, $0x1;
	s10 =	sld [smem:$0x3FAF];
	_ =	sdelay $0x3  }
0x37: {  	[smem:$0x3FAF] =	sst s10  }
0x38: {  	s10 =	sld [smem:$0x3FB0]  }
0x39: {  	_ = 	snop;
	(pc) =	sbr.ind lr, $3  }
0x3a: {  	_ = 	snop  }
0x3b: {  	_ = 	snop  }
0x3c: {  	p2 =	seq.s32 s10, $0x1;
	s10 =	sld [smem:$0x3FAF]  }
0x3d: {  	_ =	shalt  }
0x3e: {  	_ =	shalt  }
0x3f: {  	_ =	shalt  }
0x40: {  	_ =	shalt  }
0x41: {  	_ =	shalt  }
0x42: {  	_ =	shalt  }
0x43: {  	_ =	shalt  }
0x44: {  	_ =	shalt  }
0x45: {  	_ =	shalt  }
0x46: {  	_ =	shalt  }
0x47: {  	_ =	shalt  }
0x48: {  	_ =	shalt  }
0x49: {  	_ =	shalt  }
0x4a: {  	_ =	shalt  }
0x4b: {  	_ =	shalt  }
0x4c: {  	_ =	shalt  }
0x4d: {  	_ =	shalt  }
0x4e: {  	_ =	shalt  }
0x4f: {  	_ =	shalt  }
0x50: {  	_ =	shalt  }
0x51: {  	_ =	shalt  }
0x52: {  	_ =	shalt  }
0x53: {  	_ =	shalt  }
0x54: {  	_ =	shalt  }
0x55: {  	_ =	shalt  }
0x56: {  	_ =	shalt  }
0x57: {  	_ =	shalt  }
0x58: {  	_ =	shalt  }
0x59: {  	_ =	shalt  }
0x5a: {  	_ =	shalt  }
0x5b: {  	_ =	shalt  }
0x5c: {  	_ =	shalt  }
0x5d: {  	_ =	shalt  }
0x5e: {  	_ =	shalt  }
0x5f: {  	_ =	shalt  }
0x60: {  	_ =	shalt  }
0x61: {  	_ =	shalt  }
0x62: {  	_ =	shalt  }
0x63: {  	_ =	shalt  }
0x64: {  	_ =	shalt  }
0x65: {  	_ =	shalt  }
0x66: {  	_ =	shalt  }
0x67: {  	_ =	shalt  }
0x68: {  	_ =	shalt  }
0x69: {  	_ =	shalt  }
0x6a: {  	_ =	shalt  }
0x6b: {  	_ =	shalt  }
0x6c: {  	_ =	shalt  }
0x6d: {  	_ =	shalt  }
0x6e: {  	_ =	shalt  }
0x6f: {  	_ =	shalt  }
0x70: {  	_ =	shalt  }
0x71: {  	_ =	shalt  }
0x72: {  	_ =	shalt  }
0x73: {  	_ =	shalt  }
0x74: {  	_ =	shalt  }
0x75: {  	_ =	shalt  }
0x76: {  	_ =	shalt  }
0x77: {  	_ =	shalt  }
0x78: {  	_ =	shalt  }
0x79: {  	_ =	shalt  }
0x7a: {  	_ =	shalt  }
0x7b: {  	_ =	shalt  }
0x7c: {  	_ =	shalt  }
0x7d: {  	_ =	shalt  }
0x7e: {  	_ =	shalt  }
0x7f: {  	_ =	shalt  }
0x80: {  	_ =	shalt  }
0x81: {  	_ =	shalt  }
0x82: {  	_ =	shalt  }
0x83: {  	_ =	shalt  }
0x84: {  	_ =	shalt  }
0x85: {  	_ =	shalt  }
0x86: {  	_ =	shalt  }
0x87: {  	_ =	shalt  }
.Lfunc_end0:
.L_simem_size_0:
called_computation_lowered:
.L_overlay_start_0:
0x88: {  	s2 =	sld [smem:$0x3FD9]  }
0x89: {  	s3 =	sld [smem:$0x3FFE];
	_ =	sdelay $0x1  }
0x8a: {  	s1 =	srdreg.scid  }
0x8b: {  	s0 =	sand.u32 $0x1, s1  }
0x8c: {  	s16 =	sshll.u32 s0, $0xA;
	s2 =	sadd.s32 s3, s2  }
0x8d: {  	s2 =	sadd.s32 s2, s16  }
0x8e: {  	[smem:$0x3FBB] =	sst s2  }
0x8f: {  	_ = 	snop  }
0x90: {  	(tm) =	ssettm $0x1  }
0x91: {  	s17 =	sld [smem:$0x3FFB];
	_ =	sdelay $0x3  }
0x92: {  	_ =	strace s17  }
0x93: {  	s2 =	sld [smem:$0x3FFC];
	_ =	sdelay $0x3  }
0x94: {  	_ =	strace s2  }
0x95: {  	s2 =	sld [smem:$0x3FFD];
	_ =	sdelay $0x3  }
0x96: {  	_ =	strace s2  }
0x97: {  	_ =	strace $0x8FFFFFFF  }
0x98: {  	s18 =	sld [smem:$0x3FDB];
	_ =	sdelay $0x1  }
0x99: {  	s19 =	simm.s32 $_scs_section_size  }
0x9a: {  	s4 =	simm.s32 $_size__tile_overlayer_lowered;
	s5 =	simm.s32 $_tile_overlayer_lowered  }
0x9b: {  	s22 =	simm.s32 $0x1BFF;
	s21 =	sshll.u32 s5, $0x1;
	s2 =	sadd.s32 s19, s18  }
0x9c: {  	s6 =	simm.s32 $0x0;
	s20 =	sshll.u32 s4, $0x1;
	s4 =	sadd.s32 s21, s2  }
0x9d: {  	[timem:s6], [sflag:s22] =	dma.local [hbm:s4], s20  }
0x9e: {  	_ =	swait.ge [sflag:s22], s20  }
0x9f: {  	s3 =	ssub.s32 $0x0, s20;
	[sflag:s22] =	ssyncset.done $0x0  }
0xa0: {  	[sflag:s22] =	ssyncadd.s32 s3;
	_ =	sdelay $0x1  }
0xa1: {  	s23 =	simm.s32 $0x1B8B  }
0xa2: {  	_ =	swait.ge [sflag:s23], $0x1  }
0xa3: {  	[sflag:s23] =	ssyncset.done $0x0  }
0xa4: {  	s25 =	simm.s32 $0x1B8E;
	s24 =	sld [smem:$0x3FFE];
	[sflag:s23] =	ssyncadd.s32 $0xFFFFFFFF  }
0xa5: {  	s26 =	simm.s32 $execute0_lowered;
	[smem:$0x3FD2] =	sst s25  }
0xa6: {  	s4 =	sshll.u32 s26, $0x1;
	_ =	strace $0x80000046;
	[dreg:$0x1] =	wrdreg $0xFFFFFFFF  }
0xa7: {  	s28 =	simm.s32 $_size_execute0_lowered;
	s2 =	sadd.s32 s2, s4;
	[dreg:$0x0] =	wrdreg $0x0  }
0xa8: {  	s4 =	sshll.u32 s28, $0x1;
	[dreg:$0x2] =	wrdreg s2  }
0xa9: {  	[dreg:$0x3] =	wrdreg s4  }
0xaa: {  	[dreg:$0x4] =	wrdreg $0xC0  }
0xab: {  	_ =	task [dreg:s6], $0x5FFFF  }
0xac: {  	[dreg:$0x1] =	wrdreg $0xFFFFFFFF  }
0xad: {  	[dreg:$0x0] =	wrdreg $0x60  }
0xae: {  	[dreg:$0x2] =	wrdreg s24  }
0xaf: {  	[dreg:$0x3] =	wrdreg $0x3C000  }
0xb0: {  	[dreg:$0x4] =	wrdreg $0x9  }
0xb1: {  	_ =	task.clear_ibuf [dreg:s6], $0x5FFFF;
	_ =	strace $0x90000046  }
0xb2: {  	s29 =	simm.s32 $0x9;
	_ =	strace $0x80000048  }
0xb3: {  	_ =	swait.ge [sflag:s29], $0x1  }
0xb4: {  	[sflag:s29] =	ssyncadd.s32 $0xFFFFFFFF  }
0xb5: {  	_ =	strace $0x90000048  }
0xb6: {  	_ =	sfence  }
0xb7: {  	s30 =	sld [smem:$0x0];
	_ =	sdelay $0x2  }
0xb8: {  	s31 =	sshll.u32 s1, $0xD;
	s1 =	sshrl.u32 s1, $0x2  }
0xb9: {  	s3 =	sand.u32 $0x4000, s31;
	s1 =	sadd.s32 s1, s30  }
0xba: {  	s0 =	sor.u32 s3, s0;
	s1 =	sshll.u32 s1, $0x11  }
0xbb: {  	s0 =	sor.u32 s1, s0  }
0xbc: {  	s0 =	sadd.s32 $0x8F2B, s0  }
0xbd: {  	[sflag:s0] =	ssyncadd.remote.s32 $0x1  }
0xbe: {  	_ =	sfence.sel $0xFFFF  }
0xbf: {  	[dreg:$0x0] =	wrdreg $0xFFFFFFFF;
	(pc) =	sbr.abs _section_cstart, $3  }
0xc0: {  	[dreg:$0x1] =	wrdreg $0xFFFFFFFF  }
0xc1: {  	_ =	task.clear_ibuf [dreg:s6], $0x2FFFF;
	_ =	strace $0x9FFFFFFF  }
0xc2: {  	(tm) =	ssettm $0x7FFFFFFF  }
0xc3: {  	_ =	shalt  }
tec
execute0_lowered:
.L_overlay_start_1:
0x0: {  	(tag) =	ssettag $0x1  }
0x1: {  	s4 =	rddreg [dreg:$0x0]  }
0x2: {  	s1 =	rddreg [dreg:$0x1]  }
0x3: {  	s2 =	srdreg.scid;
	s0 =	rddreg [dreg:$0x2];
	s3 =	simm.s32 $0x0  }
0x4: {  	s17 =	simm.s32 $0x3800;
	s18 =	simm.s32 $0x1;
	s19 =	simm.s32 $0x100  }
0x5: {  	s20 =	simm.s32 $0x2800;
	s5 =	sand.u32 $0x1, s2;
	s2 =	stileid.u32  }
0x6: {  	[smem:$0x7FF] =	sst s3;
	s6 =	sshll.u32 s5, $0x4;
	s7 =	smul.u32 $0x28000, s5  }
0x7: {  	s8 =	smul.u32 $0x2800, s2;
	_ =	strace $0x80000047;
	s5 =	ssub.s32 $0x2, s5  }
0x8: {  	s9 =	smul.u32 $0xA000, s2;
	s21 =	sshll.u32 s2, $0x6;
	s6 =	sor.u32 s2, s6  }
0x9: {  	s10 =	sshrl.u32 s5, $0x1;
	s21 =	sor.u32 $0x1C01, s21;
	s6 =	smul.u32 $0x500, s6  }
0xa: {  	s7 =	sadd.s32 s8, s7;
	s10 =	ssub.s32 s5, s10;
	s22 =	sadd.s32 s8, s1  }
0xb: {  	s31 =	sshrl.u32 s9, $0x2;
	s7 =	sshrl.u32 s7, $0x3;
	s22 =	sshrl.u32 s22, $0x3  }
0xc: {  	s6 =	sadd.s32 s6, s4;
	s7 =	sadd.s32 s7, s4;
	s4 =	sadd.s32 s31, s1  }
0xd: {  	s5 =	sadd.s32 $0x2800, s6;
	s6 =	sadd.s32 $0xC800, s7;
	s7 =	smax.u32 s10, $0x1  }
0xe: {  	s8 =	sadd.s32 $0x400, s4;
	s9 =	sadd.s32 $0x800, s4;
	s10 =	sadd.s32 $0xC00, s4  }
0xf: {  	s11 =	sadd.s32 $0x1000, s4;
	s12 =	sadd.s32 $0x1400, s4;
	s13 =	sadd.s32 $0x1800, s4  }
0x10: {  	v0 =	vimm.f32 $0.0e+00;
	v1 =	vimm.f32 $1.000000000e+00;
	s14 =	sadd.s32 $0x1C00, s4;
	s15 =	sadd.s32 $0x2000, s4;
	s16 =	sadd.s32 $0x2400, s4  }
.LBB2_1:
0x11: {  	s23 =	simm.s32 $0x40;
	s24 =	simm.s32 $0x0  }
.LBB2_2:
0x12: {  	p0 =	sne.s32 s23, $0xFC0;
	[tilespmem:s24+$0x3800] =	vst v0;
	s24 =	smov.u32 s23;
	s23 =	sadd.s32 $0x40, s23  }
.Ltmp0:
0x13: {  	(pc) =	sbr.rel @p0 .LBB2_2-.Ltmp0, $2  }
0x14: {  	_ =	sdelay $0x2  }
0x15: {  	s24 =	sshra.s32 s24, $0x2  }
0x16: {  	[tilespmem:s24+$0x3800] =	vst v0  }
0x17: {  	[spmem:s4] =	stream.linear.scatter [tilespmem:s17], [sflag:$0x1], $0x400, $0x38;
	[tilespmem:$0x6400] =	vst v63  }
0x18: {  	_ =	swait.ge [sflag:s18], $0x400  }
0x19: {  	[sflag:s18] =	ssyncset.done $0x0  }
0x1a: {  	[sflag:s18] =	ssyncadd.s32 $0xFFFFFC00  }
0x1b: {  	[spmem:s8] =	stream.linear.scatter [tilespmem:s17], [sflag:$0x1], $0x400, $0x38;
	[tilespmem:$0x6400] =	vst v63  }
0x1c: {  	_ =	swait.ge [sflag:s18], $0x400  }
0x1d: {  	[sflag:s18] =	ssyncset.done $0x0  }
0x1e: {  	[sflag:s18] =	ssyncadd.s32 $0xFFFFFC00  }
0x1f: {  	[spmem:s9] =	stream.linear.scatter [tilespmem:s17], [sflag:$0x1], $0x400, $0x38;
	[tilespmem:$0x6400] =	vst v63  }
0x20: {  	_ =	swait.ge [sflag:s18], $0x400  }
0x21: {  	[sflag:s18] =	ssyncset.done $0x0  }
0x22: {  	[sflag:s18] =	ssyncadd.s32 $0xFFFFFC00  }
0x23: {  	[spmem:s10] =	stream.linear.scatter [tilespmem:s17], [sflag:$0x1], $0x400, $0x38;
	[tilespmem:$0x6400] =	vst v63  }
0x24: {  	_ =	swait.ge [sflag:s18], $0x400  }
0x25: {  	[sflag:s18] =	ssyncset.done $0x0  }
0x26: {  	[sflag:s18] =	ssyncadd.s32 $0xFFFFFC00  }
0x27: {  	[spmem:s11] =	stream.linear.scatter [tilespmem:s17], [sflag:$0x1], $0x400, $0x38;
	[tilespmem:$0x6400] =	vst v63  }
0x28: {  	_ =	swait.ge [sflag:s18], $0x400  }
0x29: {  	[sflag:s18] =	ssyncset.done $0x0  }
0x2a: {  	[sflag:s18] =	ssyncadd.s32 $0xFFFFFC00  }
0x2b: {  	[spmem:s12] =	stream.linear.scatter [tilespmem:s17], [sflag:$0x1], $0x400, $0x38;
	[tilespmem:$0x6400] =	vst v63  }
0x2c: {  	_ =	swait.ge [sflag:s18], $0x400  }
0x2d: {  	[sflag:s18] =	ssyncset.done $0x0  }
0x2e: {  	[sflag:s18] =	ssyncadd.s32 $0xFFFFFC00  }
0x2f: {  	[spmem:s13] =	stream.linear.scatter [tilespmem:s17], [sflag:$0x1], $0x400, $0x38;
	[tilespmem:$0x6400] =	vst v63  }
0x30: {  	_ =	swait.ge [sflag:s18], $0x400  }
0x31: {  	[sflag:s18] =	ssyncset.done $0x0  }
0x32: {  	[sflag:s18] =	ssyncadd.s32 $0xFFFFFC00  }
0x33: {  	[spmem:s14] =	stream.linear.scatter [tilespmem:s17], [sflag:$0x1], $0x400, $0x38;
	[tilespmem:$0x6400] =	vst v63  }
0x34: {  	_ =	swait.ge [sflag:s18], $0x400  }
0x35: {  	[sflag:s18] =	ssyncset.done $0x0  }
0x36: {  	[sflag:s18] =	ssyncadd.s32 $0xFFFFFC00  }
0x37: {  	[spmem:s15] =	stream.linear.scatter [tilespmem:s17], [sflag:$0x1], $0x400, $0x38;
	[tilespmem:$0x6400] =	vst v63  }
0x38: {  	_ =	swait.ge [sflag:s18], $0x400  }
0x39: {  	[sflag:s18] =	ssyncset.done $0x0  }
0x3a: {  	[sflag:s18] =	ssyncadd.s32 $0xFFFFFC00  }
0x3b: {  	[spmem:s16] =	stream.linear.scatter [tilespmem:s17], [sflag:$0x1], $0x400, $0x38;
	[tilespmem:$0x6400] =	vst v63  }
0x3c: {  	_ =	swait.ge [sflag:s18], $0x400  }
0x3d: {  	[sflag:s18] =	ssyncset.done $0x0  }
0x3e: {  	s23 =	simm.s32 $0x40;
	s24 =	simm.s32 $0x0;
	[sflag:s18] =	ssyncadd.s32 $0xFFFFFC00  }
.LBB2_4:
0x3f: {  	p0 =	sne.s32 s23, $0x3FC0;
	[tilespmem:s24+$0x2800] =	vst v1;
	s24 =	smov.u32 s23;
	s23 =	sadd.s32 $0x40, s23  }
.Ltmp1:
0x40: {  	(pc) =	sbr.rel @p0 .LBB2_4-.Ltmp1, $2  }
0x41: {  	_ =	sdelay $0x2  }
0x42: {  	s24 =	sshra.s32 s24, $0x2  }
0x43: {  	[tilespmem:s24+$0x2800] =	vst v1;
	s23 =	simm.s32 $0x0  }
0x44: {  	[tilespmem:s23], [sflag:$0x1] =	stream.linear.gather [hbm4b:s5+s23], $0x2800, $0x38;
	[tilespmem:$0x6400] =	vst v63  }
0x45: {  	_ =	swait.ge [sflag:s18], $0x2800  }
0x46: {  	[sflag:s18] =	ssyncset.done $0x0  }
0x47: {  	[sflag:s18] =	ssyncadd.s32 $0xFFFFD800  }
0x48: {  	s31 =	simm.s32 $0x0;
	[bflag:$0x0] =	sbarrier.arrive $0xFFFF  }
0x49: {  	[spmem:s1] =	stream.indirect.scatter.add.f32 [tilespmem:s20], [sflag:$0x1], $0x10, s31, s19, $0xb8;
	[tilespmem:$0x6400] =	vst v63  }
0x4a: {  	_ =	swait.ge [sflag:s18], $0x1000  }
0x4b: {  	s23 =	simm.s32 $0x400;
	[sflag:s18] =	ssyncset.done $0x0  }
.LBB2_6:
0x4c: {  	s24 =	sshra.s32 s23, $0x2;
	[sflag:s18] =	ssyncadd.s32 $0xFFFFF000;
	p0 =	sne.s32 s23, $0x9C00  }
0x4d: {  	[spmem:s1] =	stream.indirect.scatter.add.f32 [tilespmem:s20], [sflag:$0x1], $0x10, s24, s19, $0xb8;
	[tilespmem:$0x6400] =	vst v63  }
.Ltmp2:
0x4e: {  	_ = 	snop;
	(pc) =	sbr.rel @p0 .LBB2_6-.Ltmp2, $4  }
0x4f: {  	_ = 	snop  }
0x50: {  	s23 =	sadd.s32 $0x400, s23  }
0x51: {  	_ =	swait.ge [sflag:s18], $0x1000  }
0x52: {  	[sflag:s18] =	ssyncset.done $0x0  }
0x53: {  	s3 =	sadd.s32 $0x1, s3  }
0x54: {  	[sflag:s18] =	ssyncadd.s32 $0xFFFFF000;
	p0 =	sne.s32 s3, s7  }
.Ltmp3:
0x55: {  	[bflag:$0x0] =	sbarrier.arrive $0xFFFF;
	(pc) =	sbr.rel @p0 .LBB2_1-.Ltmp3, $4  }
0x56: {  	[hbm:s6], [sflag:s21] =	dma.local [spmem:s22], $0x500  }
0x57: {  	_ =	swait.ge [sflag:s18], $0x500  }
0x58: {  	[sflag:s18] =	ssyncset.done $0x0  }
0x59: {  	[sflag:s18] =	ssyncadd.s32 $0xFFFFFB00  }
0x5a: {  	_ =	sfence.sel $0x180000  }
0x5b: {  	[bflag:$0x0] =	sbarrier.arrive $0xFFFF  }
0x5c: {  	p0 =	sne.s32 s2, $0x0;
	_ =	strace $0x90000047  }
0x5d: {  	s0 =	sadd.s32 @!p0 $0x100000, s0;
	[bflag:$0x2] =	sbarrier.arrive $0xFFFF  }
0x5e: {  	[sflag:s0] =	ssyncadd.tile.s32 @!p0 $0x1;
	_ =	shalt  }
.Lfunc_end2:
_tile_overlayer_lowered:
.L_overlay_start_2:
0x5f: {  	(tag) =	ssettag $0x2  }
0x60: {  	s0 =	rddreg [dreg:$0x0];
	s2 =	stileid.u32  }
0x61: {  	s1 =	rddreg [dreg:$0x1];
	p0 =	sne.s32 s2, $0x0  }
0x62: {  	s3 =	rddreg [dreg:$0x2];
	[bflag:$0x3] =	sbarrier.arrive $0xFFFF;
	s2 =	simm.s32 @!p0 $0x1C01  }
0x63: {  	[timem:s3], [sflag:s2] =	dma.local @!p0 [hbm:s0], s1  }
0x64: {  	s0 =	simm.s32 @!p0 $0x1  }
0x65: {  	_ =	swait.ge @!p0 [sflag:s0], s1  }
0x66: {  	s1 =	ssub.s32 @!p0 $0x0, s1;
	[sflag:s0] =	ssyncset.done @!p0 $0x0  }
0x67: {  	[sflag:s0] =	ssyncadd.s32 @!p0 s1  }
0x68: {  	[bflag:$0x3] =	sbarrier.arrive $0xFFFF  }
0x69: {  	_ =	shalt  }

// kernel: kernel.14.cloned.1.call-start
scs
__scs_entry_jumppad:
0x0: {  	(pc) =	sbr.rel $0x88, $3  }
0x1: {  	(tag) =	ssettag $0x0;
	lr =	simm.s32 $0x1  }
0x2: {  	[smem:$0x3F94] =	sst lr;
	_ =	strace $0xD0000000  }
0x3: {  	_ = 	snop  }
0x4: {  	_ = 	snop  }
0x5: {  	_ = 	snop  }
0x6: {  	_ = 	snop  }
0x7: {  	_ = 	snop  }
__scs_overlays_trampoline_lowered:
0x8: {  	[smem:$0x3FA3] =	sst s0  }
0x9: {  	[smem:$0x3FA4] =	sst s1  }
0xa: {  	[smem:$0x3FA5] =	sst s2  }
0xb: {  	[smem:$0x3FA6] =	sst s3  }
0xc: {  	[smem:$0x3FA7] =	sst s4  }
0xd: {  	[smem:$0x3FA8] =	sst s5  }
0xe: {  	[smem:$0x3FA9] =	sst s6  }
0xf: {  	[smem:$0x3FAA] =	sst s7  }
0x10: {  	[smem:$0x3FAB] =	sst s8  }
0x11: {  	[smem:$0x3FAC] =	sst s9;
	s0 =	simm.s32 @!p0 $0x0  }
0x12: {  	s1 =	sld [smem:$0x3F92];
	s0 =	simm.s32 @p0 $0x1  }
0x13: {  	[smem:$0x3FAD] =	sst s0;
	s0 =	simm.s32 @!p1 $0x0  }
0x14: {  	s2 =	sld [smem:$0x3F91];
	s0 =	simm.s32 @p1 $0x1  }
0x15: {  	[smem:$0x3FAE] =	sst s0;
	s0 =	simm.s32 @!p2 $0x0  }
0x16: {  	s3 =	sld [smem:$0x3FDB];
	s0 =	simm.s32 @p2 $0x1  }
0x17: {  	s4 =	simm.s32 $0x1BF5;
	[smem:$0x3FB0] =	sst s0  }
0x18: {  	s0 =	sld [smem:$0x3F93];
	_ =	swait.ge [sflag:s4], $0x0  }
0x19: {  	s7 =	sld [smem:$0x3F94]  }
0x1a: {  	s8 =	sadd.s32 $0xFFFFE003, lr  }
0x1b: {  	s9 =	sadd.s32 $0xFFFFFEF7, lr;
	s5 =	simm.s32 $0xFFFFFFFF;
	p2 =	slt.u32 s8, $0xFFFFF086  }
0x1c: {  	p1 =	slt.u32 s9, $0xF7A;
	s5 =	simm.s32 @!p2 $0x0  }
0x1d: {  	s5 =	simm.s32 @p1 $0x1;
	p0 =	seq.s32 s7, s2  }
0x1e: {  	s7 =	smul.u32 @!p0 $0xF7A, s2;
	p2 =	seq.s32 @!p0 s5, $0x0  }
0x1f: {  	s9 =	smul.u32 $0xF7A, s1;
	s8 =	simm.s32 @!p0 $0x1BF5;
	p2 =	por !p2, p0  }
0x20: {  	[sflag:s8] =	ssyncset.s32 @!p0 $0xFFFFF086;
	s6 =	sadd.s32 @!p0 s3, s7;
	s7 =	simm.s32 @!p0 $0x108  }
0x21: {  	s3 =	sadd.s32 s3, s9;
	s6 =	sadd.s32 @!p0 $0x88, s6;
	s7 =	simm.s32 @p2 $0x1082  }
0x22: {  	[simem:s7], [sflag:s8] =	dma.local @!p0 [hbm:s6], $0xF7A  }
0x23: {  	s9 =	sor.u32 $0xD0000000, s2;
	s6 =	simm.s32 $0x108;
	_ =	swait.ge @!p0 [sflag:s8], $0x0  }
0x24: {  	s3 =	sadd.s32 $0x88, s3;
	s6 =	simm.s32 @!p1 $0x1082;
	[sflag:s4] =	ssyncset.s32 $0xFFFFF086  }
0x25: {  	[simem:s6], [sflag:s4] =	dma.local [hbm:s3], $0xF7A  }
0x26: {  	[smem:$0x3F94] =	sst s1;
	(tag) =	ssettag s2;
	_ =	strace s9  }
0x27: {  	s1 =	sld [smem:$0x3FA4]  }
0x28: {  	s2 =	sld [smem:$0x3FA5]  }
0x29: {  	s4 =	sld [smem:$0x3FA7]  }
0x2a: {  	p0 =	seq.s32 s5, $0x0;
	s5 =	sld [smem:$0x3FA8]  }
0x2b: {  	s6 =	sld [smem:$0x3FA9]  }
0x2c: {  	s7 =	sld [smem:$0x3FAA]  }
0x2d: {  	s3 =	simm.s32 $0x108;
	s8 =	sld [smem:$0x3FAB]  }
0x2e: {  	s3 =	simm.s32 @!p0 $0x1082;
	s9 =	sld [smem:$0x3FAC]  }
0x2f: {  	lr =	sadd.s32 s0, s3;
	s0 =	sld [smem:$0x3FA3]  }
0x30: {  	s3 =	sld [smem:$0x3FA6]  }
0x31: {  	[smem:$0x3FAF] =	sst s10  }
0x32: {  	s10 =	sld [smem:$0x3FAD];
	_ =	sdelay $0x3  }
0x33: {  	p0 =	seq.s32 s10, $0x1;
	s10 =	sld [smem:$0x3FAF];
	_ =	sdelay $0x3  }
0x34: {  	[smem:$0x3FAF] =	sst s10  }
0x35: {  	s10 =	sld [smem:$0x3FAE];
	_ =	sdelay $0x3  }
0x36: {  	p1 =	seq.s32 s10, $0x1;
	s10 =	sld [smem:$0x3FAF];
	_ =	sdelay $0x3  }
0x37: {  	[smem:$0x3FAF] =	sst s10  }
0x38: {  	s10 =	sld [smem:$0x3FB0]  }
0x39: {  	_ = 	snop;
	(pc) =	sbr.ind lr, $3  }
0x3a: {  	_ = 	snop  }
0x3b: {  	_ = 	snop  }
0x3c: {  	p2 =	seq.s32 s10, $0x1;
	s10 =	sld [smem:$0x3FAF]  }
0x3d: {  	_ =	shalt  }
0x3e: {  	_ =	shalt  }
0x3f: {  	_ =	shalt  }
0x40: {  	_ =	shalt  }
0x41: {  	_ =	shalt  }
0x42: {  	_ =	shalt  }
0x43: {  	_ =	shalt  }
0x44: {  	_ =	shalt  }
0x45: {  	_ =	shalt  }
0x46: {  	_ =	shalt  }
0x47: {  	_ =	shalt  }
0x48: {  	_ =	shalt  }
0x49: {  	_ =	shalt  }
0x4a: {  	_ =	shalt  }
0x4b: {  	_ =	shalt  }
0x4c: {  	_ =	shalt  }
0x4d: {  	_ =	shalt  }
0x4e: {  	_ =	shalt  }
0x4f: {  	_ =	shalt  }
0x50: {  	_ =	shalt  }
0x51: {  	_ =	shalt  }
0x52: {  	_ =	shalt  }
0x53: {  	_ =	shalt  }
0x54: {  	_ =	shalt  }
0x55: {  	_ =	shalt  }
0x56: {  	_ =	shalt  }
0x57: {  	_ =	shalt  }
0x58: {  	_ =	shalt  }
0x59: {  	_ =	shalt  }
0x5a: {  	_ =	shalt  }
0x5b: {  	_ =	shalt  }
0x5c: {  	_ =	shalt  }
0x5d: {  	_ =	shalt  }
0x5e: {  	_ =	shalt  }
0x5f: {  	_ =	shalt  }
0x60: {  	_ =	shalt  }
0x61: {  	_ =	shalt  }
0x62: {  	_ =	shalt  }
0x63: {  	_ =	shalt  }
0x64: {  	_ =	shalt  }
0x65: {  	_ =	shalt  }
0x66: {  	_ =	shalt  }
0x67: {  	_ =	shalt  }
0x68: {  	_ =	shalt  }
0x69: {  	_ =	shalt  }
0x6a: {  	_ =	shalt  }
0x6b: {  	_ =	shalt  }
0x6c: {  	_ =	shalt  }
0x6d: {  	_ =	shalt  }
0x6e: {  	_ =	shalt  }
0x6f: {  	_ =	shalt  }
0x70: {  	_ =	shalt  }
0x71: {  	_ =	shalt  }
0x72: {  	_ =	shalt  }
0x73: {  	_ =	shalt  }
0x74: {  	_ =	shalt  }
0x75: {  	_ =	shalt  }
0x76: {  	_ =	shalt  }
0x77: {  	_ =	shalt  }
0x78: {  	_ =	shalt  }
0x79: {  	_ =	shalt  }
0x7a: {  	_ =	shalt  }
0x7b: {  	_ =	shalt  }
0x7c: {  	_ =	shalt  }
0x7d: {  	_ =	shalt  }
0x7e: {  	_ =	shalt  }
0x7f: {  	_ =	shalt  }
0x80: {  	_ =	shalt  }
0x81: {  	_ =	shalt  }
0x82: {  	_ =	shalt  }
0x83: {  	_ =	shalt  }
0x84: {  	_ =	shalt  }
0x85: {  	_ =	shalt  }
0x86: {  	_ =	shalt  }
0x87: {  	_ =	shalt  }
.Lfunc_end0:
.L_simem_size_0:
called_computation.1_lowered:
.L_overlay_start_0:
0x88: {  	s2 =	sld [smem:$0x3FD9]  }
0x89: {  	s3 =	sld [smem:$0x3FFE];
	_ =	sdelay $0x1  }
0x8a: {  	s1 =	srdreg.scid  }
0x8b: {  	s0 =	sand.u32 $0x1, s1  }
0x8c: {  	s16 =	sshll.u32 s0, $0xA;
	s2 =	sadd.s32 s3, s2  }
0x8d: {  	s2 =	sadd.s32 s2, s16  }
0x8e: {  	[smem:$0x3FBB] =	sst s2  }
0x8f: {  	_ = 	snop  }
0x90: {  	(tm) =	ssettm $0x1  }
0x91: {  	s17 =	sld [smem:$0x3FFB];
	_ =	sdelay $0x3  }
0x92: {  	_ =	strace s17  }
0x93: {  	s2 =	sld [smem:$0x3FFC];
	_ =	sdelay $0x3  }
0x94: {  	_ =	strace s2  }
0x95: {  	s2 =	sld [smem:$0x3FFD];
	_ =	sdelay $0x3  }
0x96: {  	_ =	strace s2  }
0x97: {  	_ =	strace $0x8FFFFFFF  }
0x98: {  	s18 =	sld [smem:$0x3FDB];
	_ =	sdelay $0x1  }
0x99: {  	s19 =	simm.s32 $_scs_section_size  }
0x9a: {  	s4 =	simm.s32 $_size__tile_overlayer_lowered;
	s5 =	simm.s32 $_tile_overlayer_lowered  }
0x9b: {  	s22 =	simm.s32 $0x1BFF;
	s21 =	sshll.u32 s5, $0x1;
	s2 =	sadd.s32 s19, s18  }
0x9c: {  	s6 =	simm.s32 $0x0;
	s20 =	sshll.u32 s4, $0x1;
	s4 =	sadd.s32 s21, s2  }
0x9d: {  	[timem:s6], [sflag:s22] =	dma.local [hbm:s4], s20  }
0x9e: {  	_ =	swait.ge [sflag:s22], s20  }
0x9f: {  	s3 =	ssub.s32 $0x0, s20;
	[sflag:s22] =	ssyncset.done $0x0  }
0xa0: {  	[sflag:s22] =	ssyncadd.s32 s3;
	_ =	sdelay $0x1  }
0xa1: {  	s23 =	simm.s32 $0x1B8B  }
0xa2: {  	_ =	swait.ge [sflag:s23], $0x1  }
0xa3: {  	[sflag:s23] =	ssyncset.done $0x0  }
0xa4: {  	s25 =	simm.s32 $0x1B8E;
	s24 =	sld [smem:$0x3FFE];
	[sflag:s23] =	ssyncadd.s32 $0xFFFFFFFF  }
0xa5: {  	s26 =	simm.s32 $execute0_lowered;
	[smem:$0x3FD2] =	sst s25  }
0xa6: {  	s4 =	sshll.u32 s26, $0x1;
	_ =	strace $0x80000049;
	[dreg:$0x1] =	wrdreg $0xFFFFFFFF  }
0xa7: {  	s28 =	simm.s32 $_size_execute0_lowered;
	s2 =	sadd.s32 s2, s4;
	[dreg:$0x0] =	wrdreg $0x0  }
0xa8: {  	s4 =	sshll.u32 s28, $0x1;
	[dreg:$0x2] =	wrdreg s2  }
0xa9: {  	[dreg:$0x3] =	wrdreg s4  }
0xaa: {  	[dreg:$0x4] =	wrdreg $0xC0  }
0xab: {  	_ =	task [dreg:s6], $0x5FFFF  }
0xac: {  	[dreg:$0x1] =	wrdreg $0xFFFFFFFF  }
0xad: {  	[dreg:$0x0] =	wrdreg $0x60  }
0xae: {  	[dreg:$0x2] =	wrdreg s24  }
0xaf: {  	[dreg:$0x3] =	wrdreg $0x78000  }
0xb0: {  	[dreg:$0x4] =	wrdreg $0x9  }
0xb1: {  	_ =	task.clear_ibuf [dreg:s6], $0x5FFFF;
	_ =	strace $0x90000049  }
0xb2: {  	s29 =	simm.s32 $0x9;
	_ =	strace $0x8000004B  }
0xb3: {  	_ =	swait.ge [sflag:s29], $0x1  }
0xb4: {  	[sflag:s29] =	ssyncadd.s32 $0xFFFFFFFF  }
0xb5: {  	_ =	strace $0x9000004B  }
0xb6: {  	_ =	sfence  }
0xb7: {  	s30 =	sld [smem:$0x0];
	_ =	sdelay $0x2  }
0xb8: {  	s31 =	sshll.u32 s1, $0xD;
	s1 =	sshrl.u32 s1, $0x2  }
0xb9: {  	s3 =	sand.u32 $0x4000, s31;
	s1 =	sadd.s32 s1, s30  }
0xba: {  	s0 =	sor.u32 s3, s0;
	s1 =	sshll.u32 s1, $0x11  }
0xbb: {  	s0 =	sor.u32 s1, s0  }
0xbc: {  	s0 =	sadd.s32 $0x8F2B, s0  }
0xbd: {  	[sflag:s0] =	ssyncadd.remote.s32 $0x1  }
0xbe: {  	_ =	sfence.sel $0xFFFF  }
0xbf: {  	[dreg:$0x0] =	wrdreg $0xFFFFFFFF;
	(pc) =	sbr.abs _section_cstart, $3  }
0xc0: {  	[dreg:$0x1] =	wrdreg $0xFFFFFFFF  }
0xc1: {  	_ =	task.clear_ibuf [dreg:s6], $0x2FFFF;
	_ =	strace $0x9FFFFFFF  }
0xc2: {  	(tm) =	ssettm $0x7FFFFFFF  }
0xc3: {  	_ =	shalt  }
tec
execute0_lowered:
.L_overlay_start_1:
0x0: {  	(tag) =	ssettag $0x1  }
0x1: {  	s0 =	srdreg.scid;
	s3 =	rddreg [dreg:$0x0]  }
0x2: {  	s7 =	stileid.u32;
	s2 =	rddreg [dreg:$0x1];
	s4 =	simm.s32 $0x0  }
0x3: {  	s19 =	simm.s32 $0x7000;
	s20 =	simm.s32 $0x9;
	s22 =	simm.s32 $0x100  }
0x4: {  	s28 =	simm.s32 $0xE800;
	s30 =	simm.s32 $0x10800;
	s31 =	simm.s32 $0x1  }
0x5: {  	s21 =	simm.s32 $0x4;
	s29 =	simm.s32 $0x6;
	s0 =	sand.u32 $0x1, s0  }
0x6: {  	[smem:$0x7FF] =	sst s4;
	s6 =	smul.u32 $0xA000, s7;
	s4 =	sadd.s32 $0xC800, s3  }
0x7: {  	s1 =	sshll.u32 s0, $0x4;
	s5 =	smul.u32 $0xA0000, s0;
	_ =	strace $0x8000004A  }
0x8: {  	s0 =	ssub.s32 $0x2, s0;
	s1 =	sor.u32 s7, s1;
	s7 =	smul.u32 $0x14000, s7  }
0x9: {  	s8 =	sshrl.u32 s0, $0x1;
	s24 =	sshrl.u32 s6, $0x1;
	s1 =	smul.u32 $0x500, s1  }
0xa: {  	s5 =	sadd.s32 s6, s5;
	s0 =	ssub.s32 s0, s8;
	s6 =	simm.s32 $0x8  }
0xb: {  	s5 =	sshrl.u32 s5, $0x4;
	s7 =	sshrl.u32 s7, $0x2;
	s0 =	smax.u32 s0, $0x1  }
0xc: {  	s1 =	sadd.s32 s1, s3;
	s3 =	sadd.s32 s5, s3;
	s5 =	sadd.s32 s7, s2  }
0xd: {  	[dreg:$0x6] =	wrdreg s0;
	s0 =	simm.s32 $0x3;
	s7 =	simm.s32 $0x0  }
0xe: {  	s23 =	sadd.s32 $0x2800, s1;
	s1 =	sadd.s32 $0x16800, s1;
	s3 =	sadd.s32 $0x20800, s3  }
0xf: {  	s25 =	sadd.s32 $0x800, s5;
	s26 =	sadd.s32 $0x1000, s5;
	[dreg:$0x3] =	wrdreg s23  }
0x10: {  	s12 =	sadd.s32 $0x1800, s5;
	s13 =	sadd.s32 $0x2000, s5;
	[dreg:$0x4] =	wrdreg s1  }
0x11: {  	s14 =	sadd.s32 $0x2800, s5;
	s15 =	sadd.s32 $0x3000, s5;
	[dreg:$0x5] =	wrdreg s3  }
0x12: {  	s16 =	sadd.s32 $0x3800, s5;
	s17 =	sadd.s32 $0x4000, s5;
	[dreg:$0x7] =	wrdreg s25  }
0x13: {  	s18 =	sadd.s32 $0x4800, s5;
	s1 =	sadd.s32 s24, s2;
	[dreg:$0x8] =	wrdreg s26  }
0x14: {  	s23 =	simm.s32 $0x5000;
	s24 =	simm.s32 $0xC800;
	s26 =	simm.s32 $0x5  }
0x15: {  	v0 =	vimm.bf16 $0.0e+00;
	s3 =	simm.s32 $0x7;
	s25 =	sshrl.u32 s1, $0x3;
	s1 =	simm.s32 $0x2  }
.LBB2_1:
0x16: {  	s9 =	simm.s32 $0x0  }
0x17: {  	s8 =	sand.u32 $0x1F80, s9;
	s9 =	sand.u32 $0x20, s9  }
0x18: {  	s8 =	sshrl.u32 s8, $0x2;
	s9 =	sshrl.u32 s9, $0x1  }
0x19: {  	s9 =	sor.u32 s9, s8  }
0x1a: {  	s8 =	simm.s32 $0x40;
	[tilespmem:s9+$0x7000] =	vst v0;
	s9 =	simm.s32 $0x0  }
.LBB2_2:
0x1b: {  	p0 =	sne.s32 s8, $0x1FC0  }
.Ltmp0:
0x1c: {  	s10 =	sand.u32 $0x1F80, s8;
	s9 =	sadd.s32 $0x20, s9;
	(pc) =	sbr.rel @p0 .LBB2_2-.Ltmp0, $4  }
0x1d: {  	s8 =	sadd.s32 $0x40, s8;
	s11 =	sand.u32 $0x20, s9  }
0x1e: {  	s10 =	sshrl.u32 s10, $0x2;
	s11 =	sshrl.u32 s11, $0x1  }
0x1f: {  	s10 =	sor.u32 s11, s10  }
0x20: {  	[tilespmem:s10+$0x7000] =	vst v0  }
0x21: {  	[spmem:s5] =	stream.linear.scatter [tilespmem:s19], [sflag:$0x9], $0x800, $0x38;
	[tilespmem:$0x12800] =	vst v63  }
0x22: {  	_ =	swait.ge [sflag:s20], $0x800  }
0x23: {  	[sflag:s20] =	ssyncset.done $0x0  }
0x24: {  	s8 =	rddreg [dreg:$0x7];
	[sflag:s20] =	ssyncadd.s32 $0xFFFFF800  }
0x25: {  	[spmem:s8] =	stream.linear.scatter [tilespmem:s19], [sflag:$0x9], $0x800, $0x38;
	[tilespmem:$0x12800] =	vst v63  }
0x26: {  	_ =	swait.ge [sflag:s20], $0x800  }
0x27: {  	[sflag:s20] =	ssyncset.done $0x0  }
0x28: {  	s10 =	rddreg [dreg:$0x8];
	[sflag:s20] =	ssyncadd.s32 $0xFFFFF800  }
0x29: {  	[spmem:s10] =	stream.linear.scatter [tilespmem:s19], [sflag:$0x9], $0x800, $0x38;
	[tilespmem:$0x12800] =	vst v63  }
0x2a: {  	_ =	swait.ge [sflag:s20], $0x800  }
0x2b: {  	[sflag:s20] =	ssyncset.done $0x0  }
0x2c: {  	[sflag:s20] =	ssyncadd.s32 $0xFFFFF800  }
0x2d: {  	[spmem:s12] =	stream.linear.scatter [tilespmem:s19], [sflag:$0x9], $0x800, $0x38;
	[tilespmem:$0x12800] =	vst v63  }
0x2e: {  	_ =	swait.ge [sflag:s20], $0x800  }
0x2f: {  	[sflag:s20] =	ssyncset.done $0x0  }
0x30: {  	[sflag:s20] =	ssyncadd.s32 $0xFFFFF800  }
0x31: {  	[spmem:s13] =	stream.linear.scatter [tilespmem:s19], [sflag:$0x9], $0x800, $0x38;
	[tilespmem:$0x12800] =	vst v63  }
0x32: {  	_ =	swait.ge [sflag:s20], $0x800  }
0x33: {  	[sflag:s20] =	ssyncset.done $0x0  }
0x34: {  	[sflag:s20] =	ssyncadd.s32 $0xFFFFF800  }
0x35: {  	[spmem:s14] =	stream.linear.scatter [tilespmem:s19], [sflag:$0x9], $0x800, $0x38;
	[tilespmem:$0x12800] =	vst v63  }
0x36: {  	_ =	swait.ge [sflag:s20], $0x800  }
0x37: {  	[sflag:s20] =	ssyncset.done $0x0  }
0x38: {  	[sflag:s20] =	ssyncadd.s32 $0xFFFFF800  }
0x39: {  	[spmem:s15] =	stream.linear.scatter [tilespmem:s19], [sflag:$0x9], $0x800, $0x38;
	[tilespmem:$0x12800] =	vst v63  }
0x3a: {  	_ =	swait.ge [sflag:s20], $0x800  }
0x3b: {  	[sflag:s20] =	ssyncset.done $0x0  }
0x3c: {  	[sflag:s20] =	ssyncadd.s32 $0xFFFFF800  }
0x3d: {  	[spmem:s16] =	stream.linear.scatter [tilespmem:s19], [sflag:$0x9], $0x800, $0x38;
	[tilespmem:$0x12800] =	vst v63  }
0x3e: {  	_ =	swait.ge [sflag:s20], $0x800  }
0x3f: {  	[sflag:s20] =	ssyncset.done $0x0  }
0x40: {  	[sflag:s20] =	ssyncadd.s32 $0xFFFFF800  }
0x41: {  	[spmem:s17] =	stream.linear.scatter [tilespmem:s19], [sflag:$0x9], $0x800, $0x38;
	[tilespmem:$0x12800] =	vst v63  }
0x42: {  	_ =	swait.ge [sflag:s20], $0x800  }
0x43: {  	[sflag:s20] =	ssyncset.done $0x0  }
0x44: {  	[sflag:s20] =	ssyncadd.s32 $0xFFFFF800  }
0x45: {  	[spmem:s18] =	stream.linear.scatter [tilespmem:s19], [sflag:$0x9], $0x800, $0x38;
	[tilespmem:$0x12800] =	vst v63  }
0x46: {  	_ =	swait.ge [sflag:s20], $0x800  }
0x47: {  	s8 =	simm.s32 $0x0;
	[sflag:s20] =	ssyncset.done $0x0  }
0x48: {  	s10 =	simm.s32 $0x2800;
	s9 =	rddreg [dreg:$0x3];
	[sflag:s20] =	ssyncadd.s32 $0xFFFFF800  }
0x49: {  	[tilespmem:s10], [sflag:$0x9] =	stream.linear.gather [hbm4b:s9+s8], $0x2800, $0x38;
	[tilespmem:$0x12800] =	vst v63  }
0x4a: {  	_ =	swait.ge [sflag:s20], $0x2800  }
0x4b: {  	[sflag:s20] =	ssyncset.done $0x0  }
0x4c: {  	s11 =	rddreg [dreg:$0x4];
	[sflag:s20] =	ssyncadd.s32 $0xFFFFD800  }
0x4d: {  	[tilespmem:s8], [sflag:$0x9] =	stream.linear.gather [hbm4b:s11+s8], $0x2800, $0x38;
	[tilespmem:$0x12800] =	vst v63  }
0x4e: {  	_ =	swait.ge [sflag:s20], $0x2800  }
0x4f: {  	[sflag:s20] =	ssyncset.done $0x0  }
0x50: {  	[sflag:s20] =	ssyncadd.s32 $0xFFFFD800  }
0x51: {  	[bflag:$0x0] =	sbarrier.arrive $0xFFFF  }
0x52: {  	[tilespmem:s23], [sflag:$0x1] =	stream.indirect.gather [hbm4b:s4+s22], $0x20, s8, s22, $0xb8;
	[tilespmem:$0x12800] =	vst v63  }
0x53: {  	_ = 	snop  }
0x54: {  	[tilespmem:s24], [sflag:$0x2] =	stream.indirect.gather [hbm4b:s4+s22], $0x20, s22, s22, $0xb8;
	[tilespmem:$0x12800] =	vst v63  }
0x55: {  	s9 =	simm.s32 $0x200  }
0x56: {  	[tilespmem:s28], [sflag:$0x3] =	stream.indirect.gather [hbm4b:s4+s22], $0x20, s9, s22, $0xb8;
	[tilespmem:$0x12800] =	vst v63  }
0x57: {  	s10 =	simm.s32 $0x300  }
0x58: {  	[tilespmem:s30], [sflag:$0x4] =	stream.indirect.gather [hbm4b:s4+s22], $0x20, s10, s22, $0xb8;
	[tilespmem:$0x12800] =	vst v63  }
0x59: {  	_ =	swait.ge [sflag:s31], $0x2000  }
0x5a: {  	[sflag:s31] =	ssyncset.done $0x0  }
0x5b: {  	s11 =	simm.s32 $0x2800;
	[sflag:s31] =	ssyncadd.s32 $0xFFFFE000  }
0x5c: {  	[spmem:s2] =	stream.indirect.scatter.add.bf16 [tilespmem:s23], [sflag:$0x5], $0x20, s11, s22, $0xb8;
	[tilespmem:$0x12800] =	vst v63  }
0x5d: {  	_ =	swait.ge [sflag:s1], $0x2000  }
0x5e: {  	[sflag:s1] =	ssyncset.done $0x0  }
0x5f: {  	s9 =	simm.s32 $0x2900;
	[sflag:s1] =	ssyncadd.s32 $0xFFFFE000  }
0x60: {  	[spmem:s2] =	stream.indirect.scatter.add.bf16 [tilespmem:s24], [sflag:$0x6], $0x20, s9, s22, $0xb8;
	[tilespmem:$0x12800] =	vst v63  }
0x61: {  	_ =	swait.ge [sflag:s0], $0x2000  }
0x62: {  	[sflag:s0] =	ssyncset.done $0x0  }
0x63: {  	s10 =	simm.s32 $0x2A00;
	[sflag:s0] =	ssyncadd.s32 $0xFFFFE000  }
0x64: {  	[spmem:s2] =	stream.indirect.scatter.add.bf16 [tilespmem:s28], [sflag:$0x7], $0x20, s10, s22, $0xb8;
	[tilespmem:$0x12800] =	vst v63  }
0x65: {  	_ =	swait.ge [sflag:s21], $0x2000  }
0x66: {  	[sflag:s21] =	ssyncset.done $0x0  }
0x67: {  	s11 =	simm.s32 $0x2B00;
	[sflag:s21] =	ssyncadd.s32 $0xFFFFE000  }
0x68: {  	[spmem:s2] =	stream.indirect.scatter.add.bf16 [tilespmem:s30], [sflag:$0x8], $0x20, s11, s22, $0xb8;
	[tilespmem:$0x12800] =	vst v63  }
0x69: {  	_ =	swait.ge [sflag:s26], $0x2000  }
0x6a: {  	[sflag:s26] =	ssyncset.done $0x0  }
0x6b: {  	s9 =	simm.s32 $0x400;
	[sflag:s26] =	ssyncadd.s32 $0xFFFFE000  }
0x6c: {  	[tilespmem:s23], [sflag:$0x1] =	stream.indirect.gather [hbm4b:s4+s22], $0x20, s9, s22, $0xb8;
	[tilespmem:$0x12800] =	vst v63  }
0x6d: {  	_ =	swait.ge [sflag:s29], $0x2000  }
0x6e: {  	[sflag:s29] =	ssyncset.done $0x0  }
0x6f: {  	s10 =	simm.s32 $0x500;
	[sflag:s29] =	ssyncadd.s32 $0xFFFFE000  }
0x70: {  	[tilespmem:s24], [sflag:$0x2] =	stream.indirect.gather [hbm4b:s4+s22], $0x20, s10, s22, $0xb8;
	[tilespmem:$0x12800] =	vst v63  }
0x71: {  	_ =	swait.ge [sflag:s3], $0x2000  }
0x72: {  	[sflag:s3] =	ssyncset.done $0x0  }
0x73: {  	s11 =	simm.s32 $0x600;
	[sflag:s3] =	ssyncadd.s32 $0xFFFFE000  }
0x74: {  	[tilespmem:s28], [sflag:$0x3] =	stream.indirect.gather [hbm4b:s4+s22], $0x20, s11, s22, $0xb8;
	[tilespmem:$0x12800] =	vst v63  }
0x75: {  	_ =	swait.ge [sflag:s6], $0x2000  }
0x76: {  	[sflag:s6] =	ssyncset.done $0x0  }
0x77: {  	s8 =	simm.s32 $0x1000;
	s9 =	simm.s32 $0x700;
	[sflag:s6] =	ssyncadd.s32 $0xFFFFE000  }
.LBB2_4:
0x78: {  	[tilespmem:s30], [sflag:$0x4] =	stream.indirect.gather [hbm4b:s4+s22], $0x20, s9, s22, $0xb8;
	[tilespmem:$0x12800] =	vst v63  }
0x79: {  	s9 =	smov.u32 s8  }
0x7a: {  	p0 =	sne.s32 s8, $0x8000;
	s8 =	sadd.s32 $0x1000, s8;
	_ =	swait.ge [sflag:s31], $0x2000  }
0x7b: {  	s9 =	sshra.s32 s9, $0x2;
	[sflag:s31] =	ssyncset.done $0x0  }
0x7c: {  	s10 =	sadd.s32 $0x2800, s9;
	[sflag:s31] =	ssyncadd.s32 $0xFFFFE000  }
0x7d: {  	[spmem:s2] =	stream.indirect.scatter.add.bf16 [tilespmem:s23], [sflag:$0x5], $0x20, s10, s22, $0xb8;
	[tilespmem:$0x12800] =	vst v63  }
0x7e: {  	_ =	swait.ge [sflag:s1], $0x2000  }
0x7f: {  	[sflag:s1] =	ssyncset.done $0x0  }
0x80: {  	s10 =	sadd.s32 $0x2900, s9;
	[sflag:s1] =	ssyncadd.s32 $0xFFFFE000  }
0x81: {  	[spmem:s2] =	stream.indirect.scatter.add.bf16 [tilespmem:s24], [sflag:$0x6], $0x20, s10, s22, $0xb8;
	[tilespmem:$0x12800] =	vst v63  }
0x82: {  	_ =	swait.ge [sflag:s0], $0x2000  }
0x83: {  	[sflag:s0] =	ssyncset.done $0x0  }
0x84: {  	s10 =	sadd.s32 $0x2A00, s9;
	[sflag:s0] =	ssyncadd.s32 $0xFFFFE000  }
0x85: {  	[spmem:s2] =	stream.indirect.scatter.add.bf16 [tilespmem:s28], [sflag:$0x7], $0x20, s10, s22, $0xb8;
	[tilespmem:$0x12800] =	vst v63  }
0x86: {  	_ =	swait.ge [sflag:s21], $0x2000  }
0x87: {  	[sflag:s21] =	ssyncset.done $0x0  }
0x88: {  	s10 =	sadd.s32 $0x2B00, s9;
	[sflag:s21] =	ssyncadd.s32 $0xFFFFE000  }
0x89: {  	[spmem:s2] =	stream.indirect.scatter.add.bf16 [tilespmem:s30], [sflag:$0x8], $0x20, s10, s22, $0xb8;
	[tilespmem:$0x12800] =	vst v63  }
0x8a: {  	_ =	swait.ge [sflag:s26], $0x2000  }
0x8b: {  	[sflag:s26] =	ssyncset.done $0x0  }
0x8c: {  	s10 =	sadd.s32 $0x400, s9;
	[sflag:s26] =	ssyncadd.s32 $0xFFFFE000  }
0x8d: {  	[tilespmem:s23], [sflag:$0x1] =	stream.indirect.gather [hbm4b:s4+s22], $0x20, s10, s22, $0xb8;
	[tilespmem:$0x12800] =	vst v63  }
0x8e: {  	_ =	swait.ge [sflag:s29], $0x2000  }
0x8f: {  	[sflag:s29] =	ssyncset.done $0x0  }
0x90: {  	s10 =	sadd.s32 $0x500, s9;
	[sflag:s29] =	ssyncadd.s32 $0xFFFFE000  }
0x91: {  	[tilespmem:s24], [sflag:$0x2] =	stream.indirect.gather [hbm4b:s4+s22], $0x20, s10, s22, $0xb8;
	[tilespmem:$0x12800] =	vst v63  }
0x92: {  	_ =	swait.ge [sflag:s3], $0x2000  }
0x93: {  	[sflag:s3] =	ssyncset.done $0x0  }
.Ltmp1:
0x94: {  	s10 =	sadd.s32 $0x600, s9;
	[sflag:s3] =	ssyncadd.s32 $0xFFFFE000;
	(pc) =	sbr.rel @p0 .LBB2_4-.Ltmp1, $4  }
0x95: {  	[tilespmem:s28], [sflag:$0x3] =	stream.indirect.gather [hbm4b:s4+s22], $0x20, s10, s22, $0xb8;
	[tilespmem:$0x12800] =	vst v63  }
0x96: {  	_ =	swait.ge [sflag:s6], $0x2000  }
0x97: {  	[sflag:s6] =	ssyncset.done $0x0  }
0x98: {  	s9 =	sadd.s32 $0x700, s9;
	[sflag:s6] =	ssyncadd.s32 $0xFFFFE000  }
0x99: {  	[tilespmem:s30], [sflag:$0x4] =	stream.indirect.gather [hbm4b:s4+s22], $0x20, s9, s22, $0xb8;
	[tilespmem:$0x12800] =	vst v63  }
0x9a: {  	_ =	swait.ge [sflag:s31], $0x2000  }
0x9b: {  	[sflag:s31] =	ssyncset.done $0x0  }
0x9c: {  	s8 =	simm.s32 $0x4C00;
	[sflag:s31] =	ssyncadd.s32 $0xFFFFE000  }
0x9d: {  	[spmem:s2] =	stream.indirect.scatter.add.bf16 [tilespmem:s23], [sflag:$0x5], $0x20, s8, s22, $0xb8;
	[tilespmem:$0x12800] =	vst v63  }
0x9e: {  	_ =	swait.ge [sflag:s1], $0x2000  }
0x9f: {  	[sflag:s1] =	ssyncset.done $0x0  }
0xa0: {  	s9 =	simm.s32 $0x4D00;
	[sflag:s1] =	ssyncadd.s32 $0xFFFFE000  }
0xa1: {  	[spmem:s2] =	stream.indirect.scatter.add.bf16 [tilespmem:s24], [sflag:$0x6], $0x20, s9, s22, $0xb8;
	[tilespmem:$0x12800] =	vst v63  }
0xa2: {  	_ =	swait.ge [sflag:s0], $0x2000  }
0xa3: {  	[sflag:s0] =	ssyncset.done $0x0  }
0xa4: {  	s10 =	simm.s32 $0x4E00;
	[sflag:s0] =	ssyncadd.s32 $0xFFFFE000  }
0xa5: {  	[spmem:s2] =	stream.indirect.scatter.add.bf16 [tilespmem:s28], [sflag:$0x7], $0x20, s10, s22, $0xb8;
	[tilespmem:$0x12800] =	vst v63  }
0xa6: {  	_ =	swait.ge [sflag:s21], $0x2000  }
0xa7: {  	[sflag:s21] =	ssyncset.done $0x0  }
0xa8: {  	s11 =	simm.s32 $0x4F00;
	[sflag:s21] =	ssyncadd.s32 $0xFFFFE000  }
0xa9: {  	[spmem:s2] =	stream.indirect.scatter.add.bf16 [tilespmem:s30], [sflag:$0x8], $0x20, s11, s22, $0xb8;
	[tilespmem:$0x12800] =	vst v63  }
0xaa: {  	_ =	swait.ge [sflag:s26], $0x2000  }
0xab: {  	[sflag:s26] =	ssyncset.done $0x0  }
0xac: {  	[sflag:s26] =	ssyncadd.s32 $0xFFFFE000  }
0xad: {  	_ =	swait.ge [sflag:s29], $0x2000  }
0xae: {  	[sflag:s29] =	ssyncset.done $0x0  }
0xaf: {  	[sflag:s29] =	ssyncadd.s32 $0xFFFFE000  }
0xb0: {  	_ =	swait.ge [sflag:s3], $0x2000  }
0xb1: {  	[sflag:s3] =	ssyncset.done $0x0  }
0xb2: {  	[sflag:s3] =	ssyncadd.s32 $0xFFFFE000  }
0xb3: {  	_ =	swait.ge [sflag:s6], $0x2000  }
0xb4: {  	[sflag:s6] =	ssyncset.done $0x0  }
0xb5: {  	s9 =	stileid.u32;
	[sflag:s6] =	ssyncadd.s32 $0xFFFFE000  }
0xb6: {  	s8 =	sshll.u32 s9, $0x6;
	[bflag:$0x0] =	sbarrier.arrive $0xFFFF  }
0xb7: {  	s8 =	sor.u32 $0x1C09, s8;
	s10 =	rddreg [dreg:$0x5]  }
0xb8: {  	[hbm:s10], [sflag:s8] =	dma.local [spmem:s25], $0xA00  }
0xb9: {  	_ =	swait.ge [sflag:s20], $0xA00  }
0xba: {  	s7 =	sadd.s32 $0x1, s7;
	s11 =	rddreg [dreg:$0x6]  }
0xbb: {  	p0 =	sne.s32 s7, s11  }
.Ltmp2:
0xbc: {  	_ = 	snop;
	(pc) =	sbr.rel @p0 .LBB2_1-.Ltmp2, $3  }
0xbd: {  	_ =	sdelay $0x1  }
0xbe: {  	[sflag:s20] =	ssyncset.done $0x0  }
0xbf: {  	[sflag:s20] =	ssyncadd.s32 $0xFFFFF600  }
0xc0: {  	_ =	sfence.sel $0x180000  }
0xc1: {  	[bflag:$0x0] =	sbarrier.arrive $0xFFFF  }
0xc2: {  	_ =	strace $0x9000004A  }
0xc3: {  	s0 =	stileid.u32;
	[bflag:$0x2] =	sbarrier.arrive $0xFFFF  }
0xc4: {  	p0 =	sne.s32 s0, $0x0;
	s0 =	rddreg [dreg:$0x2]  }
0xc5: {  	s0 =	sadd.s32 @!p0 $0x100000, s0  }
0xc6: {  	[sflag:s0] =	ssyncadd.tile.s32 @!p0 $0x1;
	_ =	shalt  }
.Lfunc_end2:
_tile_overlayer_lowered:
.L_overlay_start_2:
0xc7: {  	(tag) =	ssettag $0x2  }
0xc8: {  	s0 =	rddreg [dreg:$0x0];
	s2 =	stileid.u32  }
0xc9: {  	s1 =	rddreg [dreg:$0x1];
	p0 =	sne.s32 s2, $0x0  }
0xca: {  	s3 =	rddreg [dreg:$0x2];
	[bflag:$0x3] =	sbarrier.arrive $0xFFFF;
	s2 =	simm.s32 @!p0 $0x1C09  }
0xcb: {  	[timem:s3], [sflag:s2] =	dma.local @!p0 [hbm:s0], s1  }
0xcc: {  	s0 =	simm.s32 @!p0 $0x9  }
0xcd: {  	_ =	swait.ge @!p0 [sflag:s0], s1  }
0xce: {  	s1 =	ssub.s32 @!p0 $0x0, s1;
	[sflag:s0] =	ssyncset.done @!p0 $0x0  }
0xcf: {  	[sflag:s0] =	ssyncadd.s32 @!p0 s1  }
0xd0: {  	[bflag:$0x3] =	sbarrier.arrive $0xFFFF  }
0xd1: {  	_ =	shalt  }

// kernel: kernel.17.cloned.1.call-start
scs
__scs_entry_jumppad:
0x0: {  	(pc) =	sbr.rel $0x88, $3  }
0x1: {  	(tag) =	ssettag $0x0;
	lr =	simm.s32 $0x1  }
0x2: {  	[smem:$0x3F94] =	sst lr;
	_ =	strace $0xD0000000  }
0x3: {  	_ = 	snop  }
0x4: {  	_ = 	snop  }
0x5: {  	_ = 	snop  }
0x6: {  	_ = 	snop  }
0x7: {  	_ = 	snop  }
__scs_overlays_trampoline_lowered:
0x8: {  	[smem:$0x3FA3] =	sst s0  }
0x9: {  	[smem:$0x3FA4] =	sst s1  }
0xa: {  	[smem:$0x3FA5] =	sst s2  }
0xb: {  	[smem:$0x3FA6] =	sst s3  }
0xc: {  	[smem:$0x3FA7] =	sst s4  }
0xd: {  	[smem:$0x3FA8] =	sst s5  }
0xe: {  	[smem:$0x3FA9] =	sst s6  }
0xf: {  	[smem:$0x3FAA] =	sst s7  }
0x10: {  	[smem:$0x3FAB] =	sst s8  }
0x11: {  	[smem:$0x3FAC] =	sst s9;
	s0 =	simm.s32 @!p0 $0x0  }
0x12: {  	s1 =	sld [smem:$0x3F92];
	s0 =	simm.s32 @p0 $0x1  }
0x13: {  	[smem:$0x3FAD] =	sst s0;
	s0 =	simm.s32 @!p1 $0x0  }
0x14: {  	s2 =	sld [smem:$0x3F91];
	s0 =	simm.s32 @p1 $0x1  }
0x15: {  	[smem:$0x3FAE] =	sst s0;
	s0 =	simm.s32 @!p2 $0x0  }
0x16: {  	s3 =	sld [smem:$0x3FDB];
	s0 =	simm.s32 @p2 $0x1  }
0x17: {  	s4 =	simm.s32 $0x1BF5;
	[smem:$0x3FB0] =	sst s0  }
0x18: {  	s0 =	sld [smem:$0x3F93];
	_ =	swait.ge [sflag:s4], $0x0  }
0x19: {  	s7 =	sld [smem:$0x3F94]  }
0x1a: {  	s8 =	sadd.s32 $0xFFFFE003, lr  }
0x1b: {  	s9 =	sadd.s32 $0xFFFFFEF7, lr;
	s5 =	simm.s32 $0xFFFFFFFF;
	p2 =	slt.u32 s8, $0xFFFFF086  }
0x1c: {  	p1 =	slt.u32 s9, $0xF7A;
	s5 =	simm.s32 @!p2 $0x0  }
0x1d: {  	s5 =	simm.s32 @p1 $0x1;
	p0 =	seq.s32 s7, s2  }
0x1e: {  	s7 =	smul.u32 @!p0 $0xF7A, s2;
	p2 =	seq.s32 @!p0 s5, $0x0  }
0x1f: {  	s9 =	smul.u32 $0xF7A, s1;
	s8 =	simm.s32 @!p0 $0x1BF5;
	p2 =	por !p2, p0  }
0x20: {  	[sflag:s8] =	ssyncset.s32 @!p0 $0xFFFFF086;
	s6 =	sadd.s32 @!p0 s3, s7;
	s7 =	simm.s32 @!p0 $0x108  }
0x21: {  	s3 =	sadd.s32 s3, s9;
	s6 =	sadd.s32 @!p0 $0x88, s6;
	s7 =	simm.s32 @p2 $0x1082  }
0x22: {  	[simem:s7], [sflag:s8] =	dma.local @!p0 [hbm:s6], $0xF7A  }
0x23: {  	s9 =	sor.u32 $0xD0000000, s2;
	s6 =	simm.s32 $0x108;
	_ =	swait.ge @!p0 [sflag:s8], $0x0  }
0x24: {  	s3 =	sadd.s32 $0x88, s3;
	s6 =	simm.s32 @!p1 $0x1082;
	[sflag:s4] =	ssyncset.s32 $0xFFFFF086  }
0x25: {  	[simem:s6], [sflag:s4] =	dma.local [hbm:s3], $0xF7A  }
0x26: {  	[smem:$0x3F94] =	sst s1;
	(tag) =	ssettag s2;
	_ =	strace s9  }
0x27: {  	s1 =	sld [smem:$0x3FA4]  }
0x28: {  	s2 =	sld [smem:$0x3FA5]  }
0x29: {  	s4 =	sld [smem:$0x3FA7]  }
0x2a: {  	p0 =	seq.s32 s5, $0x0;
	s5 =	sld [smem:$0x3FA8]  }
0x2b: {  	s6 =	sld [smem:$0x3FA9]  }
0x2c: {  	s7 =	sld [smem:$0x3FAA]  }
0x2d: {  	s3 =	simm.s32 $0x108;
	s8 =	sld [smem:$0x3FAB]  }
0x2e: {  	s3 =	simm.s32 @!p0 $0x1082;
	s9 =	sld [smem:$0x3FAC]  }
0x2f: {  	lr =	sadd.s32 s0, s3;
	s0 =	sld [smem:$0x3FA3]  }
0x30: {  	s3 =	sld [smem:$0x3FA6]  }
0x31: {  	[smem:$0x3FAF] =	sst s10  }
0x32: {  	s10 =	sld [smem:$0x3FAD];
	_ =	sdelay $0x3  }
0x33: {  	p0 =	seq.s32 s10, $0x1;
	s10 =	sld [smem:$0x3FAF];
	_ =	sdelay $0x3  }
0x34: {  	[smem:$0x3FAF] =	sst s10  }
0x35: {  	s10 =	sld [smem:$0x3FAE];
	_ =	sdelay $0x3  }
0x36: {  	p1 =	seq.s32 s10, $0x1;
	s10 =	sld [smem:$0x3FAF];
	_ =	sdelay $0x3  }
0x37: {  	[smem:$0x3FAF] =	sst s10  }
0x38: {  	s10 =	sld [smem:$0x3FB0]  }
0x39: {  	_ = 	snop;
	(pc) =	sbr.ind lr, $3  }
0x3a: {  	_ = 	snop  }
0x3b: {  	_ = 	snop  }
0x3c: {  	p2 =	seq.s32 s10, $0x1;
	s10 =	sld [smem:$0x3FAF]  }
0x3d: {  	_ =	shalt  }
0x3e: {  	_ =	shalt  }
0x3f: {  	_ =	shalt  }
0x40: {  	_ =	shalt  }
0x41: {  	_ =	shalt  }
0x42: {  	_ =	shalt  }
0x43: {  	_ =	shalt  }
0x44: {  	_ =	shalt  }
0x45: {  	_ =	shalt  }
0x46: {  	_ =	shalt  }
0x47: {  	_ =	shalt  }
0x48: {  	_ =	shalt  }
0x49: {  	_ =	shalt  }
0x4a: {  	_ =	shalt  }
0x4b: {  	_ =	shalt  }
0x4c: {  	_ =	shalt  }
0x4d: {  	_ =	shalt  }
0x4e: {  	_ =	shalt  }
0x4f: {  	_ =	shalt  }
0x50: {  	_ =	shalt  }
0x51: {  	_ =	shalt  }
0x52: {  	_ =	shalt  }
0x53: {  	_ =	shalt  }
0x54: {  	_ =	shalt  }
0x55: {  	_ =	shalt  }
0x56: {  	_ =	shalt  }
0x57: {  	_ =	shalt  }
0x58: {  	_ =	shalt  }
0x59: {  	_ =	shalt  }
0x5a: {  	_ =	shalt  }
0x5b: {  	_ =	shalt  }
0x5c: {  	_ =	shalt  }
0x5d: {  	_ =	shalt  }
0x5e: {  	_ =	shalt  }
0x5f: {  	_ =	shalt  }
0x60: {  	_ =	shalt  }
0x61: {  	_ =	shalt  }
0x62: {  	_ =	shalt  }
0x63: {  	_ =	shalt  }
0x64: {  	_ =	shalt  }
0x65: {  	_ =	shalt  }
0x66: {  	_ =	shalt  }
0x67: {  	_ =	shalt  }
0x68: {  	_ =	shalt  }
0x69: {  	_ =	shalt  }
0x6a: {  	_ =	shalt  }
0x6b: {  	_ =	shalt  }
0x6c: {  	_ =	shalt  }
0x6d: {  	_ =	shalt  }
0x6e: {  	_ =	shalt  }
0x6f: {  	_ =	shalt  }
0x70: {  	_ =	shalt  }
0x71: {  	_ =	shalt  }
0x72: {  	_ =	shalt  }
0x73: {  	_ =	shalt  }
0x74: {  	_ =	shalt  }
0x75: {  	_ =	shalt  }
0x76: {  	_ =	shalt  }
0x77: {  	_ =	shalt  }
0x78: {  	_ =	shalt  }
0x79: {  	_ =	shalt  }
0x7a: {  	_ =	shalt  }
0x7b: {  	_ =	shalt  }
0x7c: {  	_ =	shalt  }
0x7d: {  	_ =	shalt  }
0x7e: {  	_ =	shalt  }
0x7f: {  	_ =	shalt  }
0x80: {  	_ =	shalt  }
0x81: {  	_ =	shalt  }
0x82: {  	_ =	shalt  }
0x83: {  	_ =	shalt  }
0x84: {  	_ =	shalt  }
0x85: {  	_ =	shalt  }
0x86: {  	_ =	shalt  }
0x87: {  	_ =	shalt  }
.Lfunc_end0:
.L_simem_size_0:
called_computation.2_lowered:
.L_overlay_start_0:
0x88: {  	s2 =	sld [smem:$0x3FD9]  }
0x89: {  	s3 =	sld [smem:$0x3FFE];
	_ =	sdelay $0x1  }
0x8a: {  	s1 =	srdreg.scid  }
0x8b: {  	s0 =	sand.u32 $0x1, s1  }
0x8c: {  	s16 =	sshll.u32 s0, $0xA;
	s2 =	sadd.s32 s3, s2  }
0x8d: {  	s2 =	sadd.s32 s2, s16  }
0x8e: {  	[smem:$0x3FBB] =	sst s2  }
0x8f: {  	_ = 	snop  }
0x90: {  	(tm) =	ssettm $0x1  }
0x91: {  	s17 =	sld [smem:$0x3FFB];
	_ =	sdelay $0x3  }
0x92: {  	_ =	strace s17  }
0x93: {  	s2 =	sld [smem:$0x3FFC];
	_ =	sdelay $0x3  }
0x94: {  	_ =	strace s2  }
0x95: {  	s2 =	sld [smem:$0x3FFD];
	_ =	sdelay $0x3  }
0x96: {  	_ =	strace s2  }
0x97: {  	_ =	strace $0x8FFFFFFF  }
0x98: {  	s18 =	sld [smem:$0x3FDB];
	_ =	sdelay $0x1  }
0x99: {  	s19 =	simm.s32 $_scs_section_size  }
0x9a: {  	s4 =	simm.s32 $_size__tile_overlayer_lowered;
	s5 =	simm.s32 $_tile_overlayer_lowered  }
0x9b: {  	s22 =	simm.s32 $0x1BFF;
	s21 =	sshll.u32 s5, $0x1;
	s2 =	sadd.s32 s19, s18  }
0x9c: {  	s6 =	simm.s32 $0x0;
	s20 =	sshll.u32 s4, $0x1;
	s4 =	sadd.s32 s21, s2  }
0x9d: {  	[timem:s6], [sflag:s22] =	dma.local [hbm:s4], s20  }
0x9e: {  	_ =	swait.ge [sflag:s22], s20  }
0x9f: {  	s3 =	ssub.s32 $0x0, s20;
	[sflag:s22] =	ssyncset.done $0x0  }
0xa0: {  	[sflag:s22] =	ssyncadd.s32 s3;
	_ =	sdelay $0x1  }
0xa1: {  	s23 =	simm.s32 $0x1B8B  }
0xa2: {  	_ =	swait.ge [sflag:s23], $0x1  }
0xa3: {  	[sflag:s23] =	ssyncset.done $0x0  }
0xa4: {  	s25 =	simm.s32 $0x1B8E;
	s24 =	sld [smem:$0x3FFE];
	[sflag:s23] =	ssyncadd.s32 $0xFFFFFFFF  }
0xa5: {  	s26 =	simm.s32 $execute0_lowered;
	[smem:$0x3FD2] =	sst s25  }
0xa6: {  	s4 =	sshll.u32 s26, $0x1;
	_ =	strace $0x8000004C;
	[dreg:$0x1] =	wrdreg $0xFFFFFFFF  }
0xa7: {  	s28 =	simm.s32 $_size_execute0_lowered;
	s2 =	sadd.s32 s2, s4;
	[dreg:$0x0] =	wrdreg $0x0  }
0xa8: {  	s4 =	sshll.u32 s28, $0x1;
	[dreg:$0x2] =	wrdreg s2  }
0xa9: {  	[dreg:$0x3] =	wrdreg s4  }
0xaa: {  	[dreg:$0x4] =	wrdreg $0xC0  }
0xab: {  	_ =	task [dreg:s6], $0x5FFFF  }
0xac: {  	[dreg:$0x1] =	wrdreg $0xFFFFFFFF  }
0xad: {  	[dreg:$0x0] =	wrdreg $0x60  }
0xae: {  	[dreg:$0x2] =	wrdreg s24  }
0xaf: {  	[dreg:$0x3] =	wrdreg $0x78000  }
0xb0: {  	[dreg:$0x4] =	wrdreg $0x9  }
0xb1: {  	_ =	task.clear_ibuf [dreg:s6], $0x5FFFF;
	_ =	strace $0x9000004C  }
0xb2: {  	s29 =	simm.s32 $0x9;
	_ =	strace $0x8000004E  }
0xb3: {  	_ =	swait.ge [sflag:s29], $0x1  }
0xb4: {  	[sflag:s29] =	ssyncadd.s32 $0xFFFFFFFF  }
0xb5: {  	_ =	strace $0x9000004E  }
0xb6: {  	_ =	sfence  }
0xb7: {  	s30 =	sld [smem:$0x0];
	_ =	sdelay $0x2  }
0xb8: {  	s31 =	sshll.u32 s1, $0xD;
	s1 =	sshrl.u32 s1, $0x2  }
0xb9: {  	s3 =	sand.u32 $0x4000, s31;
	s1 =	sadd.s32 s1, s30  }
0xba: {  	s0 =	sor.u32 s3, s0;
	s1 =	sshll.u32 s1, $0x11  }
0xbb: {  	s0 =	sor.u32 s1, s0  }
0xbc: {  	s0 =	sadd.s32 $0x8F2B, s0  }
0xbd: {  	[sflag:s0] =	ssyncadd.remote.s32 $0x1  }
0xbe: {  	_ =	sfence.sel $0xFFFF  }
0xbf: {  	[dreg:$0x0] =	wrdreg $0xFFFFFFFF;
	(pc) =	sbr.abs _section_cstart, $3  }
0xc0: {  	[dreg:$0x1] =	wrdreg $0xFFFFFFFF  }
0xc1: {  	_ =	task.clear_ibuf [dreg:s6], $0x2FFFF;
	_ =	strace $0x9FFFFFFF  }
0xc2: {  	(tm) =	ssettm $0x7FFFFFFF  }
0xc3: {  	_ =	shalt  }
tec
execute0_lowered:
.L_overlay_start_1:
0x0: {  	(tag) =	ssettag $0x1  }
0x1: {  	s0 =	srdreg.scid;
	s3 =	rddreg [dreg:$0x0]  }
0x2: {  	s7 =	stileid.u32;
	s2 =	rddreg [dreg:$0x1];
	s4 =	simm.s32 $0x0  }
0x3: {  	s19 =	simm.s32 $0x7000;
	s20 =	simm.s32 $0x9;
	s22 =	simm.s32 $0x100  }
0x4: {  	s28 =	simm.s32 $0xE800;
	s30 =	simm.s32 $0x10800;
	s31 =	simm.s32 $0x1  }
0x5: {  	s21 =	simm.s32 $0x4;
	s29 =	simm.s32 $0x6;
	s0 =	sand.u32 $0x1, s0  }
0x6: {  	[smem:$0x7FF] =	sst s4;
	s6 =	smul.u32 $0xA000, s7;
	s4 =	sadd.s32 $0xC800, s3  }
0x7: {  	s1 =	sshll.u32 s0, $0x4;
	s5 =	smul.u32 $0xA0000, s0;
	_ =	strace $0x8000004D  }
0x8: {  	s0 =	ssub.s32 $0x2, s0;
	s1 =	sor.u32 s7, s1;
	s7 =	smul.u32 $0x14000, s7  }
0x9: {  	s8 =	sshrl.u32 s0, $0x1;
	s24 =	sshrl.u32 s6, $0x1;
	s1 =	smul.u32 $0x500, s1  }
0xa: {  	s5 =	sadd.s32 s6, s5;
	s0 =	ssub.s32 s0, s8;
	s6 =	simm.s32 $0x8  }
0xb: {  	s5 =	sshrl.u32 s5, $0x4;
	s7 =	sshrl.u32 s7, $0x2;
	s0 =	smax.u32 s0, $0x1  }
0xc: {  	s1 =	sadd.s32 s1, s3;
	s3 =	sadd.s32 s5, s3;
	s5 =	sadd.s32 s7, s2  }
0xd: {  	[dreg:$0x6] =	wrdreg s0;
	s0 =	simm.s32 $0x3;
	s7 =	simm.s32 $0x0  }
0xe: {  	s23 =	sadd.s32 $0x2800, s1;
	s1 =	sadd.s32 $0x16800, s1;
	s3 =	sadd.s32 $0x20800, s3  }
0xf: {  	s25 =	sadd.s32 $0x800, s5;
	s26 =	sadd.s32 $0x1000, s5;
	[dreg:$0x3] =	wrdreg s23  }
0x10: {  	s12 =	sadd.s32 $0x1800, s5;
	s13 =	sadd.s32 $0x2000, s5;
	[dreg:$0x4] =	wrdreg s1  }
0x11: {  	s14 =	sadd.s32 $0x2800, s5;
	s15 =	sadd.s32 $0x3000, s5;
	[dreg:$0x5] =	wrdreg s3  }
0x12: {  	s16 =	sadd.s32 $0x3800, s5;
	s17 =	sadd.s32 $0x4000, s5;
	[dreg:$0x7] =	wrdreg s25  }
0x13: {  	s18 =	sadd.s32 $0x4800, s5;
	s1 =	sadd.s32 s24, s2;
	[dreg:$0x8] =	wrdreg s26  }
0x14: {  	s23 =	simm.s32 $0x5000;
	s24 =	simm.s32 $0xC800;
	s26 =	simm.s32 $0x5  }
0x15: {  	v0 =	vimm.bf16 $0.0e+00;
	s3 =	simm.s32 $0x7;
	s25 =	sshrl.u32 s1, $0x3;
	s1 =	simm.s32 $0x2  }
.LBB2_1:
0x16: {  	s9 =	simm.s32 $0x0  }
0x17: {  	s8 =	sand.u32 $0x1F80, s9;
	s9 =	sand.u32 $0x20, s9  }
0x18: {  	s8 =	sshrl.u32 s8, $0x2;
	s9 =	sshrl.u32 s9, $0x1  }
0x19: {  	s9 =	sor.u32 s9, s8  }
0x1a: {  	s8 =	simm.s32 $0x40;
	[tilespmem:s9+$0x7000] =	vst v0;
	s9 =	simm.s32 $0x0  }
.LBB2_2:
0x1b: {  	p0 =	sne.s32 s8, $0x1FC0  }
.Ltmp0:
0x1c: {  	s10 =	sand.u32 $0x1F80, s8;
	s9 =	sadd.s32 $0x20, s9;
	(pc) =	sbr.rel @p0 .LBB2_2-.Ltmp0, $4  }
0x1d: {  	s8 =	sadd.s32 $0x40, s8;
	s11 =	sand.u32 $0x20, s9  }
0x1e: {  	s10 =	sshrl.u32 s10, $0x2;
	s11 =	sshrl.u32 s11, $0x1  }
0x1f: {  	s10 =	sor.u32 s11, s10  }
0x20: {  	[tilespmem:s10+$0x7000] =	vst v0  }
0x21: {  	[spmem:s5] =	stream.linear.scatter [tilespmem:s19], [sflag:$0x9], $0x800, $0x38;
	[tilespmem:$0x12800] =	vst v63  }
0x22: {  	_ =	swait.ge [sflag:s20], $0x800  }
0x23: {  	[sflag:s20] =	ssyncset.done $0x0  }
0x24: {  	s8 =	rddreg [dreg:$0x7];
	[sflag:s20] =	ssyncadd.s32 $0xFFFFF800  }
0x25: {  	[spmem:s8] =	stream.linear.scatter [tilespmem:s19], [sflag:$0x9], $0x800, $0x38;
	[tilespmem:$0x12800] =	vst v63  }
0x26: {  	_ =	swait.ge [sflag:s20], $0x800  }
0x27: {  	[sflag:s20] =	ssyncset.done $0x0  }
0x28: {  	s10 =	rddreg [dreg:$0x8];
	[sflag:s20] =	ssyncadd.s32 $0xFFFFF800  }
0x29: {  	[spmem:s10] =	stream.linear.scatter [tilespmem:s19], [sflag:$0x9], $0x800, $0x38;
	[tilespmem:$0x12800] =	vst v63  }
0x2a: {  	_ =	swait.ge [sflag:s20], $0x800  }
0x2b: {  	[sflag:s20] =	ssyncset.done $0x0  }
0x2c: {  	[sflag:s20] =	ssyncadd.s32 $0xFFFFF800  }
0x2d: {  	[spmem:s12] =	stream.linear.scatter [tilespmem:s19], [sflag:$0x9], $0x800, $0x38;
	[tilespmem:$0x12800] =	vst v63  }
0x2e: {  	_ =	swait.ge [sflag:s20], $0x800  }
0x2f: {  	[sflag:s20] =	ssyncset.done $0x0  }
0x30: {  	[sflag:s20] =	ssyncadd.s32 $0xFFFFF800  }
0x31: {  	[spmem:s13] =	stream.linear.scatter [tilespmem:s19], [sflag:$0x9], $0x800, $0x38;
	[tilespmem:$0x12800] =	vst v63  }
0x32: {  	_ =	swait.ge [sflag:s20], $0x800  }
0x33: {  	[sflag:s20] =	ssyncset.done $0x0  }
0x34: {  	[sflag:s20] =	ssyncadd.s32 $0xFFFFF800  }
0x35: {  	[spmem:s14] =	stream.linear.scatter [tilespmem:s19], [sflag:$0x9], $0x800, $0x38;
	[tilespmem:$0x12800] =	vst v63  }
0x36: {  	_ =	swait.ge [sflag:s20], $0x800  }
0x37: {  	[sflag:s20] =	ssyncset.done $0x0  }
0x38: {  	[sflag:s20] =	ssyncadd.s32 $0xFFFFF800  }
0x39: {  	[spmem:s15] =	stream.linear.scatter [tilespmem:s19], [sflag:$0x9], $0x800, $0x38;
	[tilespmem:$0x12800] =	vst v63  }
0x3a: {  	_ =	swait.ge [sflag:s20], $0x800  }
0x3b: {  	[sflag:s20] =	ssyncset.done $0x0  }
0x3c: {  	[sflag:s20] =	ssyncadd.s32 $0xFFFFF800  }
0x3d: {  	[spmem:s16] =	stream.linear.scatter [tilespmem:s19], [sflag:$0x9], $0x800, $0x38;
	[tilespmem:$0x12800] =	vst v63  }
0x3e: {  	_ =	swait.ge [sflag:s20], $0x800  }
0x3f: {  	[sflag:s20] =	ssyncset.done $0x0  }
0x40: {  	[sflag:s20] =	ssyncadd.s32 $0xFFFFF800  }
0x41: {  	[spmem:s17] =	stream.linear.scatter [tilespmem:s19], [sflag:$0x9], $0x800, $0x38;
	[tilespmem:$0x12800] =	vst v63  }
0x42: {  	_ =	swait.ge [sflag:s20], $0x800  }
0x43: {  	[sflag:s20] =	ssyncset.done $0x0  }
0x44: {  	[sflag:s20] =	ssyncadd.s32 $0xFFFFF800  }
0x45: {  	[spmem:s18] =	stream.linear.scatter [tilespmem:s19], [sflag:$0x9], $0x800, $0x38;
	[tilespmem:$0x12800] =	vst v63  }
0x46: {  	_ =	swait.ge [sflag:s20], $0x800  }
0x47: {  	s8 =	simm.s32 $0x0;
	[sflag:s20] =	ssyncset.done $0x0  }
0x48: {  	s10 =	simm.s32 $0x2800;
	s9 =	rddreg [dreg:$0x3];
	[sflag:s20] =	ssyncadd.s32 $0xFFFFF800  }
0x49: {  	[tilespmem:s10], [sflag:$0x9] =	stream.linear.gather [hbm4b:s9+s8], $0x2800, $0x38;
	[tilespmem:$0x12800] =	vst v63  }
0x4a: {  	_ =	swait.ge [sflag:s20], $0x2800  }
0x4b: {  	[sflag:s20] =	ssyncset.done $0x0  }
0x4c: {  	s11 =	rddreg [dreg:$0x4];
	[sflag:s20] =	ssyncadd.s32 $0xFFFFD800  }
0x4d: {  	[tilespmem:s8], [sflag:$0x9] =	stream.linear.gather [hbm4b:s11+s8], $0x2800, $0x38;
	[tilespmem:$0x12800] =	vst v63  }
0x4e: {  	_ =	swait.ge [sflag:s20], $0x2800  }
0x4f: {  	[sflag:s20] =	ssyncset.done $0x0  }
0x50: {  	[sflag:s20] =	ssyncadd.s32 $0xFFFFD800  }
0x51: {  	[bflag:$0x0] =	sbarrier.arrive $0xFFFF  }
0x52: {  	[tilespmem:s23], [sflag:$0x1] =	stream.indirect.gather [hbm4b:s4+s22], $0x20, s8, s22, $0xb8;
	[tilespmem:$0x12800] =	vst v63  }
0x53: {  	_ = 	snop  }
0x54: {  	[tilespmem:s24], [sflag:$0x2] =	stream.indirect.gather [hbm4b:s4+s22], $0x20, s22, s22, $0xb8;
	[tilespmem:$0x12800] =	vst v63  }
0x55: {  	s9 =	simm.s32 $0x200  }
0x56: {  	[tilespmem:s28], [sflag:$0x3] =	stream.indirect.gather [hbm4b:s4+s22], $0x20, s9, s22, $0xb8;
	[tilespmem:$0x12800] =	vst v63  }
0x57: {  	s10 =	simm.s32 $0x300  }
0x58: {  	[tilespmem:s30], [sflag:$0x4] =	stream.indirect.gather [hbm4b:s4+s22], $0x20, s10, s22, $0xb8;
	[tilespmem:$0x12800] =	vst v63  }
0x59: {  	_ =	swait.ge [sflag:s31], $0x2000  }
0x5a: {  	[sflag:s31] =	ssyncset.done $0x0  }
0x5b: {  	s11 =	simm.s32 $0x2800;
	[sflag:s31] =	ssyncadd.s32 $0xFFFFE000  }
0x5c: {  	[spmem:s2] =	stream.indirect.scatter.add.bf16 [tilespmem:s23], [sflag:$0x5], $0x20, s11, s22, $0xb8;
	[tilespmem:$0x12800] =	vst v63  }
0x5d: {  	_ =	swait.ge [sflag:s1], $0x2000  }
0x5e: {  	[sflag:s1] =	ssyncset.done $0x0  }
0x5f: {  	s9 =	simm.s32 $0x2900;
	[sflag:s1] =	ssyncadd.s32 $0xFFFFE000  }
0x60: {  	[spmem:s2] =	stream.indirect.scatter.add.bf16 [tilespmem:s24], [sflag:$0x6], $0x20, s9, s22, $0xb8;
	[tilespmem:$0x12800] =	vst v63  }
0x61: {  	_ =	swait.ge [sflag:s0], $0x2000  }
0x62: {  	[sflag:s0] =	ssyncset.done $0x0  }
0x63: {  	s10 =	simm.s32 $0x2A00;
	[sflag:s0] =	ssyncadd.s32 $0xFFFFE000  }
0x64: {  	[spmem:s2] =	stream.indirect.scatter.add.bf16 [tilespmem:s28], [sflag:$0x7], $0x20, s10, s22, $0xb8;
	[tilespmem:$0x12800] =	vst v63  }
0x65: {  	_ =	swait.ge [sflag:s21], $0x2000  }
0x66: {  	[sflag:s21] =	ssyncset.done $0x0  }
0x67: {  	s11 =	simm.s32 $0x2B00;
	[sflag:s21] =	ssyncadd.s32 $0xFFFFE000  }
0x68: {  	[spmem:s2] =	stream.indirect.scatter.add.bf16 [tilespmem:s30], [sflag:$0x8], $0x20, s11, s22, $0xb8;
	[tilespmem:$0x12800] =	vst v63  }
0x69: {  	_ =	swait.ge [sflag:s26], $0x2000  }
0x6a: {  	[sflag:s26] =	ssyncset.done $0x0  }
0x6b: {  	s9 =	simm.s32 $0x400;
	[sflag:s26] =	ssyncadd.s32 $0xFFFFE000  }
0x6c: {  	[tilespmem:s23], [sflag:$0x1] =	stream.indirect.gather [hbm4b:s4+s22], $0x20, s9, s22, $0xb8;
	[tilespmem:$0x12800] =	vst v63  }
0x6d: {  	_ =	swait.ge [sflag:s29], $0x2000  }
0x6e: {  	[sflag:s29] =	ssyncset.done $0x0  }
0x6f: {  	s10 =	simm.s32 $0x500;
	[sflag:s29] =	ssyncadd.s32 $0xFFFFE000  }
0x70: {  	[tilespmem:s24], [sflag:$0x2] =	stream.indirect.gather [hbm4b:s4+s22], $0x20, s10, s22, $0xb8;
	[tilespmem:$0x12800] =	vst v63  }
0x71: {  	_ =	swait.ge [sflag:s3], $0x2000  }
0x72: {  	[sflag:s3] =	ssyncset.done $0x0  }
0x73: {  	s11 =	simm.s32 $0x600;
	[sflag:s3] =	ssyncadd.s32 $0xFFFFE000  }
0x74: {  	[tilespmem:s28], [sflag:$0x3] =	stream.indirect.gather [hbm4b:s4+s22], $0x20, s11, s22, $0xb8;
	[tilespmem:$0x12800] =	vst v63  }
0x75: {  	_ =	swait.ge [sflag:s6], $0x2000  }
0x76: {  	[sflag:s6] =	ssyncset.done $0x0  }
0x77: {  	s8 =	simm.s32 $0x1000;
	s9 =	simm.s32 $0x700;
	[sflag:s6] =	ssyncadd.s32 $0xFFFFE000  }
.LBB2_4:
0x78: {  	[tilespmem:s30], [sflag:$0x4] =	stream.indirect.gather [hbm4b:s4+s22], $0x20, s9, s22, $0xb8;
	[tilespmem:$0x12800] =	vst v63  }
0x79: {  	s9 =	smov.u32 s8  }
0x7a: {  	p0 =	sne.s32 s8, $0x8000;
	s8 =	sadd.s32 $0x1000, s8;
	_ =	swait.ge [sflag:s31], $0x2000  }
0x7b: {  	s9 =	sshra.s32 s9, $0x2;
	[sflag:s31] =	ssyncset.done $0x0  }
0x7c: {  	s10 =	sadd.s32 $0x2800, s9;
	[sflag:s31] =	ssyncadd.s32 $0xFFFFE000  }
0x7d: {  	[spmem:s2] =	stream.indirect.scatter.add.bf16 [tilespmem:s23], [sflag:$0x5], $0x20, s10, s22, $0xb8;
	[tilespmem:$0x12800] =	vst v63  }
0x7e: {  	_ =	swait.ge [sflag:s1], $0x2000  }
0x7f: {  	[sflag:s1] =	ssyncset.done $0x0  }
0x80: {  	s10 =	sadd.s32 $0x2900, s9;
	[sflag:s1] =	ssyncadd.s32 $0xFFFFE000  }
0x81: {  	[spmem:s2] =	stream.indirect.scatter.add.bf16 [tilespmem:s24], [sflag:$0x6], $0x20, s10, s22, $0xb8;
	[tilespmem:$0x12800] =	vst v63  }
0x82: {  	_ =	swait.ge [sflag:s0], $0x2000  }
0x83: {  	[sflag:s0] =	ssyncset.done $0x0  }
0x84: {  	s10 =	sadd.s32 $0x2A00, s9;
	[sflag:s0] =	ssyncadd.s32 $0xFFFFE000  }
0x85: {  	[spmem:s2] =	stream.indirect.scatter.add.bf16 [tilespmem:s28], [sflag:$0x7], $0x20, s10, s22, $0xb8;
	[tilespmem:$0x12800] =	vst v63  }
0x86: {  	_ =	swait.ge [sflag:s21], $0x2000  }
0x87: {  	[sflag:s21] =	ssyncset.done $0x0  }
0x88: {  	s10 =	sadd.s32 $0x2B00, s9;
	[sflag:s21] =	ssyncadd.s32 $0xFFFFE000  }
0x89: {  	[spmem:s2] =	stream.indirect.scatter.add.bf16 [tilespmem:s30], [sflag:$0x8], $0x20, s10, s22, $0xb8;
	[tilespmem:$0x12800] =	vst v63  }
0x8a: {  	_ =	swait.ge [sflag:s26], $0x2000  }
0x8b: {  	[sflag:s26] =	ssyncset.done $0x0  }
0x8c: {  	s10 =	sadd.s32 $0x400, s9;
	[sflag:s26] =	ssyncadd.s32 $0xFFFFE000  }
0x8d: {  	[tilespmem:s23], [sflag:$0x1] =	stream.indirect.gather [hbm4b:s4+s22], $0x20, s10, s22, $0xb8;
	[tilespmem:$0x12800] =	vst v63  }
0x8e: {  	_ =	swait.ge [sflag:s29], $0x2000  }
0x8f: {  	[sflag:s29] =	ssyncset.done $0x0  }
0x90: {  	s10 =	sadd.s32 $0x500, s9;
	[sflag:s29] =	ssyncadd.s32 $0xFFFFE000  }
0x91: {  	[tilespmem:s24], [sflag:$0x2] =	stream.indirect.gather [hbm4b:s4+s22], $0x20, s10, s22, $0xb8;
	[tilespmem:$0x12800] =	vst v63  }
0x92: {  	_ =	swait.ge [sflag:s3], $0x2000  }
0x93: {  	[sflag:s3] =	ssyncset.done $0x0  }
.Ltmp1:
0x94: {  	s10 =	sadd.s32 $0x600, s9;
	[sflag:s3] =	ssyncadd.s32 $0xFFFFE000;
	(pc) =	sbr.rel @p0 .LBB2_4-.Ltmp1, $4  }
0x95: {  	[tilespmem:s28], [sflag:$0x3] =	stream.indirect.gather [hbm4b:s4+s22], $0x20, s10, s22, $0xb8;
	[tilespmem:$0x12800] =	vst v63  }
0x96: {  	_ =	swait.ge [sflag:s6], $0x2000  }
0x97: {  	[sflag:s6] =	ssyncset.done $0x0  }
0x98: {  	s9 =	sadd.s32 $0x700, s9;
	[sflag:s6] =	ssyncadd.s32 $0xFFFFE000  }
0x99: {  	[tilespmem:s30], [sflag:$0x4] =	stream.indirect.gather [hbm4b:s4+s22], $0x20, s9, s22, $0xb8;
	[tilespmem:$0x12800] =	vst v63  }
0x9a: {  	_ =	swait.ge [sflag:s31], $0x2000  }
0x9b: {  	[sflag:s31] =	ssyncset.done $0x0  }
0x9c: {  	s8 =	simm.s32 $0x4C00;
	[sflag:s31] =	ssyncadd.s32 $0xFFFFE000  }
0x9d: {  	[spmem:s2] =	stream.indirect.scatter.add.bf16 [tilespmem:s23], [sflag:$0x5], $0x20, s8, s22, $0xb8;
	[tilespmem:$0x12800] =	vst v63  }
0x9e: {  	_ =	swait.ge [sflag:s1], $0x2000  }
0x9f: {  	[sflag:s1] =	ssyncset.done $0x0  }
0xa0: {  	s9 =	simm.s32 $0x4D00;
	[sflag:s1] =	ssyncadd.s32 $0xFFFFE000  }
0xa1: {  	[spmem:s2] =	stream.indirect.scatter.add.bf16 [tilespmem:s24], [sflag:$0x6], $0x20, s9, s22, $0xb8;
	[tilespmem:$0x12800] =	vst v63  }
0xa2: {  	_ =	swait.ge [sflag:s0], $0x2000  }
0xa3: {  	[sflag:s0] =	ssyncset.done $0x0  }
0xa4: {  	s10 =	simm.s32 $0x4E00;
	[sflag:s0] =	ssyncadd.s32 $0xFFFFE000  }
0xa5: {  	[spmem:s2] =	stream.indirect.scatter.add.bf16 [tilespmem:s28], [sflag:$0x7], $0x20, s10, s22, $0xb8;
	[tilespmem:$0x12800] =	vst v63  }
0xa6: {  	_ =	swait.ge [sflag:s21], $0x2000  }
0xa7: {  	[sflag:s21] =	ssyncset.done $0x0  }
0xa8: {  	s11 =	simm.s32 $0x4F00;
	[sflag:s21] =	ssyncadd.s32 $0xFFFFE000  }
0xa9: {  	[spmem:s2] =	stream.indirect.scatter.add.bf16 [tilespmem:s30], [sflag:$0x8], $0x20, s11, s22, $0xb8;
	[tilespmem:$0x12800] =	vst v63  }
0xaa: {  	_ =	swait.ge [sflag:s26], $0x2000  }
0xab: {  	[sflag:s26] =	ssyncset.done $0x0  }
0xac: {  	[sflag:s26] =	ssyncadd.s32 $0xFFFFE000  }
0xad: {  	_ =	swait.ge [sflag:s29], $0x2000  }
0xae: {  	[sflag:s29] =	ssyncset.done $0x0  }
0xaf: {  	[sflag:s29] =	ssyncadd.s32 $0xFFFFE000  }
0xb0: {  	_ =	swait.ge [sflag:s3], $0x2000  }
0xb1: {  	[sflag:s3] =	ssyncset.done $0x0  }
0xb2: {  	[sflag:s3] =	ssyncadd.s32 $0xFFFFE000  }
0xb3: {  	_ =	swait.ge [sflag:s6], $0x2000  }
0xb4: {  	[sflag:s6] =	ssyncset.done $0x0  }
0xb5: {  	s9 =	stileid.u32;
	[sflag:s6] =	ssyncadd.s32 $0xFFFFE000  }
0xb6: {  	s8 =	sshll.u32 s9, $0x6;
	[bflag:$0x0] =	sbarrier.arrive $0xFFFF  }
0xb7: {  	s8 =	sor.u32 $0x1C09, s8;
	s10 =	rddreg [dreg:$0x5]  }
0xb8: {  	[hbm:s10], [sflag:s8] =	dma.local [spmem:s25], $0xA00  }
0xb9: {  	_ =	swait.ge [sflag:s20], $0xA00  }
0xba: {  	s7 =	sadd.s32 $0x1, s7;
	s11 =	rddreg [dreg:$0x6]  }
0xbb: {  	p0 =	sne.s32 s7, s11  }
.Ltmp2:
0xbc: {  	_ = 	snop;
	(pc) =	sbr.rel @p0 .LBB2_1-.Ltmp2, $3  }
0xbd: {  	_ =	sdelay $0x1  }
0xbe: {  	[sflag:s20] =	ssyncset.done $0x0  }
0xbf: {  	[sflag:s20] =	ssyncadd.s32 $0xFFFFF600  }
0xc0: {  	_ =	sfence.sel $0x180000  }
0xc1: {  	[bflag:$0x0] =	sbarrier.arrive $0xFFFF  }
0xc2: {  	_ =	strace $0x9000004D  }
0xc3: {  	s0 =	stileid.u32;
	[bflag:$0x2] =	sbarrier.arrive $0xFFFF  }
0xc4: {  	p0 =	sne.s32 s0, $0x0;
	s0 =	rddreg [dreg:$0x2]  }
0xc5: {  	s0 =	sadd.s32 @!p0 $0x100000, s0  }
0xc6: {  	[sflag:s0] =	ssyncadd.tile.s32 @!p0 $0x1;
	_ =	shalt  }
.Lfunc_end2:
_tile_overlayer_lowered:
.L_overlay_start_2:
0xc7: {  	(tag) =	ssettag $0x2  }
0xc8: {  	s0 =	rddreg [dreg:$0x0];
	s2 =	stileid.u32  }
0xc9: {  	s1 =	rddreg [dreg:$0x1];
	p0 =	sne.s32 s2, $0x0  }
0xca: {  	s3 =	rddreg [dreg:$0x2];
	[bflag:$0x3] =	sbarrier.arrive $0xFFFF;
	s2 =	simm.s32 @!p0 $0x1C09  }
0xcb: {  	[timem:s3], [sflag:s2] =	dma.local @!p0 [hbm:s0], s1  }
0xcc: {  	s0 =	simm.s32 @!p0 $0x9  }
0xcd: {  	_ =	swait.ge @!p0 [sflag:s0], s1  }
0xce: {  	s1 =	ssub.s32 @!p0 $0x0, s1;
	[sflag:s0] =	ssyncset.done @!p0 $0x0  }
0xcf: {  	[sflag:s0] =	ssyncadd.s32 @!p0 s1  }
0xd0: {  	[bflag:$0x3] =	sbarrier.arrive $0xFFFF  }
0xd1: {  	_ =	shalt  }

// kernel: kernel.20.cloned.1.call-start
scs
__scs_entry_jumppad:
0x0: {  	(pc) =	sbr.rel $0x88, $3  }
0x1: {  	(tag) =	ssettag $0x0;
	lr =	simm.s32 $0x1  }
0x2: {  	[smem:$0x3F94] =	sst lr;
	_ =	strace $0xD0000000  }
0x3: {  	_ = 	snop  }
0x4: {  	_ = 	snop  }
0x5: {  	_ = 	snop  }
0x6: {  	_ = 	snop  }
0x7: {  	_ = 	snop  }
__scs_overlays_trampoline_lowered:
0x8: {  	[smem:$0x3FA3] =	sst s0  }
0x9: {  	[smem:$0x3FA4] =	sst s1  }
0xa: {  	[smem:$0x3FA5] =	sst s2  }
0xb: {  	[smem:$0x3FA6] =	sst s3  }
0xc: {  	[smem:$0x3FA7] =	sst s4  }
0xd: {  	[smem:$0x3FA8] =	sst s5  }
0xe: {  	[smem:$0x3FA9] =	sst s6  }
0xf: {  	[smem:$0x3FAA] =	sst s7  }
0x10: {  	[smem:$0x3FAB] =	sst s8  }
0x11: {  	[smem:$0x3FAC] =	sst s9;
	s0 =	simm.s32 @!p0 $0x0  }
0x12: {  	s1 =	sld [smem:$0x3F92];
	s0 =	simm.s32 @p0 $0x1  }
0x13: {  	[smem:$0x3FAD] =	sst s0;
	s0 =	simm.s32 @!p1 $0x0  }
0x14: {  	s2 =	sld [smem:$0x3F91];
	s0 =	simm.s32 @p1 $0x1  }
0x15: {  	[smem:$0x3FAE] =	sst s0;
	s0 =	simm.s32 @!p2 $0x0  }
0x16: {  	s3 =	sld [smem:$0x3FDB];
	s0 =	simm.s32 @p2 $0x1  }
0x17: {  	s4 =	simm.s32 $0x1BF5;
	[smem:$0x3FB0] =	sst s0  }
0x18: {  	s0 =	sld [smem:$0x3F93];
	_ =	swait.ge [sflag:s4], $0x0  }
0x19: {  	s7 =	sld [smem:$0x3F94]  }
0x1a: {  	s8 =	sadd.s32 $0xFFFFE003, lr  }
0x1b: {  	s9 =	sadd.s32 $0xFFFFFEF7, lr;
	s5 =	simm.s32 $0xFFFFFFFF;
	p2 =	slt.u32 s8, $0xFFFFF086  }
0x1c: {  	p1 =	slt.u32 s9, $0xF7A;
	s5 =	simm.s32 @!p2 $0x0  }
0x1d: {  	s5 =	simm.s32 @p1 $0x1;
	p0 =	seq.s32 s7, s2  }
0x1e: {  	s7 =	smul.u32 @!p0 $0xF7A, s2;
	p2 =	seq.s32 @!p0 s5, $0x0  }
0x1f: {  	s9 =	smul.u32 $0xF7A, s1;
	s8 =	simm.s32 @!p0 $0x1BF5;
	p2 =	por !p2, p0  }
0x20: {  	[sflag:s8] =	ssyncset.s32 @!p0 $0xFFFFF086;
	s6 =	sadd.s32 @!p0 s3, s7;
	s7 =	simm.s32 @!p0 $0x108  }
0x21: {  	s3 =	sadd.s32 s3, s9;
	s6 =	sadd.s32 @!p0 $0x88, s6;
	s7 =	simm.s32 @p2 $0x1082  }
0x22: {  	[simem:s7], [sflag:s8] =	dma.local @!p0 [hbm:s6], $0xF7A  }
0x23: {  	s9 =	sor.u32 $0xD0000000, s2;
	s6 =	simm.s32 $0x108;
	_ =	swait.ge @!p0 [sflag:s8], $0x0  }
0x24: {  	s3 =	sadd.s32 $0x88, s3;
	s6 =	simm.s32 @!p1 $0x1082;
	[sflag:s4] =	ssyncset.s32 $0xFFFFF086  }
0x25: {  	[simem:s6], [sflag:s4] =	dma.local [hbm:s3], $0xF7A  }
0x26: {  	[smem:$0x3F94] =	sst s1;
	(tag) =	ssettag s2;
	_ =	strace s9  }
0x27: {  	s1 =	sld [smem:$0x3FA4]  }
0x28: {  	s2 =	sld [smem:$0x3FA5]  }
0x29: {  	s4 =	sld [smem:$0x3FA7]  }
0x2a: {  	p0 =	seq.s32 s5, $0x0;
	s5 =	sld [smem:$0x3FA8]  }
0x2b: {  	s6 =	sld [smem:$0x3FA9]  }
0x2c: {  	s7 =	sld [smem:$0x3FAA]  }
0x2d: {  	s3 =	simm.s32 $0x108;
	s8 =	sld [smem:$0x3FAB]  }
0x2e: {  	s3 =	simm.s32 @!p0 $0x1082;
	s9 =	sld [smem:$0x3FAC]  }
0x2f: {  	lr =	sadd.s32 s0, s3;
	s0 =	sld [smem:$0x3FA3]  }
0x30: {  	s3 =	sld [smem:$0x3FA6]  }
0x31: {  	[smem:$0x3FAF] =	sst s10  }
0x32: {  	s10 =	sld [smem:$0x3FAD];
	_ =	sdelay $0x3  }
0x33: {  	p0 =	seq.s32 s10, $0x1;
	s10 =	sld [smem:$0x3FAF];
	_ =	sdelay $0x3  }
0x34: {  	[smem:$0x3FAF] =	sst s10  }
0x35: {  	s10 =	sld [smem:$0x3FAE];
	_ =	sdelay $0x3  }
0x36: {  	p1 =	seq.s32 s10, $0x1;
	s10 =	sld [smem:$0x3FAF];
	_ =	sdelay $0x3  }
0x37: {  	[smem:$0x3FAF] =	sst s10  }
0x38: {  	s10 =	sld [smem:$0x3FB0]  }
0x39: {  	_ = 	snop;
	(pc) =	sbr.ind lr, $3  }
0x3a: {  	_ = 	snop  }
0x3b: {  	_ = 	snop  }
0x3c: {  	p2 =	seq.s32 s10, $0x1;
	s10 =	sld [smem:$0x3FAF]  }
0x3d: {  	_ =	shalt  }
0x3e: {  	_ =	shalt  }
0x3f: {  	_ =	shalt  }
0x40: {  	_ =	shalt  }
0x41: {  	_ =	shalt  }
0x42: {  	_ =	shalt  }
0x43: {  	_ =	shalt  }
0x44: {  	_ =	shalt  }
0x45: {  	_ =	shalt  }
0x46: {  	_ =	shalt  }
0x47: {  	_ =	shalt  }
0x48: {  	_ =	shalt  }
0x49: {  	_ =	shalt  }
0x4a: {  	_ =	shalt  }
0x4b: {  	_ =	shalt  }
0x4c: {  	_ =	shalt  }
0x4d: {  	_ =	shalt  }
0x4e: {  	_ =	shalt  }
0x4f: {  	_ =	shalt  }
0x50: {  	_ =	shalt  }
0x51: {  	_ =	shalt  }
0x52: {  	_ =	shalt  }
0x53: {  	_ =	shalt  }
0x54: {  	_ =	shalt  }
0x55: {  	_ =	shalt  }
0x56: {  	_ =	shalt  }
0x57: {  	_ =	shalt  }
0x58: {  	_ =	shalt  }
0x59: {  	_ =	shalt  }
0x5a: {  	_ =	shalt  }
0x5b: {  	_ =	shalt  }
0x5c: {  	_ =	shalt  }
0x5d: {  	_ =	shalt  }
0x5e: {  	_ =	shalt  }
0x5f: {  	_ =	shalt  }
0x60: {  	_ =	shalt  }
0x61: {  	_ =	shalt  }
0x62: {  	_ =	shalt  }
0x63: {  	_ =	shalt  }
0x64: {  	_ =	shalt  }
0x65: {  	_ =	shalt  }
0x66: {  	_ =	shalt  }
0x67: {  	_ =	shalt  }
0x68: {  	_ =	shalt  }
0x69: {  	_ =	shalt  }
0x6a: {  	_ =	shalt  }
0x6b: {  	_ =	shalt  }
0x6c: {  	_ =	shalt  }
0x6d: {  	_ =	shalt  }
0x6e: {  	_ =	shalt  }
0x6f: {  	_ =	shalt  }
0x70: {  	_ =	shalt  }
0x71: {  	_ =	shalt  }
0x72: {  	_ =	shalt  }
0x73: {  	_ =	shalt  }
0x74: {  	_ =	shalt  }
0x75: {  	_ =	shalt  }
0x76: {  	_ =	shalt  }
0x77: {  	_ =	shalt  }
0x78: {  	_ =	shalt  }
0x79: {  	_ =	shalt  }
0x7a: {  	_ =	shalt  }
0x7b: {  	_ =	shalt  }
0x7c: {  	_ =	shalt  }
0x7d: {  	_ =	shalt  }
0x7e: {  	_ =	shalt  }
0x7f: {  	_ =	shalt  }
0x80: {  	_ =	shalt  }
0x81: {  	_ =	shalt  }
0x82: {  	_ =	shalt  }
0x83: {  	_ =	shalt  }
0x84: {  	_ =	shalt  }
0x85: {  	_ =	shalt  }
0x86: {  	_ =	shalt  }
0x87: {  	_ =	shalt  }
.Lfunc_end0:
.L_simem_size_0:
called_computation.3_lowered:
.L_overlay_start_0:
0x88: {  	s2 =	sld [smem:$0x3FD9]  }
0x89: {  	s3 =	sld [smem:$0x3FFE];
	_ =	sdelay $0x1  }
0x8a: {  	s1 =	srdreg.scid  }
0x8b: {  	s0 =	sand.u32 $0x1, s1  }
0x8c: {  	s16 =	sshll.u32 s0, $0xA;
	s2 =	sadd.s32 s3, s2  }
0x8d: {  	s2 =	sadd.s32 s2, s16  }
0x8e: {  	[smem:$0x3FBB] =	sst s2  }
0x8f: {  	_ = 	snop  }
0x90: {  	(tm) =	ssettm $0x1  }
0x91: {  	s17 =	sld [smem:$0x3FFB];
	_ =	sdelay $0x3  }
0x92: {  	_ =	strace s17  }
0x93: {  	s2 =	sld [smem:$0x3FFC];
	_ =	sdelay $0x3  }
0x94: {  	_ =	strace s2  }
0x95: {  	s2 =	sld [smem:$0x3FFD];
	_ =	sdelay $0x3  }
0x96: {  	_ =	strace s2  }
0x97: {  	_ =	strace $0x8FFFFFFF  }
0x98: {  	s18 =	sld [smem:$0x3FDB];
	_ =	sdelay $0x1  }
0x99: {  	s19 =	simm.s32 $_scs_section_size  }
0x9a: {  	s4 =	simm.s32 $_size__tile_overlayer_lowered;
	s5 =	simm.s32 $_tile_overlayer_lowered  }
0x9b: {  	s22 =	simm.s32 $0x1BFF;
	s21 =	sshll.u32 s5, $0x1;
	s2 =	sadd.s32 s19, s18  }
0x9c: {  	s6 =	simm.s32 $0x0;
	s20 =	sshll.u32 s4, $0x1;
	s4 =	sadd.s32 s21, s2  }
0x9d: {  	[timem:s6], [sflag:s22] =	dma.local [hbm:s4], s20  }
0x9e: {  	_ =	swait.ge [sflag:s22], s20  }
0x9f: {  	s3 =	ssub.s32 $0x0, s20;
	[sflag:s22] =	ssyncset.done $0x0  }
0xa0: {  	[sflag:s22] =	ssyncadd.s32 s3;
	_ =	sdelay $0x1  }
0xa1: {  	s23 =	simm.s32 $0x1B8B  }
0xa2: {  	_ =	swait.ge [sflag:s23], $0x1  }
0xa3: {  	[sflag:s23] =	ssyncset.done $0x0  }
0xa4: {  	s25 =	simm.s32 $0x1B8E;
	s24 =	sld [smem:$0x3FFE];
	[sflag:s23] =	ssyncadd.s32 $0xFFFFFFFF  }
0xa5: {  	s26 =	simm.s32 $execute0_lowered;
	[smem:$0x3FD2] =	sst s25  }
0xa6: {  	s4 =	sshll.u32 s26, $0x1;
	_ =	strace $0x8000004F;
	[dreg:$0x1] =	wrdreg $0xFFFFFFFF  }
0xa7: {  	s28 =	simm.s32 $_size_execute0_lowered;
	s2 =	sadd.s32 s2, s4;
	[dreg:$0x0] =	wrdreg $0x0  }
0xa8: {  	s4 =	sshll.u32 s28, $0x1;
	[dreg:$0x2] =	wrdreg s2  }
0xa9: {  	[dreg:$0x3] =	wrdreg s4  }
0xaa: {  	[dreg:$0x4] =	wrdreg $0xC0  }
0xab: {  	_ =	task [dreg:s6], $0x5FFFF  }
0xac: {  	[dreg:$0x1] =	wrdreg $0xFFFFFFFF  }
0xad: {  	[dreg:$0x0] =	wrdreg $0x60  }
0xae: {  	[dreg:$0x2] =	wrdreg s24  }
0xaf: {  	[dreg:$0x3] =	wrdreg $0x5A000  }
0xb0: {  	[dreg:$0x4] =	wrdreg $0x9  }
0xb1: {  	_ =	task.clear_ibuf [dreg:s6], $0x5FFFF;
	_ =	strace $0x9000004F  }
0xb2: {  	s29 =	simm.s32 $0x9;
	_ =	strace $0x80000051  }
0xb3: {  	_ =	swait.ge [sflag:s29], $0x1  }
0xb4: {  	[sflag:s29] =	ssyncadd.s32 $0xFFFFFFFF  }
0xb5: {  	_ =	strace $0x90000051  }
0xb6: {  	_ =	sfence  }
0xb7: {  	s30 =	sld [smem:$0x0];
	_ =	sdelay $0x2  }
0xb8: {  	s31 =	sshll.u32 s1, $0xD;
	s1 =	sshrl.u32 s1, $0x2  }
0xb9: {  	s3 =	sand.u32 $0x4000, s31;
	s1 =	sadd.s32 s1, s30  }
0xba: {  	s0 =	sor.u32 s3, s0;
	s1 =	sshll.u32 s1, $0x11  }
0xbb: {  	s0 =	sor.u32 s1, s0  }
0xbc: {  	s0 =	sadd.s32 $0x8F2B, s0  }
0xbd: {  	[sflag:s0] =	ssyncadd.remote.s32 $0x1  }
0xbe: {  	_ =	sfence.sel $0xFFFF  }
0xbf: {  	[dreg:$0x0] =	wrdreg $0xFFFFFFFF;
	(pc) =	sbr.abs _section_cstart, $3  }
0xc0: {  	[dreg:$0x1] =	wrdreg $0xFFFFFFFF  }
0xc1: {  	_ =	task.clear_ibuf [dreg:s6], $0x2FFFF;
	_ =	strace $0x9FFFFFFF  }
0xc2: {  	(tm) =	ssettm $0x7FFFFFFF  }
0xc3: {  	_ =	shalt  }
tec
execute0_lowered:
.L_overlay_start_1:
0x0: {  	(tag) =	ssettag $0x1  }
0x1: {  	s0 =	rddreg [dreg:$0x0]  }
0x2: {  	s1 =	rddreg [dreg:$0x1];
	s2 =	srdreg.scid;
	s4 =	simm.s32 $0x0  }
0x3: {  	s7 =	stileid.u32;
	s28 =	simm.s32 $0x7600;
	s30 =	simm.s32 $0x7E00  }
0x4: {  	s31 =	simm.s32 $0x9600;
	s29 =	simm.s32 $0x1;
	s9 =	simm.s32 $0x6  }
0x5: {  	s10 =	simm.s32 $0x7;
	s11 =	simm.s32 $0x8;
	s2 =	sand.u32 $0x1, s2  }
0x6: {  	[smem:$0x7FF] =	sst s4;
	s6 =	smul.u32 $0x2800, s7;
	s4 =	sadd.s32 $0xC800, s0  }
0x7: {  	s3 =	sshll.u32 s2, $0x4;
	s5 =	smul.u32 $0x28000, s2;
	s2 =	ssub.s32 $0x2, s2  }
0x8: {  	s3 =	sor.u32 s7, s3;
	s7 =	smul.u32 $0x5000, s7;
	s8 =	sshrl.u32 s2, $0x1  }
0x9: {  	_ =	strace $0x80000050;
	s3 =	smul.u32 $0x500, s3;
	s2 =	ssub.s32 s2, s8  }
0xa: {  	s5 =	sadd.s32 s6, s5;
	s14 =	sshrl.u32 s7, $0x2;
	s2 =	smax.u32 s2, $0x1  }
0xb: {  	s3 =	sadd.s32 s3, s0;
	s7 =	sadd.s32 s14, s1;
	[dreg:$0x7] =	wrdreg s2  }
0xc: {  	s5 =	sshrl.u32 s5, $0x4;
	s15 =	sadd.s32 $0x2800, s3;
	[dreg:$0x3] =	wrdreg s7  }
0xd: {  	s0 =	sadd.s32 s5, s0;
	s3 =	sadd.s32 $0x16800, s3;
	[dreg:$0x4] =	wrdreg s15  }
0xe: {  	s12 =	simm.s32 $0x9;
	s0 =	sadd.s32 $0xF000, s0;
	[dreg:$0x5] =	wrdreg s3  }
0xf: {  	s13 =	simm.s32 $0xA;
	s18 =	sadd.s32 $0x200, s7;
	[dreg:$0x6] =	wrdreg s0  }
0x10: {  	s16 =	sshrl.u32 s6, $0x1;
	s19 =	sadd.s32 $0x400, s7;
	[dreg:$0x8] =	wrdreg s18  }
0x11: {  	s17 =	sadd.s32 s16, s1;
	s20 =	sadd.s32 $0x600, s7;
	[dreg:$0x9] =	wrdreg s19  }
0x12: {  	s6 =	simm.s32 $0x3;
	s21 =	sadd.s32 $0x800, s7;
	[dreg:$0xa] =	wrdreg s20  }
0x13: {  	s8 =	simm.s32 $0x5;
	s22 =	sadd.s32 $0xA00, s7;
	[dreg:$0xb] =	wrdreg s21  }
0x14: {  	s16 =	simm.s32 $0xD;
	s23 =	sadd.s32 $0xC00, s7;
	[dreg:$0xc] =	wrdreg s22  }
0x15: {  	s2 =	simm.s32 $0x2;
	s24 =	sadd.s32 $0xE00, s7;
	[dreg:$0xd] =	wrdreg s23  }
0x16: {  	s14 =	simm.s32 $0xB;
	s25 =	sadd.s32 $0x1000, s7;
	[dreg:$0xe] =	wrdreg s24  }
0x17: {  	s5 =	simm.s32 $0x0;
	s26 =	sadd.s32 $0x1200, s7;
	[dreg:$0xf] =	wrdreg s25  }
0x18: {  	s7 =	simm.s32 $0x4;
	[dreg:$0x10] =	wrdreg s26;
	s20 =	simm.s32 $0x11  }
0x19: {  	s22 =	simm.s32 $0x100;
	s23 =	simm.s32 $0x5000;
	s24 =	simm.s32 $0x6E00  }
0x1a: {  	s0 =	sshrl.u32 s17, $0x3;
	s26 =	simm.s32 $0x8E00;
	s21 =	simm.s32 $0x9E00  }
0x1b: {  	s15 =	simm.s32 $0xC;
	s17 =	simm.s32 $0xE;
	s18 =	simm.s32 $0xF  }
0x1c: {  	s25 =	simm.s32 $0x10;
	[dreg:$0x11] =	wrdreg s0;
	s0 =	simm.s32 $0x8600  }
.LBB2_1:
0x1d: {  	[dreg:$0x12] =	wrdreg s5  }
0x1e: {  	s3 =	rddreg [dreg:$0x3];
	s5 =	simm.s32 $0x5800  }
0x1f: {  	[spmem:s3] =	stream.linear.scatter [tilespmem:s5], [sflag:$0x11], $0x200, $0x38;
	[tilespmem:$0xA600] =	vst v63  }
0x20: {  	_ =	swait.ge [sflag:s20], $0x200  }
0x21: {  	[sflag:s20] =	ssyncset.done $0x0  }
0x22: {  	s19 =	rddreg [dreg:$0x8];
	[sflag:s20] =	ssyncadd.s32 $0xFFFFFE00  }
0x23: {  	[spmem:s19] =	stream.linear.scatter [tilespmem:s5], [sflag:$0x11], $0x200, $0x38;
	[tilespmem:$0xA600] =	vst v63  }
0x24: {  	_ =	swait.ge [sflag:s20], $0x200  }
0x25: {  	[sflag:s20] =	ssyncset.done $0x0  }
0x26: {  	s19 =	rddreg [dreg:$0x9];
	[sflag:s20] =	ssyncadd.s32 $0xFFFFFE00  }
0x27: {  	[spmem:s19] =	stream.linear.scatter [tilespmem:s5], [sflag:$0x11], $0x200, $0x38;
	[tilespmem:$0xA600] =	vst v63  }
0x28: {  	_ =	swait.ge [sflag:s20], $0x200  }
0x29: {  	[sflag:s20] =	ssyncset.done $0x0  }
0x2a: {  	s19 =	rddreg [dreg:$0xa];
	[sflag:s20] =	ssyncadd.s32 $0xFFFFFE00  }
0x2b: {  	[spmem:s19] =	stream.linear.scatter [tilespmem:s5], [sflag:$0x11], $0x200, $0x38;
	[tilespmem:$0xA600] =	vst v63  }
0x2c: {  	_ =	swait.ge [sflag:s20], $0x200  }
0x2d: {  	[sflag:s20] =	ssyncset.done $0x0  }
0x2e: {  	s19 =	rddreg [dreg:$0xb];
	[sflag:s20] =	ssyncadd.s32 $0xFFFFFE00  }
0x2f: {  	[spmem:s19] =	stream.linear.scatter [tilespmem:s5], [sflag:$0x11], $0x200, $0x38;
	[tilespmem:$0xA600] =	vst v63  }
0x30: {  	_ =	swait.ge [sflag:s20], $0x200  }
0x31: {  	[sflag:s20] =	ssyncset.done $0x0  }
0x32: {  	s19 =	rddreg [dreg:$0xc];
	[sflag:s20] =	ssyncadd.s32 $0xFFFFFE00  }
0x33: {  	[spmem:s19] =	stream.linear.scatter [tilespmem:s5], [sflag:$0x11], $0x200, $0x38;
	[tilespmem:$0xA600] =	vst v63  }
0x34: {  	_ =	swait.ge [sflag:s20], $0x200  }
0x35: {  	[sflag:s20] =	ssyncset.done $0x0  }
0x36: {  	s19 =	rddreg [dreg:$0xd];
	[sflag:s20] =	ssyncadd.s32 $0xFFFFFE00  }
0x37: {  	[spmem:s19] =	stream.linear.scatter [tilespmem:s5], [sflag:$0x11], $0x200, $0x38;
	[tilespmem:$0xA600] =	vst v63  }
0x38: {  	_ =	swait.ge [sflag:s20], $0x200  }
0x39: {  	[sflag:s20] =	ssyncset.done $0x0  }
0x3a: {  	s19 =	rddreg [dreg:$0xe];
	[sflag:s20] =	ssyncadd.s32 $0xFFFFFE00  }
0x3b: {  	[spmem:s19] =	stream.linear.scatter [tilespmem:s5], [sflag:$0x11], $0x200, $0x38;
	[tilespmem:$0xA600] =	vst v63  }
0x3c: {  	_ =	swait.ge [sflag:s20], $0x200  }
0x3d: {  	[sflag:s20] =	ssyncset.done $0x0  }
0x3e: {  	s19 =	rddreg [dreg:$0xf];
	[sflag:s20] =	ssyncadd.s32 $0xFFFFFE00  }
0x3f: {  	[spmem:s19] =	stream.linear.scatter [tilespmem:s5], [sflag:$0x11], $0x200, $0x38;
	[tilespmem:$0xA600] =	vst v63  }
0x40: {  	_ =	swait.ge [sflag:s20], $0x200  }
0x41: {  	[sflag:s20] =	ssyncset.done $0x0  }
0x42: {  	s19 =	rddreg [dreg:$0x10];
	[sflag:s20] =	ssyncadd.s32 $0xFFFFFE00  }
0x43: {  	[spmem:s19] =	stream.linear.scatter [tilespmem:s5], [sflag:$0x11], $0x200, $0x38;
	[tilespmem:$0xA600] =	vst v63  }
0x44: {  	_ =	swait.ge [sflag:s20], $0x200  }
0x45: {  	s3 =	simm.s32 $0x0;
	[sflag:s20] =	ssyncset.done $0x0  }
0x46: {  	s19 =	simm.s32 $0x2800;
	s5 =	rddreg [dreg:$0x4];
	[sflag:s20] =	ssyncadd.s32 $0xFFFFFE00  }
0x47: {  	[tilespmem:s19], [sflag:$0x11] =	stream.linear.gather [hbm4b:s5+s3], $0x2800, $0x38;
	[tilespmem:$0xA600] =	vst v63  }
0x48: {  	_ =	swait.ge [sflag:s20], $0x2800  }
0x49: {  	[sflag:s20] =	ssyncset.done $0x0  }
0x4a: {  	s19 =	rddreg [dreg:$0x5];
	[sflag:s20] =	ssyncadd.s32 $0xFFFFD800  }
0x4b: {  	[tilespmem:s3], [sflag:$0x11] =	stream.linear.gather [hbm4b:s19+s3], $0x2800, $0x38;
	[tilespmem:$0xA600] =	vst v63  }
0x4c: {  	_ =	swait.ge [sflag:s20], $0x2800  }
0x4d: {  	[sflag:s20] =	ssyncset.done $0x0  }
0x4e: {  	[sflag:s20] =	ssyncadd.s32 $0xFFFFD800  }
0x4f: {  	[bflag:$0x0] =	sbarrier.arrive $0xFFFF  }
0x50: {  	[tilespmem:s23], [sflag:$0x1] =	stream.indirect.gather [hbm4b:s4+s22], $0x8, s3, s22, $0xb8;
	[tilespmem:$0xA600] =	vst v63  }
0x51: {  	_ = 	snop  }
0x52: {  	[tilespmem:s24], [sflag:$0x2] =	stream.indirect.gather [hbm4b:s4+s22], $0x8, s22, s22, $0xb8;
	[tilespmem:$0xA600] =	vst v63  }
0x53: {  	s19 =	simm.s32 $0x200  }
0x54: {  	[tilespmem:s28], [sflag:$0x3] =	stream.indirect.gather [hbm4b:s4+s22], $0x8, s19, s22, $0xb8;
	[tilespmem:$0xA600] =	vst v63  }
0x55: {  	s5 =	simm.s32 $0x300  }
0x56: {  	[tilespmem:s30], [sflag:$0x4] =	stream.indirect.gather [hbm4b:s4+s22], $0x8, s5, s22, $0xb8;
	[tilespmem:$0xA600] =	vst v63  }
0x57: {  	s19 =	simm.s32 $0x400  }
0x58: {  	[tilespmem:s0], [sflag:$0x5] =	stream.indirect.gather [hbm4b:s4+s22], $0x8, s19, s22, $0xb8;
	[tilespmem:$0xA600] =	vst v63  }
0x59: {  	s5 =	simm.s32 $0x500  }
0x5a: {  	[tilespmem:s26], [sflag:$0x6] =	stream.indirect.gather [hbm4b:s4+s22], $0x8, s5, s22, $0xb8;
	[tilespmem:$0xA600] =	vst v63  }
0x5b: {  	s19 =	simm.s32 $0x600  }
0x5c: {  	[tilespmem:s31], [sflag:$0x7] =	stream.indirect.gather [hbm4b:s4+s22], $0x8, s19, s22, $0xb8;
	[tilespmem:$0xA600] =	vst v63  }
0x5d: {  	s5 =	simm.s32 $0x700  }
0x5e: {  	[tilespmem:s21], [sflag:$0x8] =	stream.indirect.gather [hbm4b:s4+s22], $0x8, s5, s22, $0xb8;
	[tilespmem:$0xA600] =	vst v63  }
0x5f: {  	_ =	swait.ge [sflag:s29], $0x800  }
0x60: {  	[sflag:s29] =	ssyncset.done $0x0  }
0x61: {  	s19 =	simm.s32 $0x2800;
	[sflag:s29] =	ssyncadd.s32 $0xFFFFF800  }
0x62: {  	[spmem:s1] =	stream.indirect.scatter.add.bf16 [tilespmem:s23], [sflag:$0x9], $0x8, s19, s22, $0xb8;
	[tilespmem:$0xA600] =	vst v63  }
0x63: {  	_ =	swait.ge [sflag:s2], $0x800  }
0x64: {  	[sflag:s2] =	ssyncset.done $0x0  }
0x65: {  	s5 =	simm.s32 $0x2900;
	[sflag:s2] =	ssyncadd.s32 $0xFFFFF800  }
0x66: {  	[spmem:s1] =	stream.indirect.scatter.add.bf16 [tilespmem:s24], [sflag:$0xA], $0x8, s5, s22, $0xb8;
	[tilespmem:$0xA600] =	vst v63  }
0x67: {  	_ =	swait.ge [sflag:s6], $0x800  }
0x68: {  	[sflag:s6] =	ssyncset.done $0x0  }
0x69: {  	s19 =	simm.s32 $0x2A00;
	[sflag:s6] =	ssyncadd.s32 $0xFFFFF800  }
0x6a: {  	[spmem:s1] =	stream.indirect.scatter.add.bf16 [tilespmem:s28], [sflag:$0xB], $0x8, s19, s22, $0xb8;
	[tilespmem:$0xA600] =	vst v63  }
0x6b: {  	_ =	swait.ge [sflag:s7], $0x800  }
0x6c: {  	[sflag:s7] =	ssyncset.done $0x0  }
0x6d: {  	s5 =	simm.s32 $0x2B00;
	[sflag:s7] =	ssyncadd.s32 $0xFFFFF800  }
0x6e: {  	[spmem:s1] =	stream.indirect.scatter.add.bf16 [tilespmem:s30], [sflag:$0xC], $0x8, s5, s22, $0xb8;
	[tilespmem:$0xA600] =	vst v63  }
0x6f: {  	_ =	swait.ge [sflag:s8], $0x800  }
0x70: {  	[sflag:s8] =	ssyncset.done $0x0  }
0x71: {  	s19 =	simm.s32 $0x2C00;
	[sflag:s8] =	ssyncadd.s32 $0xFFFFF800  }
0x72: {  	[spmem:s1] =	stream.indirect.scatter.add.bf16 [tilespmem:s0], [sflag:$0xD], $0x8, s19, s22, $0xb8;
	[tilespmem:$0xA600] =	vst v63  }
0x73: {  	_ =	swait.ge [sflag:s9], $0x800  }
0x74: {  	[sflag:s9] =	ssyncset.done $0x0  }
0x75: {  	s5 =	simm.s32 $0x2D00;
	[sflag:s9] =	ssyncadd.s32 $0xFFFFF800  }
0x76: {  	[spmem:s1] =	stream.indirect.scatter.add.bf16 [tilespmem:s26], [sflag:$0xE], $0x8, s5, s22, $0xb8;
	[tilespmem:$0xA600] =	vst v63  }
0x77: {  	_ =	swait.ge [sflag:s10], $0x800  }
0x78: {  	[sflag:s10] =	ssyncset.done $0x0  }
0x79: {  	s19 =	simm.s32 $0x2E00;
	[sflag:s10] =	ssyncadd.s32 $0xFFFFF800  }
0x7a: {  	[spmem:s1] =	stream.indirect.scatter.add.bf16 [tilespmem:s31], [sflag:$0xF], $0x8, s19, s22, $0xb8;
	[tilespmem:$0xA600] =	vst v63  }
0x7b: {  	_ =	swait.ge [sflag:s11], $0x800  }
0x7c: {  	[sflag:s11] =	ssyncset.done $0x0  }
0x7d: {  	s5 =	simm.s32 $0x2F00;
	[sflag:s11] =	ssyncadd.s32 $0xFFFFF800  }
0x7e: {  	[spmem:s1] =	stream.indirect.scatter.add.bf16 [tilespmem:s21], [sflag:$0x10], $0x8, s5, s22, $0xb8;
	[tilespmem:$0xA600] =	vst v63  }
0x7f: {  	_ =	swait.ge [sflag:s12], $0x800  }
0x80: {  	[sflag:s12] =	ssyncset.done $0x0  }
0x81: {  	s19 =	simm.s32 $0x800;
	[sflag:s12] =	ssyncadd.s32 $0xFFFFF800  }
0x82: {  	[tilespmem:s23], [sflag:$0x1] =	stream.indirect.gather [hbm4b:s4+s22], $0x8, s19, s22, $0xb8;
	[tilespmem:$0xA600] =	vst v63  }
0x83: {  	_ =	swait.ge [sflag:s13], $0x800  }
0x84: {  	[sflag:s13] =	ssyncset.done $0x0  }
0x85: {  	s5 =	simm.s32 $0x900;
	[sflag:s13] =	ssyncadd.s32 $0xFFFFF800  }
0x86: {  	[tilespmem:s24], [sflag:$0x2] =	stream.indirect.gather [hbm4b:s4+s22], $0x8, s5, s22, $0xb8;
	[tilespmem:$0xA600] =	vst v63  }
0x87: {  	_ =	swait.ge [sflag:s14], $0x800  }
0x88: {  	[sflag:s14] =	ssyncset.done $0x0  }
0x89: {  	s19 =	simm.s32 $0xA00;
	[sflag:s14] =	ssyncadd.s32 $0xFFFFF800  }
0x8a: {  	[tilespmem:s28], [sflag:$0x3] =	stream.indirect.gather [hbm4b:s4+s22], $0x8, s19, s22, $0xb8;
	[tilespmem:$0xA600] =	vst v63  }
0x8b: {  	_ =	swait.ge [sflag:s15], $0x800  }
0x8c: {  	[sflag:s15] =	ssyncset.done $0x0  }
0x8d: {  	s5 =	simm.s32 $0xB00;
	[sflag:s15] =	ssyncadd.s32 $0xFFFFF800  }
0x8e: {  	[tilespmem:s30], [sflag:$0x4] =	stream.indirect.gather [hbm4b:s4+s22], $0x8, s5, s22, $0xb8;
	[tilespmem:$0xA600] =	vst v63  }
0x8f: {  	_ =	swait.ge [sflag:s16], $0x800  }
0x90: {  	[sflag:s16] =	ssyncset.done $0x0  }
0x91: {  	s19 =	simm.s32 $0xC00;
	[sflag:s16] =	ssyncadd.s32 $0xFFFFF800  }
0x92: {  	[tilespmem:s0], [sflag:$0x5] =	stream.indirect.gather [hbm4b:s4+s22], $0x8, s19, s22, $0xb8;
	[tilespmem:$0xA600] =	vst v63  }
0x93: {  	_ =	swait.ge [sflag:s17], $0x800  }
0x94: {  	[sflag:s17] =	ssyncset.done $0x0  }
0x95: {  	s5 =	simm.s32 $0xD00;
	[sflag:s17] =	ssyncadd.s32 $0xFFFFF800  }
0x96: {  	[tilespmem:s26], [sflag:$0x6] =	stream.indirect.gather [hbm4b:s4+s22], $0x8, s5, s22, $0xb8;
	[tilespmem:$0xA600] =	vst v63  }
0x97: {  	_ =	swait.ge [sflag:s18], $0x800  }
0x98: {  	[sflag:s18] =	ssyncset.done $0x0  }
0x99: {  	s19 =	simm.s32 $0xE00;
	[sflag:s18] =	ssyncadd.s32 $0xFFFFF800  }
0x9a: {  	[tilespmem:s31], [sflag:$0x7] =	stream.indirect.gather [hbm4b:s4+s22], $0x8, s19, s22, $0xb8;
	[tilespmem:$0xA600] =	vst v63  }
0x9b: {  	_ =	swait.ge [sflag:s25], $0x800  }
0x9c: {  	[sflag:s25] =	ssyncset.done $0x0  }
0x9d: {  	s3 =	simm.s32 $0x2000;
	s19 =	simm.s32 $0xF00;
	[sflag:s25] =	ssyncadd.s32 $0xFFFFF800  }
.LBB2_2:
0x9e: {  	[tilespmem:s21], [sflag:$0x8] =	stream.indirect.gather [hbm4b:s4+s22], $0x8, s19, s22, $0xb8;
	[tilespmem:$0xA600] =	vst v63  }
0x9f: {  	s19 =	smov.u32 s3  }
0xa0: {  	p0 =	sne.s32 s3, $0x6000;
	s3 =	sadd.s32 $0x2000, s3;
	_ =	swait.ge [sflag:s29], $0x800  }
0xa1: {  	s19 =	sshra.s32 s19, $0x2;
	[sflag:s29] =	ssyncset.done $0x0  }
0xa2: {  	s5 =	sadd.s32 $0x2800, s19;
	[sflag:s29] =	ssyncadd.s32 $0xFFFFF800  }
0xa3: {  	[spmem:s1] =	stream.indirect.scatter.add.bf16 [tilespmem:s23], [sflag:$0x9], $0x8, s5, s22, $0xb8;
	[tilespmem:$0xA600] =	vst v63  }
0xa4: {  	_ =	swait.ge [sflag:s2], $0x800  }
0xa5: {  	[sflag:s2] =	ssyncset.done $0x0  }
0xa6: {  	s5 =	sadd.s32 $0x2900, s19;
	[sflag:s2] =	ssyncadd.s32 $0xFFFFF800  }
0xa7: {  	[spmem:s1] =	stream.indirect.scatter.add.bf16 [tilespmem:s24], [sflag:$0xA], $0x8, s5, s22, $0xb8;
	[tilespmem:$0xA600] =	vst v63  }
0xa8: {  	_ =	swait.ge [sflag:s6], $0x800  }
0xa9: {  	[sflag:s6] =	ssyncset.done $0x0  }
0xaa: {  	s5 =	sadd.s32 $0x2A00, s19;
	[sflag:s6] =	ssyncadd.s32 $0xFFFFF800  }
0xab: {  	[spmem:s1] =	stream.indirect.scatter.add.bf16 [tilespmem:s28], [sflag:$0xB], $0x8, s5, s22, $0xb8;
	[tilespmem:$0xA600] =	vst v63  }
0xac: {  	_ =	swait.ge [sflag:s7], $0x800  }
0xad: {  	[sflag:s7] =	ssyncset.done $0x0  }
0xae: {  	s5 =	sadd.s32 $0x2B00, s19;
	[sflag:s7] =	ssyncadd.s32 $0xFFFFF800  }
0xaf: {  	[spmem:s1] =	stream.indirect.scatter.add.bf16 [tilespmem:s30], [sflag:$0xC], $0x8, s5, s22, $0xb8;
	[tilespmem:$0xA600] =	vst v63  }
0xb0: {  	_ =	swait.ge [sflag:s8], $0x800  }
0xb1: {  	[sflag:s8] =	ssyncset.done $0x0  }
0xb2: {  	s5 =	sadd.s32 $0x2C00, s19;
	[sflag:s8] =	ssyncadd.s32 $0xFFFFF800  }
0xb3: {  	[spmem:s1] =	stream.indirect.scatter.add.bf16 [tilespmem:s0], [sflag:$0xD], $0x8, s5, s22, $0xb8;
	[tilespmem:$0xA600] =	vst v63  }
0xb4: {  	_ =	swait.ge [sflag:s9], $0x800  }
0xb5: {  	[sflag:s9] =	ssyncset.done $0x0  }
0xb6: {  	s5 =	sadd.s32 $0x2D00, s19;
	[sflag:s9] =	ssyncadd.s32 $0xFFFFF800  }
0xb7: {  	[spmem:s1] =	stream.indirect.scatter.add.bf16 [tilespmem:s26], [sflag:$0xE], $0x8, s5, s22, $0xb8;
	[tilespmem:$0xA600] =	vst v63  }
0xb8: {  	_ =	swait.ge [sflag:s10], $0x800  }
0xb9: {  	[sflag:s10] =	ssyncset.done $0x0  }
0xba: {  	s5 =	sadd.s32 $0x2E00, s19;
	[sflag:s10] =	ssyncadd.s32 $0xFFFFF800  }
0xbb: {  	[spmem:s1] =	stream.indirect.scatter.add.bf16 [tilespmem:s31], [sflag:$0xF], $0x8, s5, s22, $0xb8;
	[tilespmem:$0xA600] =	vst v63  }
0xbc: {  	_ =	swait.ge [sflag:s11], $0x800  }
0xbd: {  	[sflag:s11] =	ssyncset.done $0x0  }
0xbe: {  	s5 =	sadd.s32 $0x2F00, s19;
	[sflag:s11] =	ssyncadd.s32 $0xFFFFF800  }
0xbf: {  	[spmem:s1] =	stream.indirect.scatter.add.bf16 [tilespmem:s21], [sflag:$0x10], $0x8, s5, s22, $0xb8;
	[tilespmem:$0xA600] =	vst v63  }
0xc0: {  	_ =	swait.ge [sflag:s12], $0x800  }
0xc1: {  	[sflag:s12] =	ssyncset.done $0x0  }
0xc2: {  	s5 =	sadd.s32 $0x800, s19;
	[sflag:s12] =	ssyncadd.s32 $0xFFFFF800  }
0xc3: {  	[tilespmem:s23], [sflag:$0x1] =	stream.indirect.gather [hbm4b:s4+s22], $0x8, s5, s22, $0xb8;
	[tilespmem:$0xA600] =	vst v63  }
0xc4: {  	_ =	swait.ge [sflag:s13], $0x800  }
0xc5: {  	[sflag:s13] =	ssyncset.done $0x0  }
0xc6: {  	s5 =	sadd.s32 $0x900, s19;
	[sflag:s13] =	ssyncadd.s32 $0xFFFFF800  }
0xc7: {  	[tilespmem:s24], [sflag:$0x2] =	stream.indirect.gather [hbm4b:s4+s22], $0x8, s5, s22, $0xb8;
	[tilespmem:$0xA600] =	vst v63  }
0xc8: {  	_ =	swait.ge [sflag:s14], $0x800  }
0xc9: {  	[sflag:s14] =	ssyncset.done $0x0  }
0xca: {  	s5 =	sadd.s32 $0xA00, s19;
	[sflag:s14] =	ssyncadd.s32 $0xFFFFF800  }
0xcb: {  	[tilespmem:s28], [sflag:$0x3] =	stream.indirect.gather [hbm4b:s4+s22], $0x8, s5, s22, $0xb8;
	[tilespmem:$0xA600] =	vst v63  }
0xcc: {  	_ =	swait.ge [sflag:s15], $0x800  }
0xcd: {  	[sflag:s15] =	ssyncset.done $0x0  }
0xce: {  	s5 =	sadd.s32 $0xB00, s19;
	[sflag:s15] =	ssyncadd.s32 $0xFFFFF800  }
0xcf: {  	[tilespmem:s30], [sflag:$0x4] =	stream.indirect.gather [hbm4b:s4+s22], $0x8, s5, s22, $0xb8;
	[tilespmem:$0xA600] =	vst v63  }
0xd0: {  	_ =	swait.ge [sflag:s16], $0x800  }
0xd1: {  	[sflag:s16] =	ssyncset.done $0x0  }
0xd2: {  	s5 =	sadd.s32 $0xC00, s19;
	[sflag:s16] =	ssyncadd.s32 $0xFFFFF800  }
0xd3: {  	[tilespmem:s0], [sflag:$0x5] =	stream.indirect.gather [hbm4b:s4+s22], $0x8, s5, s22, $0xb8;
	[tilespmem:$0xA600] =	vst v63  }
0xd4: {  	_ =	swait.ge [sflag:s17], $0x800  }
0xd5: {  	[sflag:s17] =	ssyncset.done $0x0  }
0xd6: {  	s5 =	sadd.s32 $0xD00, s19;
	[sflag:s17] =	ssyncadd.s32 $0xFFFFF800  }
0xd7: {  	[tilespmem:s26], [sflag:$0x6] =	stream.indirect.gather [hbm4b:s4+s22], $0x8, s5, s22, $0xb8;
	[tilespmem:$0xA600] =	vst v63  }
0xd8: {  	_ =	swait.ge [sflag:s18], $0x800  }
0xd9: {  	[sflag:s18] =	ssyncset.done $0x0  }
.Ltmp0:
0xda: {  	s5 =	sadd.s32 $0xE00, s19;
	[sflag:s18] =	ssyncadd.s32 $0xFFFFF800;
	(pc) =	sbr.rel @p0 .LBB2_2-.Ltmp0, $4  }
0xdb: {  	[tilespmem:s31], [sflag:$0x7] =	stream.indirect.gather [hbm4b:s4+s22], $0x8, s5, s22, $0xb8;
	[tilespmem:$0xA600] =	vst v63  }
0xdc: {  	_ =	swait.ge [sflag:s25], $0x800  }
0xdd: {  	[sflag:s25] =	ssyncset.done $0x0  }
0xde: {  	s19 =	sadd.s32 $0xF00, s19;
	[sflag:s25] =	ssyncadd.s32 $0xFFFFF800  }
0xdf: {  	[tilespmem:s21], [sflag:$0x8] =	stream.indirect.gather [hbm4b:s4+s22], $0x8, s19, s22, $0xb8;
	[tilespmem:$0xA600] =	vst v63  }
0xe0: {  	_ =	swait.ge [sflag:s29], $0x800  }
0xe1: {  	[sflag:s29] =	ssyncset.done $0x0  }
0xe2: {  	s3 =	simm.s32 $0x4800;
	[sflag:s29] =	ssyncadd.s32 $0xFFFFF800  }
0xe3: {  	[spmem:s1] =	stream.indirect.scatter.add.bf16 [tilespmem:s23], [sflag:$0x9], $0x8, s3, s22, $0xb8;
	[tilespmem:$0xA600] =	vst v63  }
0xe4: {  	_ =	swait.ge [sflag:s2], $0x800  }
0xe5: {  	[sflag:s2] =	ssyncset.done $0x0  }
0xe6: {  	s5 =	simm.s32 $0x4900;
	[sflag:s2] =	ssyncadd.s32 $0xFFFFF800  }
0xe7: {  	[spmem:s1] =	stream.indirect.scatter.add.bf16 [tilespmem:s24], [sflag:$0xA], $0x8, s5, s22, $0xb8;
	[tilespmem:$0xA600] =	vst v63  }
0xe8: {  	_ =	swait.ge [sflag:s6], $0x800  }
0xe9: {  	[sflag:s6] =	ssyncset.done $0x0  }
0xea: {  	s19 =	simm.s32 $0x4A00;
	[sflag:s6] =	ssyncadd.s32 $0xFFFFF800  }
0xeb: {  	[spmem:s1] =	stream.indirect.scatter.add.bf16 [tilespmem:s28], [sflag:$0xB], $0x8, s19, s22, $0xb8;
	[tilespmem:$0xA600] =	vst v63  }
0xec: {  	_ =	swait.ge [sflag:s7], $0x800  }
0xed: {  	[sflag:s7] =	ssyncset.done $0x0  }
0xee: {  	s5 =	simm.s32 $0x4B00;
	[sflag:s7] =	ssyncadd.s32 $0xFFFFF800  }
0xef: {  	[spmem:s1] =	stream.indirect.scatter.add.bf16 [tilespmem:s30], [sflag:$0xC], $0x8, s5, s22, $0xb8;
	[tilespmem:$0xA600] =	vst v63  }
0xf0: {  	_ =	swait.ge [sflag:s8], $0x800  }
0xf1: {  	[sflag:s8] =	ssyncset.done $0x0  }
0xf2: {  	s19 =	simm.s32 $0x4C00;
	[sflag:s8] =	ssyncadd.s32 $0xFFFFF800  }
0xf3: {  	[spmem:s1] =	stream.indirect.scatter.add.bf16 [tilespmem:s0], [sflag:$0xD], $0x8, s19, s22, $0xb8;
	[tilespmem:$0xA600] =	vst v63  }
0xf4: {  	_ =	swait.ge [sflag:s9], $0x800  }
0xf5: {  	[sflag:s9] =	ssyncset.done $0x0  }
0xf6: {  	s5 =	simm.s32 $0x4D00;
	[sflag:s9] =	ssyncadd.s32 $0xFFFFF800  }
0xf7: {  	[spmem:s1] =	stream.indirect.scatter.add.bf16 [tilespmem:s26], [sflag:$0xE], $0x8, s5, s22, $0xb8;
	[tilespmem:$0xA600] =	vst v63  }
0xf8: {  	_ =	swait.ge [sflag:s10], $0x800  }
0xf9: {  	[sflag:s10] =	ssyncset.done $0x0  }
0xfa: {  	s19 =	simm.s32 $0x4E00;
	[sflag:s10] =	ssyncadd.s32 $0xFFFFF800  }
0xfb: {  	[spmem:s1] =	stream.indirect.scatter.add.bf16 [tilespmem:s31], [sflag:$0xF], $0x8, s19, s22, $0xb8;
	[tilespmem:$0xA600] =	vst v63  }
0xfc: {  	_ =	swait.ge [sflag:s11], $0x800  }
0xfd: {  	[sflag:s11] =	ssyncset.done $0x0  }
0xfe: {  	s5 =	simm.s32 $0x4F00;
	[sflag:s11] =	ssyncadd.s32 $0xFFFFF800  }
0xff: {  	[spmem:s1] =	stream.indirect.scatter.add.bf16 [tilespmem:s21], [sflag:$0x10], $0x8, s5, s22, $0xb8;
	[tilespmem:$0xA600] =	vst v63  }
0x100: {  	_ =	swait.ge [sflag:s12], $0x800  }
0x101: {  	[sflag:s12] =	ssyncset.done $0x0  }
0x102: {  	[sflag:s12] =	ssyncadd.s32 $0xFFFFF800  }
0x103: {  	_ =	swait.ge [sflag:s13], $0x800  }
0x104: {  	[sflag:s13] =	ssyncset.done $0x0  }
0x105: {  	[sflag:s13] =	ssyncadd.s32 $0xFFFFF800  }
0x106: {  	_ =	swait.ge [sflag:s14], $0x800  }
0x107: {  	[sflag:s14] =	ssyncset.done $0x0  }
0x108: {  	[sflag:s14] =	ssyncadd.s32 $0xFFFFF800  }
0x109: {  	_ =	swait.ge [sflag:s15], $0x800  }
0x10a: {  	[sflag:s15] =	ssyncset.done $0x0  }
0x10b: {  	[sflag:s15] =	ssyncadd.s32 $0xFFFFF800  }
0x10c: {  	_ =	swait.ge [sflag:s16], $0x800  }
0x10d: {  	[sflag:s16] =	ssyncset.done $0x0  }
0x10e: {  	[sflag:s16] =	ssyncadd.s32 $0xFFFFF800  }
0x10f: {  	_ =	swait.ge [sflag:s17], $0x800  }
0x110: {  	[sflag:s17] =	ssyncset.done $0x0  }
0x111: {  	[sflag:s17] =	ssyncadd.s32 $0xFFFFF800  }
0x112: {  	_ =	swait.ge [sflag:s18], $0x800  }
0x113: {  	[sflag:s18] =	ssyncset.done $0x0  }
0x114: {  	[sflag:s18] =	ssyncadd.s32 $0xFFFFF800  }
0x115: {  	_ =	swait.ge [sflag:s25], $0x800  }
0x116: {  	[sflag:s25] =	ssyncset.done $0x0  }
0x117: {  	[sflag:s25] =	ssyncadd.s32 $0xFFFFF800  }
0x118: {  	s19 =	stileid.u32;
	[bflag:$0x0] =	sbarrier.arrive $0xFFFF  }
0x119: {  	s3 =	sshll.u32 s19, $0x6;
	s5 =	rddreg [dreg:$0x6]  }
0x11a: {  	s3 =	sor.u32 $0x1C11, s3;
	s19 =	rddreg [dreg:$0x11]  }
0x11b: {  	[hbm:s5], [sflag:s3] =	dma.local [spmem:s19], $0x280  }
0x11c: {  	_ =	swait.ge [sflag:s20], $0x280  }
0x11d: {  	s3 =	rddreg [dreg:$0x12]  }
0x11e: {  	s19 =	rddreg [dreg:$0x7];
	s5 =	sadd.s32 $0x1, s3  }
0x11f: {  	p0 =	sne.s32 s5, s19  }
.Ltmp1:
0x120: {  	_ = 	snop;
	(pc) =	sbr.rel @p0 .LBB2_1-.Ltmp1, $3  }
0x121: {  	_ =	sdelay $0x1  }
0x122: {  	[sflag:s20] =	ssyncset.done $0x0  }
0x123: {  	[sflag:s20] =	ssyncadd.s32 $0xFFFFFD80  }
0x124: {  	_ =	sfence.sel $0x180000  }
0x125: {  	[bflag:$0x0] =	sbarrier.arrive $0xFFFF  }
0x126: {  	_ =	strace $0x90000050  }
0x127: {  	s0 =	stileid.u32;
	[bflag:$0x2] =	sbarrier.arrive $0xFFFF  }
0x128: {  	p0 =	sne.s32 s0, $0x0;
	s0 =	rddreg [dreg:$0x2]  }
0x129: {  	s0 =	sadd.s32 @!p0 $0x100000, s0  }
0x12a: {  	[sflag:s0] =	ssyncadd.tile.s32 @!p0 $0x1;
	_ =	shalt  }
.Lfunc_end2:
_tile_overlayer_lowered:
.L_overlay_start_2:
0x12b: {  	(tag) =	ssettag $0x2  }
0x12c: {  	s0 =	rddreg [dreg:$0x0];
	s2 =	stileid.u32  }
0x12d: {  	s1 =	rddreg [dreg:$0x1];
	p0 =	sne.s32 s2, $0x0  }
0x12e: {  	s3 =	rddreg [dreg:$0x2];
	[bflag:$0x3] =	sbarrier.arrive $0xFFFF;
	s2 =	simm.s32 @!p0 $0x1C11  }
0x12f: {  	[timem:s3], [sflag:s2] =	dma.local @!p0 [hbm:s0], s1  }
0x130: {  	s0 =	simm.s32 @!p0 $0x11  }
0x131: {  	_ =	swait.ge @!p0 [sflag:s0], s1  }
0x132: {  	s1 =	ssub.s32 @!p0 $0x0, s1;
	[sflag:s0] =	ssyncset.done @!p0 $0x0  }
0x133: {  	[sflag:s0] =	ssyncadd.s32 @!p0 s1  }
0x134: {  	[bflag:$0x3] =	sbarrier.arrive $0xFFFF  }
0x135: {  	_ =	shalt  }

</sc_bundles>
